<compile_context>
chip_gen: v7x
topology: tpu7x:2x2x1
jax: 0.10.2.dev20260603
libtpu: 0.0.44.dev20260713+nightly
codegen_flags: <defaults>
</compile_context>

<pallas_src>
import functools
import math

import jax
import jax.numpy as jnp
from jax import lax
from jax.experimental import pallas as pl
from jax.experimental.pallas import tpu as pltpu
from jax.experimental.pallas import tpu_sc as plsc

_LANES = 16
_NBUF = 4


@functools.lru_cache(maxsize=None)
def _make_emb_kernel(batch: int, d: int, num_workers: int, chunk: int):
    assert batch % num_workers == 0
    b_per_w = batch // num_workers
    assert b_per_w % chunk == 0
    n_chunks = b_per_w // chunk
    assert n_chunks % _NBUF == 0 and n_chunks >= 2 * _NBUF
    scale = math.sqrt(d)
    mesh = plsc.VectorSubcoreMesh(core_axis_name="c", subcore_axis_name="s")

    @functools.partial(
        pl.kernel,
        mesh=mesh,
        compiler_params=pltpu.CompilerParams(use_tc_tiling_on_sc=False),
        out_type=jax.ShapeDtypeStruct((batch, d), jnp.float32),
        scratch_types=[
            pltpu.VMEM((b_per_w,), jnp.int32),
            pltpu.VMEM((_NBUF, chunk, d), jnp.float32),
            [pltpu.SemaphoreType.DMA] * _NBUF,
            [pltpu.SemaphoreType.DMA] * _NBUF,
        ],
    )
    def emb(table_hbm, idx_hbm, out_hbm, idx_v, rows_v, gsems, wsems):
        wid = lax.axis_index("s") * 2 + lax.axis_index("c")
        base = wid * b_per_w
        pltpu.sync_copy(idx_hbm.at[pl.ds(base, b_per_w)], idx_v)

        def gather_desc(j, b):
            return pltpu.make_async_copy(
                table_hbm.at[idx_v.at[pl.ds(j * chunk, chunk)]],
                rows_v.at[b],
                gsems[b],
            )

        def write_desc(j, b):
            return pltpu.make_async_copy(
                rows_v.at[b],
                out_hbm.at[pl.ds(base + j * chunk, chunk)],
                wsems[b],
            )

        def scale_buf(b):
            def scale_row(r, carry):
                for p in range(d // _LANES):
                    sl = pl.ds(p * _LANES, _LANES)
                    rows_v[b, r, sl] = rows_v[b, r, sl] * scale
                return carry

            lax.fori_loop(0, chunk, scale_row, 0, unroll=8)

        gather_desc(0, 0).start()
        gather_desc(1, 1).start()

        def outer(p, carry):
            for b in range(_NBUF):
                j = p * _NBUF + b
                b2 = (b + 2) % _NBUF
                @pl.when(j >= 2)
                def _wait_prev():
                    write_desc(j - 2, b2).wait()

                @pl.when(j + 2 < n_chunks)
                def _refill():
                    gather_desc(j + 2, b2).start()

                gather_desc(j, b).wait()
                scale_buf(b)
                write_desc(j, b).start()
            return carry

        lax.fori_loop(0, n_chunks // _NBUF, outer, 0)
        write_desc(n_chunks - 2, (n_chunks - 2) % _NBUF).wait()
        write_desc(n_chunks - 1, (n_chunks - 1) % _NBUF).wait()

    return emb


def kernel(x, table):
    b0, b1 = x.shape
    v, d = table.shape
    batch = b0 * b1
    idx = x.reshape(batch).astype(jnp.int32)
    emb = _make_emb_kernel(batch, d, 32, 256)
    out = emb(table, idx)
    return out.reshape(b0, b1, d)

# --- scband reference (transcript-rebuilt; emitter-appended) ---
"""Pipeline reference for scband-embedding-87471303950625 (READ-ONLY COPY).

The authoritative reference and input builder live on the scoring server;
editing this copy changes nothing except your own understanding.
"""

import jax, jax.numpy as jnp
import numpy as np
import math

VOCAB = 1000000
D_MODEL = 64

def setup_inputs(seed: int = 0) -> dict:
    key = jax.random.key(seed)
    k_idx, k_w = jax.random.split(key)
    x = jax.random.randint(k_idx, (4096, 200), 0, VOCAB, dtype=jnp.int64 if jax.config.jax_enable_x64 else jnp.int32)
    # kaiming_uniform_ with a=sqrt(5): bound = sqrt(6 / ((1 + a^2) * fan_in)) = sqrt(1/fan_in)
    fan_in = D_MODEL
    bound = math.sqrt(6.0 / ((1.0 + 5.0) * fan_in))
    table = jax.random.uniform(k_w, (VOCAB, D_MODEL), minval=-bound, maxval=bound, dtype=jnp.float32)
    return {"x": x, "table": table}

def reference(x, table):
    emb = jnp.take(table, x, axis=0)
    return emb * math.sqrt(D_MODEL)

if __name__ == "__main__":
    import jax
    _d = setup_inputs()
    print(jax.jit(kernel)(*tuple(_d.values())))

</pallas_src>

<mosaic_0001>
#map = affine_map<(d0, d1) -> (0, 0)>
#map1 = affine_map<(d0, d1) -> (0)>
module attributes {stable_mosaic.version = 14 : i64} {
  func.func @emb(%arg0: i32, %arg1: i32, %arg2: memref<1000000x64xf32, #tpu.memory_space<hbm>>, %arg3: memref<819200xi32, #tpu.memory_space<hbm>>, %arg4: memref<819200x64xf32, #tpu.memory_space<hbm>>, %arg5: memref<25600xi32, #tpu.memory_space<vmem>>, %arg6: memref<4x256x64xf32, #tpu.memory_space<vmem>>, %arg7: memref<!tpu.dma_semaphore, #tpu.memory_space<semaphore_mem>>, %arg8: memref<!tpu.dma_semaphore, #tpu.memory_space<semaphore_mem>>, %arg9: memref<!tpu.dma_semaphore, #tpu.memory_space<semaphore_mem>>, %arg10: memref<!tpu.dma_semaphore, #tpu.memory_space<semaphore_mem>>, %arg11: memref<!tpu.dma_semaphore, #tpu.memory_space<semaphore_mem>>, %arg12: memref<!tpu.dma_semaphore, #tpu.memory_space<semaphore_mem>>, %arg13: memref<!tpu.dma_semaphore, #tpu.memory_space<semaphore_mem>>, %arg14: memref<!tpu.dma_semaphore, #tpu.memory_space<semaphore_mem>>) attributes {dimension_semantics = [#tpu.dimension_semantics<core_parallel>, #tpu.dimension_semantics<subcore_parallel>], iteration_bounds = array<i64: 2, 16>, scalar_prefetch = 0 : i64, scratch_operands = 10 : i64, tpu.core_type = #tpu.core_type<sc_vector_subcore>, window_params = [{transform_indices = #map}, {transform_indices = #map1}, {transform_indices = #map}]} {
    %mul3A = arith.constant 2 : i32
    %mul3A_0 = arith.muli %arg1, %mul3A : i32
    %add3A = arith.addi %mul3A_0, %arg0 : i32
    %mul3A_1 = arith.constant 25600 : i32
    %mul3A_2 = arith.muli %add3A, %mul3A_1 : i32
    "tpu.region"() ({
      %run_scoped3A = tpu.sem_alloc : memref<!tpu.dma_semaphore, #tpu.memory_space<semaphore_mem>>
      %dma_start3A_56 = tpu.memref_slice %arg3[%mul3A_2] : memref<819200xi32, #tpu.memory_space<hbm>> -> memref<25600xi32, #tpu.memory_space<hbm>>
      %dma_start3A_57 = tpu.memref_slice %arg3[%mul3A_2] : memref<819200xi32, #tpu.memory_space<hbm>> -> memref<25600xi32, #tpu.memory_space<hbm>>
      tpu.enqueue_dma source(%dma_start3A_57 : memref<25600xi32, #tpu.memory_space<hbm>>) target(%arg5 : memref<25600xi32, #tpu.memory_space<vmem>>) target_semaphore(%run_scoped3A : memref<!tpu.dma_semaphore, #tpu.memory_space<semaphore_mem>>)
      %dma_wait3A_58 = tpu.memref_slice %arg3[%mul3A_2] : memref<819200xi32, #tpu.memory_space<hbm>> -> memref<25600xi32, #tpu.memory_space<hbm>>
      %dma_wait3A_59 = tpu.memref_slice %arg3[%mul3A_2] : memref<819200xi32, #tpu.memory_space<hbm>> -> memref<25600xi32, #tpu.memory_space<hbm>>
      tpu.wait_dma2 semaphore(%run_scoped3A : memref<!tpu.dma_semaphore, #tpu.memory_space<semaphore_mem>>) src(%dma_wait3A_59 : memref<25600xi32, #tpu.memory_space<hbm>>) dst(%arg5 : memref<25600xi32, #tpu.memory_space<vmem>>)
      tpu.yield
    }) : () -> ()
    %dma_start3A = arith.constant 0 : i32
    %dma_start3A_3 = arith.constant 0 : i32
    %dma_start3A_4 = arith.constant 0 : i32
    %dma_start3A_5 = tpu.memref_slice %arg6[%dma_start3A, %dma_start3A_3, %dma_start3A_4] : memref<4x256x64xf32, #tpu.memory_space<vmem>> -> memref<1x256x64xf32, #tpu.memory_space<vmem>>
    %dma_start3A_6 = tpu.memref_squeeze %dma_start3A_5 : memref<1x256x64xf32, #tpu.memory_space<vmem>> -> memref<256x64xf32, #tpu.memory_space<vmem>>
    %dma_start3A_7 = arith.constant 0 : i32
    %dma_start3A_8 = tpu.memref_slice %arg5[%dma_start3A_7] : memref<25600xi32, #tpu.memory_space<vmem>> -> memref<256xi32, #tpu.memory_space<vmem>>
    %dma_start3A_9 = arith.constant 0 : i32
    %dma_start3A_10 = arith.constant 0 : i32
    %dma_start3A_11 = tpu.memref_slice %arg2[%dma_start3A_9, %dma_start3A_10] : memref<1000000x64xf32, #tpu.memory_space<hbm>> -> memref<1000000x64xf32, #tpu.memory_space<hbm>>
    tpu.enqueue_indirect_dma source(%dma_start3A_11 : memref<1000000x64xf32, #tpu.memory_space<hbm>>) target(%dma_start3A_6 : memref<256x64xf32, #tpu.memory_space<vmem>>) offsets(%dma_start3A_8 : memref<256xi32, #tpu.memory_space<vmem>>) semaphore(%arg7 : memref<!tpu.dma_semaphore, #tpu.memory_space<semaphore_mem>>)
    %dma_start3A_12 = arith.constant 1 : i32
    %dma_start3A_13 = arith.constant 0 : i32
    %dma_start3A_14 = arith.constant 0 : i32
    %dma_start3A_15 = tpu.memref_slice %arg6[%dma_start3A_12, %dma_start3A_13, %dma_start3A_14] : memref<4x256x64xf32, #tpu.memory_space<vmem>> -> memref<1x256x64xf32, #tpu.memory_space<vmem>>
    %dma_start3A_16 = tpu.memref_squeeze %dma_start3A_15 : memref<1x256x64xf32, #tpu.memory_space<vmem>> -> memref<256x64xf32, #tpu.memory_space<vmem>>
    %dma_start3A_17 = arith.constant 256 : i32
    %dma_start3A_18 = tpu.memref_slice %arg5[%dma_start3A_17] : memref<25600xi32, #tpu.memory_space<vmem>> -> memref<256xi32, #tpu.memory_space<vmem>>
    %dma_start3A_19 = arith.constant 0 : i32
    %dma_start3A_20 = arith.constant 0 : i32
    %dma_start3A_21 = tpu.memref_slice %arg2[%dma_start3A_19, %dma_start3A_20] : memref<1000000x64xf32, #tpu.memory_space<hbm>> -> memref<1000000x64xf32, #tpu.memory_space<hbm>>
    tpu.enqueue_indirect_dma source(%dma_start3A_21 : memref<1000000x64xf32, #tpu.memory_space<hbm>>) target(%dma_start3A_16 : memref<256x64xf32, #tpu.memory_space<vmem>>) offsets(%dma_start3A_18 : memref<256xi32, #tpu.memory_space<vmem>>) semaphore(%arg8 : memref<!tpu.dma_semaphore, #tpu.memory_space<semaphore_mem>>)
    %scan3A = arith.constant 0 : i32
    %scan3A_22 = arith.constant 0 : i32
    %scan3A_23 = arith.constant 25 : i32
    %scan3A_24 = arith.addi %scan3A_22, %scan3A_23 : i32
    %scan3A_25 = arith.constant 1 : i32
    scf.for %scan3A_56 = %scan3A_22 to %scan3A_24 step %scan3A_25  : i32 {
      %mul3A_57 = arith.constant 4 : i32
      %mul3A_58 = arith.muli %scan3A_56, %mul3A_57 : i32
      %add3A_59 = arith.constant 0 : i32
      %add3A_60 = arith.addi %mul3A_58, %add3A_59 : i32
      %ge3A = arith.constant 2 : i32
      %ge3A_61 = arith.cmpi sge, %add3A_60, %ge3A : i32
      %convert_element_type3A = arith.extui %ge3A_61 : i1 to i32
      %cond3A = arith.constant 0 : i32
      %cond3A_62 = arith.cmpi ne, %convert_element_type3A, %cond3A : i32
      scf.if %cond3A_62 {
        %sub3A = arith.constant 2 : i32
        %sub3A_249 = arith.subi %add3A_60, %sub3A : i32
        %mul3A_250 = arith.constant 256 : i32
        %mul3A_251 = arith.muli %sub3A_249, %mul3A_250 : i32
        %add3A_252 = arith.addi %mul3A_2, %mul3A_251 : i32
        %dma_wait3A_253 = arith.constant 2 : i32
        %dma_wait3A_254 = arith.constant 0 : i32
        %dma_wait3A_255 = arith.constant 0 : i32
        %dma_wait3A_256 = tpu.memref_slice %arg6[%dma_wait3A_253, %dma_wait3A_254, %dma_wait3A_255] : memref<4x256x64xf32, #tpu.memory_space<vmem>> -> memref<1x256x64xf32, #tpu.memory_space<vmem>>
        %dma_wait3A_257 = tpu.memref_squeeze %dma_wait3A_256 : memref<1x256x64xf32, #tpu.memory_space<vmem>> -> memref<256x64xf32, #tpu.memory_space<vmem>>
        %dma_wait3A_258 = arith.constant 0 : i32
        %dma_wait3A_259 = tpu.memref_slice %arg4[%add3A_252, %dma_wait3A_258] : memref<819200x64xf32, #tpu.memory_space<hbm>> -> memref<256x64xf32, #tpu.memory_space<hbm>>
        %dma_wait3A_260 = arith.constant 0 : i32
        %dma_wait3A_261 = tpu.memref_slice %arg4[%add3A_252, %dma_wait3A_260] : memref<819200x64xf32, #tpu.memory_space<hbm>> -> memref<256x64xf32, #tpu.memory_space<hbm>>
        %dma_wait3A_262 = arith.constant 0 : i32
        %dma_wait3A_263 = arith.constant 0 : i32
        %dma_wait3A_264 = tpu.memref_slice %arg6[%dma_wait3A_253, %dma_wait3A_262, %dma_wait3A_263] : memref<4x256x64xf32, #tpu.memory_space<vmem>> -> memref<1x256x64xf32, #tpu.memory_space<vmem>>
        %dma_wait3A_265 = tpu.memref_squeeze %dma_wait3A_264 : memref<1x256x64xf32, #tpu.memory_space<vmem>> -> memref<256x64xf32, #tpu.memory_space<vmem>>
        tpu.wait_dma2 semaphore(%arg13 : memref<!tpu.dma_semaphore, #tpu.memory_space<semaphore_mem>>) src(%dma_wait3A_265 : memref<256x64xf32, #tpu.memory_space<vmem>>) dst(%dma_wait3A_261 : memref<256x64xf32, #tpu.memory_space<hbm>>)
      } else {
      }
      %add3A_63 = arith.constant 2 : i32
      %add3A_64 = arith.addi %add3A_60, %add3A_63 : i32
      %lt3A = arith.constant 100 : i32
      %lt3A_65 = arith.cmpi slt, %add3A_64, %lt3A : i32
      %convert_element_type3A_66 = arith.extui %lt3A_65 : i1 to i32
      %cond3A_67 = arith.constant 0 : i32
      %cond3A_68 = arith.cmpi ne, %convert_element_type3A_66, %cond3A_67 : i32
      scf.if %cond3A_68 {
        %add3A_249 = arith.constant 2 : i32
        %add3A_250 = arith.addi %add3A_60, %add3A_249 : i32
        %mul3A_251 = arith.constant 256 : i32
        %mul3A_252 = arith.muli %add3A_250, %mul3A_251 : i32
        %dma_start3A_253 = arith.constant 2 : i32
        %dma_start3A_254 = arith.constant 0 : i32
        %dma_start3A_255 = arith.constant 0 : i32
        %dma_start3A_256 = tpu.memref_slice %arg6[%dma_start3A_253, %dma_start3A_254, %dma_start3A_255] : memref<4x256x64xf32, #tpu.memory_space<vmem>> -> memref<1x256x64xf32, #tpu.memory_space<vmem>>
        %dma_start3A_257 = tpu.memref_squeeze %dma_start3A_256 : memref<1x256x64xf32, #tpu.memory_space<vmem>> -> memref<256x64xf32, #tpu.memory_space<vmem>>
        %dma_start3A_258 = tpu.memref_slice %arg5[%mul3A_252] : memref<25600xi32, #tpu.memory_space<vmem>> -> memref<256xi32, #tpu.memory_space<vmem>>
        %dma_start3A_259 = arith.constant 0 : i32
        %dma_start3A_260 = arith.constant 0 : i32
        %dma_start3A_261 = tpu.memref_slice %arg2[%dma_start3A_259, %dma_start3A_260] : memref<1000000x64xf32, #tpu.memory_space<hbm>> -> memref<1000000x64xf32, #tpu.memory_space<hbm>>
        tpu.enqueue_indirect_dma source(%dma_start3A_261 : memref<1000000x64xf32, #tpu.memory_space<hbm>>) target(%dma_start3A_257 : memref<256x64xf32, #tpu.memory_space<vmem>>) offsets(%dma_start3A_258 : memref<256xi32, #tpu.memory_space<vmem>>) semaphore(%arg9 : memref<!tpu.dma_semaphore, #tpu.memory_space<semaphore_mem>>)
      } else {
      }
      %mul3A_69 = arith.constant 256 : i32
      %mul3A_70 = arith.muli %add3A_60, %mul3A_69 : i32
      %dma_wait3A_71 = arith.constant 0 : i32
      %dma_wait3A_72 = arith.constant 0 : i32
      %dma_wait3A_73 = arith.constant 0 : i32
      %dma_wait3A_74 = tpu.memref_slice %arg6[%dma_wait3A_71, %dma_wait3A_72, %dma_wait3A_73] : memref<4x256x64xf32, #tpu.memory_space<vmem>> -> memref<1x256x64xf32, #tpu.memory_space<vmem>>
      %dma_wait3A_75 = tpu.memref_squeeze %dma_wait3A_74 : memref<1x256x64xf32, #tpu.memory_space<vmem>> -> memref<256x64xf32, #tpu.memory_space<vmem>>
      %dma_wait3A_76 = tpu.memref_slice %arg5[%mul3A_70] : memref<25600xi32, #tpu.memory_space<vmem>> -> memref<256xi32, #tpu.memory_space<vmem>>
      %dma_wait3A_77 = arith.constant 0 : i32
      %dma_wait3A_78 = arith.constant 0 : i32
      %dma_wait3A_79 = tpu.memref_slice %arg2[%dma_wait3A_77, %dma_wait3A_78] : memref<1000000x64xf32, #tpu.memory_space<hbm>> -> memref<1000000x64xf32, #tpu.memory_space<hbm>>
      tpu.wait_indirect_dma semaphore(%arg7 : memref<!tpu.dma_semaphore, #tpu.memory_space<semaphore_mem>>) src(%dma_wait3A_79 : memref<1000000x64xf32, #tpu.memory_space<hbm>>) dst(%dma_wait3A_75 : memref<256x64xf32, #tpu.memory_space<vmem>>)
      %scan3A_80 = arith.constant 0 : i32
      %scan3A_81 = arith.constant 0 : i32
      %scan3A_82 = arith.constant 256 : i32
      %scan3A_83 = arith.addi %scan3A_81, %scan3A_82 : i32
      %scan3A_84 = arith.constant 8 : i32
      scf.for %scan3A_249 = %scan3A_81 to %scan3A_83 step %scan3A_84  : i32 {
        %get3A = arith.constant 0 : i32
        %get3A_250 = arith.index_cast %get3A : i32 to index
        %get3A_251 = arith.index_cast %scan3A_249 : i32 to index
        %get3A_252 = arith.constant 0 : index
        %get3A_253 = tpu.vector_load %arg6[%get3A_250, %get3A_251, %get3A_252] {strides = array<i32>} : memref<4x256x64xf32, #tpu.memory_space<vmem>>, vector<1x1x16xf32>,
        %get3A_254 = vector.shape_cast %get3A_253 : vector<1x1x16xf32> to vector<16xf32>
        %mul3A_255 = arith.constant 8.000000e+00 : f32
        %mul3A_256 = vector.broadcast %mul3A_255 : f32 to vector<16xf32>
        %mul3A_257 = arith.mulf %get3A_254, %mul3A_256 : vector<16xf32>
        %swap3A = arith.constant 0 : i32
        %swap3A_258 = arith.index_cast %swap3A : i32 to index
        %swap3A_259 = arith.index_cast %scan3A_249 : i32 to index
        %swap3A_260 = arith.constant 0 : index
        %swap3A_261 = tpu.vector_load %arg6[%swap3A_258, %swap3A_259, %swap3A_260] {strides = array<i32>} : memref<4x256x64xf32, #tpu.memory_space<vmem>>, vector<1x1x16xf32>,
        %swap3A_262 = vector.shape_cast %swap3A_261 : vector<1x1x16xf32> to vector<16xf32>
        %swap3A_263 = vector.shape_cast %mul3A_257 : vector<16xf32> to vector<1x1x16xf32>
        tpu.vector_store %arg6[%swap3A_258, %swap3A_259, %swap3A_260], %swap3A_263 {strides = array<i32>} : memref<4x256x64xf32, #tpu.memory_space<vmem>>, vector<1x1x16xf32>,
        %get3A_264 = arith.constant 0 : i32
        %get3A_265 = arith.index_cast %get3A_264 : i32 to index
        %get3A_266 = arith.index_cast %scan3A_249 : i32 to index
        %get3A_267 = arith.constant 16 : index
        %get3A_268 = tpu.vector_load %arg6[%get3A_265, %get3A_266, %get3A_267] {strides = array<i32>} : memref<4x256x64xf32, #tpu.memory_space<vmem>>, vector<1x1x16xf32>,
        %get3A_269 = vector.shape_cast %get3A_268 : vector<1x1x16xf32> to vector<16xf32>
        %mul3A_270 = arith.constant 8.000000e+00 : f32
        %mul3A_271 = vector.broadcast %mul3A_270 : f32 to vector<16xf32>
        %mul3A_272 = arith.mulf %get3A_269, %mul3A_271 : vector<16xf32>
        %swap3A_273 = arith.constant 0 : i32
        %swap3A_274 = arith.index_cast %swap3A_273 : i32 to index
        %swap3A_275 = arith.index_cast %scan3A_249 : i32 to index
        %swap3A_276 = arith.constant 16 : index
        %swap3A_277 = tpu.vector_load %arg6[%swap3A_274, %swap3A_275, %swap3A_276] {strides = array<i32>} : memref<4x256x64xf32, #tpu.memory_space<vmem>>, vector<1x1x16xf32>,
        %swap3A_278 = vector.shape_cast %swap3A_277 : vector<1x1x16xf32> to vector<16xf32>
        %swap3A_279 = vector.shape_cast %mul3A_272 : vector<16xf32> to vector<1x1x16xf32>
        tpu.vector_store %arg6[%swap3A_274, %swap3A_275, %swap3A_276], %swap3A_279 {strides = array<i32>} : memref<4x256x64xf32, #tpu.memory_space<vmem>>, vector<1x1x16xf32>,
        %get3A_280 = arith.constant 0 : i32
        %get3A_281 = arith.index_cast %get3A_280 : i32 to index
        %get3A_282 = arith.index_cast %scan3A_249 : i32 to index
        %get3A_283 = arith.constant 32 : index
        %get3A_284 = tpu.vector_load %arg6[%get3A_281, %get3A_282, %get3A_283] {strides = array<i32>} : memref<4x256x64xf32, #tpu.memory_space<vmem>>, vector<1x1x16xf32>,
        %get3A_285 = vector.shape_cast %get3A_284 : vector<1x1x16xf32> to vector<16xf32>
        %mul3A_286 = arith.constant 8.000000e+00 : f32
        %mul3A_287 = vector.broadcast %mul3A_286 : f32 to vector<16xf32>
        %mul3A_288 = arith.mulf %get3A_285, %mul3A_287 : vector<16xf32>
        %swap3A_289 = arith.constant 0 : i32
        %swap3A_290 = arith.index_cast %swap3A_289 : i32 to index
        %swap3A_291 = arith.index_cast %scan3A_249 : i32 to index
        %swap3A_292 = arith.constant 32 : index
        %swap3A_293 = tpu.vector_load %arg6[%swap3A_290, %swap3A_291, %swap3A_292] {strides = array<i32>} : memref<4x256x64xf32, #tpu.memory_space<vmem>>, vector<1x1x16xf32>,
        %swap3A_294 = vector.shape_cast %swap3A_293 : vector<1x1x16xf32> to vector<16xf32>
        %swap3A_295 = vector.shape_cast %mul3A_288 : vector<16xf32> to vector<1x1x16xf32>
        tpu.vector_store %arg6[%swap3A_290, %swap3A_291, %swap3A_292], %swap3A_295 {strides = array<i32>} : memref<4x256x64xf32, #tpu.memory_space<vmem>>, vector<1x1x16xf32>,
        %get3A_296 = arith.constant 0 : i32
        %get3A_297 = arith.index_cast %get3A_296 : i32 to index
        %get3A_298 = arith.index_cast %scan3A_249 : i32 to index
        %get3A_299 = arith.constant 48 : index
        %get3A_300 = tpu.vector_load %arg6[%get3A_297, %get3A_298, %get3A_299] {strides = array<i32>} : memref<4x256x64xf32, #tpu.memory_space<vmem>>, vector<1x1x16xf32>,
        %get3A_301 = vector.shape_cast %get3A_300 : vector<1x1x16xf32> to vector<16xf32>
        %mul3A_302 = arith.constant 8.000000e+00 : f32
        %mul3A_303 = vector.broadcast %mul3A_302 : f32 to vector<16xf32>
        %mul3A_304 = arith.mulf %get3A_301, %mul3A_303 : vector<16xf32>
        %swap3A_305 = arith.constant 0 : i32
        %swap3A_306 = arith.index_cast %swap3A_305 : i32 to index
        %swap3A_307 = arith.index_cast %scan3A_249 : i32 to index
        %swap3A_308 = arith.constant 48 : index
        %swap3A_309 = tpu.vector_load %arg6[%swap3A_306, %swap3A_307, %swap3A_308] {strides = array<i32>} : memref<4x256x64xf32, #tpu.memory_space<vmem>>, vector<1x1x16xf32>,
        %swap3A_310 = vector.shape_cast %swap3A_309 : vector<1x1x16xf32> to vector<16xf32>
        %swap3A_311 = vector.shape_cast %mul3A_304 : vector<16xf32> to vector<1x1x16xf32>
        tpu.vector_store %arg6[%swap3A_306, %swap3A_307, %swap3A_308], %swap3A_311 {strides = array<i32>} : memref<4x256x64xf32, #tpu.memory_space<vmem>>, vector<1x1x16xf32>,
        %scan3A_312 = arith.constant 1 : i32
        %scan3A_313 = arith.addi %scan3A_249, %scan3A_312 : i32
        %get3A_314 = arith.constant 0 : i32
        %get3A_315 = arith.index_cast %get3A_314 : i32 to index
        %get3A_316 = arith.index_cast %scan3A_313 : i32 to index
        %get3A_317 = arith.constant 0 : index
        %get3A_318 = tpu.vector_load %arg6[%get3A_315, %get3A_316, %get3A_317] {strides = array<i32>} : memref<4x256x64xf32, #tpu.memory_space<vmem>>, vector<1x1x16xf32>,
        %get3A_319 = vector.shape_cast %get3A_318 : vector<1x1x16xf32> to vector<16xf32>
        %mul3A_320 = arith.constant 8.000000e+00 : f32
        %mul3A_321 = vector.broadcast %mul3A_320 : f32 to vector<16xf32>
        %mul3A_322 = arith.mulf %get3A_319, %mul3A_321 : vector<16xf32>
        %swap3A_323 = arith.constant 0 : i32
        %swap3A_324 = arith.index_cast %swap3A_323 : i32 to index
        %swap3A_325 = arith.index_cast %scan3A_313 : i32 to index
        %swap3A_326 = arith.constant 0 : index
        %swap3A_327 = tpu.vector_load %arg6[%swap3A_324, %swap3A_325, %swap3A_326] {strides = array<i32>} : memref<4x256x64xf32, #tpu.memory_space<vmem>>, vector<1x1x16xf32>,
        %swap3A_328 = vector.shape_cast %swap3A_327 : vector<1x1x16xf32> to vector<16xf32>
        %swap3A_329 = vector.shape_cast %mul3A_322 : vector<16xf32> to vector<1x1x16xf32>
        tpu.vector_store %arg6[%swap3A_324, %swap3A_325, %swap3A_326], %swap3A_329 {strides = array<i32>} : memref<4x256x64xf32, #tpu.memory_space<vmem>>, vector<1x1x16xf32>,
        %get3A_330 = arith.constant 0 : i32
        %get3A_331 = arith.index_cast %get3A_330 : i32 to index
        %get3A_332 = arith.index_cast %scan3A_313 : i32 to index
        %get3A_333 = arith.constant 16 : index
        %get3A_334 = tpu.vector_load %arg6[%get3A_331, %get3A_332, %get3A_333] {strides = array<i32>} : memref<4x256x64xf32, #tpu.memory_space<vmem>>, vector<1x1x16xf32>,
        %get3A_335 = vector.shape_cast %get3A_334 : vector<1x1x16xf32> to vector<16xf32>
        %mul3A_336 = arith.constant 8.000000e+00 : f32
        %mul3A_337 = vector.broadcast %mul3A_336 : f32 to vector<16xf32>
        %mul3A_338 = arith.mulf %get3A_335, %mul3A_337 : vector<16xf32>
        %swap3A_339 = arith.constant 0 : i32
        %swap3A_340 = arith.index_cast %swap3A_339 : i32 to index
        %swap3A_341 = arith.index_cast %scan3A_313 : i32 to index
        %swap3A_342 = arith.constant 16 : index
        %swap3A_343 = tpu.vector_load %arg6[%swap3A_340, %swap3A_341, %swap3A_342] {strides = array<i32>} : memref<4x256x64xf32, #tpu.memory_space<vmem>>, vector<1x1x16xf32>,
        %swap3A_344 = vector.shape_cast %swap3A_343 : vector<1x1x16xf32> to vector<16xf32>
        %swap3A_345 = vector.shape_cast %mul3A_338 : vector<16xf32> to vector<1x1x16xf32>
        tpu.vector_store %arg6[%swap3A_340, %swap3A_341, %swap3A_342], %swap3A_345 {strides = array<i32>} : memref<4x256x64xf32, #tpu.memory_space<vmem>>, vector<1x1x16xf32>,
        %get3A_346 = arith.constant 0 : i32
        %get3A_347 = arith.index_cast %get3A_346 : i32 to index
        %get3A_348 = arith.index_cast %scan3A_313 : i32 to index
        %get3A_349 = arith.constant 32 : index
        %get3A_350 = tpu.vector_load %arg6[%get3A_347, %get3A_348, %get3A_349] {strides = array<i32>} : memref<4x256x64xf32, #tpu.memory_space<vmem>>, vector<1x1x16xf32>,
        %get3A_351 = vector.shape_cast %get3A_350 : vector<1x1x16xf32> to vector<16xf32>
        %mul3A_352 = arith.constant 8.000000e+00 : f32
        %mul3A_353 = vector.broadcast %mul3A_352 : f32 to vector<16xf32>
        %mul3A_354 = arith.mulf %get3A_351, %mul3A_353 : vector<16xf32>
        %swap3A_355 = arith.constant 0 : i32
        %swap3A_356 = arith.index_cast %swap3A_355 : i32 to index
        %swap3A_357 = arith.index_cast %scan3A_313 : i32 to index
        %swap3A_358 = arith.constant 32 : index
        %swap3A_359 = tpu.vector_load %arg6[%swap3A_356, %swap3A_357, %swap3A_358] {strides = array<i32>} : memref<4x256x64xf32, #tpu.memory_space<vmem>>, vector<1x1x16xf32>,
        %swap3A_360 = vector.shape_cast %swap3A_359 : vector<1x1x16xf32> to vector<16xf32>
        %swap3A_361 = vector.shape_cast %mul3A_354 : vector<16xf32> to vector<1x1x16xf32>
        tpu.vector_store %arg6[%swap3A_356, %swap3A_357, %swap3A_358], %swap3A_361 {strides = array<i32>} : memref<4x256x64xf32, #tpu.memory_space<vmem>>, vector<1x1x16xf32>,
        %get3A_362 = arith.constant 0 : i32
        %get3A_363 = arith.index_cast %get3A_362 : i32 to index
        %get3A_364 = arith.index_cast %scan3A_313 : i32 to index
        %get3A_365 = arith.constant 48 : index
        %get3A_366 = tpu.vector_load %arg6[%get3A_363, %get3A_364, %get3A_365] {strides = array<i32>} : memref<4x256x64xf32, #tpu.memory_space<vmem>>, vector<1x1x16xf32>,
        %get3A_367 = vector.shape_cast %get3A_366 : vector<1x1x16xf32> to vector<16xf32>
        %mul3A_368 = arith.constant 8.000000e+00 : f32
        %mul3A_369 = vector.broadcast %mul3A_368 : f32 to vector<16xf32>
        %mul3A_370 = arith.mulf %get3A_367, %mul3A_369 : vector<16xf32>
        %swap3A_371 = arith.constant 0 : i32
        %swap3A_372 = arith.index_cast %swap3A_371 : i32 to index
        %swap3A_373 = arith.index_cast %scan3A_313 : i32 to index
        %swap3A_374 = arith.constant 48 : index
        %swap3A_375 = tpu.vector_load %arg6[%swap3A_372, %swap3A_373, %swap3A_374] {strides = array<i32>} : memref<4x256x64xf32, #tpu.memory_space<vmem>>, vector<1x1x16xf32>,
        %swap3A_376 = vector.shape_cast %swap3A_375 : vector<1x1x16xf32> to vector<16xf32>
        %swap3A_377 = vector.shape_cast %mul3A_370 : vector<16xf32> to vector<1x1x16xf32>
        tpu.vector_store %arg6[%swap3A_372, %swap3A_373, %swap3A_374], %swap3A_377 {strides = array<i32>} : memref<4x256x64xf32, #tpu.memory_space<vmem>>, vector<1x1x16xf32>,
        %scan3A_378 = arith.constant 2 : i32
        %scan3A_379 = arith.addi %scan3A_249, %scan3A_378 : i32
        %get3A_380 = arith.constant 0 : i32
        %get3A_381 = arith.index_cast %get3A_380 : i32 to index
        %get3A_382 = arith.index_cast %scan3A_379 : i32 to index
        %get3A_383 = arith.constant 0 : index
        %get3A_384 = tpu.vector_load %arg6[%get3A_381, %get3A_382, %get3A_383] {strides = array<i32>} : memref<4x256x64xf32, #tpu.memory_space<vmem>>, vector<1x1x16xf32>,
        %get3A_385 = vector.shape_cast %get3A_384 : vector<1x1x16xf32> to vector<16xf32>
        %mul3A_386 = arith.constant 8.000000e+00 : f32
        %mul3A_387 = vector.broadcast %mul3A_386 : f32 to vector<16xf32>
        %mul3A_388 = arith.mulf %get3A_385, %mul3A_387 : vector<16xf32>
        %swap3A_389 = arith.constant 0 : i32
        %swap3A_390 = arith.index_cast %swap3A_389 : i32 to index
        %swap3A_391 = arith.index_cast %scan3A_379 : i32 to index
        %swap3A_392 = arith.constant 0 : index
        %swap3A_393 = tpu.vector_load %arg6[%swap3A_390, %swap3A_391, %swap3A_392] {strides = array<i32>} : memref<4x256x64xf32, #tpu.memory_space<vmem>>, vector<1x1x16xf32>,
        %swap3A_394 = vector.shape_cast %swap3A_393 : vector<1x1x16xf32> to vector<16xf32>
        %swap3A_395 = vector.shape_cast %mul3A_388 : vector<16xf32> to vector<1x1x16xf32>
        tpu.vector_store %arg6[%swap3A_390, %swap3A_391, %swap3A_392], %swap3A_395 {strides = array<i32>} : memref<4x256x64xf32, #tpu.memory_space<vmem>>, vector<1x1x16xf32>,
        %get3A_396 = arith.constant 0 : i32
        %get3A_397 = arith.index_cast %get3A_396 : i32 to index
        %get3A_398 = arith.index_cast %scan3A_379 : i32 to index
        %get3A_399 = arith.constant 16 : index
        %get3A_400 = tpu.vector_load %arg6[%get3A_397, %get3A_398, %get3A_399] {strides = array<i32>} : memref<4x256x64xf32, #tpu.memory_space<vmem>>, vector<1x1x16xf32>,
        %get3A_401 = vector.shape_cast %get3A_400 : vector<1x1x16xf32> to vector<16xf32>
        %mul3A_402 = arith.constant 8.000000e+00 : f32
        %mul3A_403 = vector.broadcast %mul3A_402 : f32 to vector<16xf32>
        %mul3A_404 = arith.mulf %get3A_401, %mul3A_403 : vector<16xf32>
        %swap3A_405 = arith.constant 0 : i32
        %swap3A_406 = arith.index_cast %swap3A_405 : i32 to index
        %swap3A_407 = arith.index_cast %scan3A_379 : i32 to index
        %swap3A_408 = arith.constant 16 : index
        %swap3A_409 = tpu.vector_load %arg6[%swap3A_406, %swap3A_407, %swap3A_408] {strides = array<i32>} : memref<4x256x64xf32, #tpu.memory_space<vmem>>, vector<1x1x16xf32>,
        %swap3A_410 = vector.shape_cast %swap3A_409 : vector<1x1x16xf32> to vector<16xf32>
        %swap3A_411 = vector.shape_cast %mul3A_404 : vector<16xf32> to vector<1x1x16xf32>
        tpu.vector_store %arg6[%swap3A_406, %swap3A_407, %swap3A_408], %swap3A_411 {strides = array<i32>} : memref<4x256x64xf32, #tpu.memory_space<vmem>>, vector<1x1x16xf32>,
        %get3A_412 = arith.constant 0 : i32
        %get3A_413 = arith.index_cast %get3A_412 : i32 to index
        %get3A_414 = arith.index_cast %scan3A_379 : i32 to index
        %get3A_415 = arith.constant 32 : index
        %get3A_416 = tpu.vector_load %arg6[%get3A_413, %get3A_414, %get3A_415] {strides = array<i32>} : memref<4x256x64xf32, #tpu.memory_space<vmem>>, vector<1x1x16xf32>,
        %get3A_417 = vector.shape_cast %get3A_416 : vector<1x1x16xf32> to vector<16xf32>
        %mul3A_418 = arith.constant 8.000000e+00 : f32
        %mul3A_419 = vector.broadcast %mul3A_418 : f32 to vector<16xf32>
        %mul3A_420 = arith.mulf %get3A_417, %mul3A_419 : vector<16xf32>
        %swap3A_421 = arith.constant 0 : i32
        %swap3A_422 = arith.index_cast %swap3A_421 : i32 to index
        %swap3A_423 = arith.index_cast %scan3A_379 : i32 to index
        %swap3A_424 = arith.constant 32 : index
        %swap3A_425 = tpu.vector_load %arg6[%swap3A_422, %swap3A_423, %swap3A_424] {strides = array<i32>} : memref<4x256x64xf32, #tpu.memory_space<vmem>>, vector<1x1x16xf32>,
        %swap3A_426 = vector.shape_cast %swap3A_425 : vector<1x1x16xf32> to vector<16xf32>
        %swap3A_427 = vector.shape_cast %mul3A_420 : vector<16xf32> to vector<1x1x16xf32>
        tpu.vector_store %arg6[%swap3A_422, %swap3A_423, %swap3A_424], %swap3A_427 {strides = array<i32>} : memref<4x256x64xf32, #tpu.memory_space<vmem>>, vector<1x1x16xf32>,
        %get3A_428 = arith.constant 0 : i32
        %get3A_429 = arith.index_cast %get3A_428 : i32 to index
        %get3A_430 = arith.index_cast %scan3A_379 : i32 to index
        %get3A_431 = arith.constant 48 : index
        %get3A_432 = tpu.vector_load %arg6[%get3A_429, %get3A_430, %get3A_431] {strides = array<i32>} : memref<4x256x64xf32, #tpu.memory_space<vmem>>, vector<1x1x16xf32>,
        %get3A_433 = vector.shape_cast %get3A_432 : vector<1x1x16xf32> to vector<16xf32>
        %mul3A_434 = arith.constant 8.000000e+00 : f32
        %mul3A_435 = vector.broadcast %mul3A_434 : f32 to vector<16xf32>
        %mul3A_436 = arith.mulf %get3A_433, %mul3A_435 : vector<16xf32>
        %swap3A_437 = arith.constant 0 : i32
        %swap3A_438 = arith.index_cast %swap3A_437 : i32 to index
        %swap3A_439 = arith.index_cast %scan3A_379 : i32 to index
        %swap3A_440 = arith.constant 48 : index
        %swap3A_441 = tpu.vector_load %arg6[%swap3A_438, %swap3A_439, %swap3A_440] {strides = array<i32>} : memref<4x256x64xf32, #tpu.memory_space<vmem>>, vector<1x1x16xf32>,
        %swap3A_442 = vector.shape_cast %swap3A_441 : vector<1x1x16xf32> to vector<16xf32>
        %swap3A_443 = vector.shape_cast %mul3A_436 : vector<16xf32> to vector<1x1x16xf32>
        tpu.vector_store %arg6[%swap3A_438, %swap3A_439, %swap3A_440], %swap3A_443 {strides = array<i32>} : memref<4x256x64xf32, #tpu.memory_space<vmem>>, vector<1x1x16xf32>,
        %scan3A_444 = arith.constant 3 : i32
        %scan3A_445 = arith.addi %scan3A_249, %scan3A_444 : i32
        %get3A_446 = arith.constant 0 : i32
        %get3A_447 = arith.index_cast %get3A_446 : i32 to index
        %get3A_448 = arith.index_cast %scan3A_445 : i32 to index
        %get3A_449 = arith.constant 0 : index
        %get3A_450 = tpu.vector_load %arg6[%get3A_447, %get3A_448, %get3A_449] {strides = array<i32>} : memref<4x256x64xf32, #tpu.memory_space<vmem>>, vector<1x1x16xf32>,
        %get3A_451 = vector.shape_cast %get3A_450 : vector<1x1x16xf32> to vector<16xf32>
        %mul3A_452 = arith.constant 8.000000e+00 : f32
        %mul3A_453 = vector.broadcast %mul3A_452 : f32 to vector<16xf32>
        %mul3A_454 = arith.mulf %get3A_451, %mul3A_453 : vector<16xf32>
        %swap3A_455 = arith.constant 0 : i32
        %swap3A_456 = arith.index_cast %swap3A_455 : i32 to index
        %swap3A_457 = arith.index_cast %scan3A_445 : i32 to index
        %swap3A_458 = arith.constant 0 : index
        %swap3A_459 = tpu.vector_load %arg6[%swap3A_456, %swap3A_457, %swap3A_458] {strides = array<i32>} : memref<4x256x64xf32, #tpu.memory_space<vmem>>, vector<1x1x16xf32>,
        %swap3A_460 = vector.shape_cast %swap3A_459 : vector<1x1x16xf32> to vector<16xf32>
        %swap3A_461 = vector.shape_cast %mul3A_454 : vector<16xf32> to vector<1x1x16xf32>
        tpu.vector_store %arg6[%swap3A_456, %swap3A_457, %swap3A_458], %swap3A_461 {strides = array<i32>} : memref<4x256x64xf32, #tpu.memory_space<vmem>>, vector<1x1x16xf32>,
        %get3A_462 = arith.constant 0 : i32
        %get3A_463 = arith.index_cast %get3A_462 : i32 to index
        %get3A_464 = arith.index_cast %scan3A_445 : i32 to index
        %get3A_465 = arith.constant 16 : index
        %get3A_466 = tpu.vector_load %arg6[%get3A_463, %get3A_464, %get3A_465] {strides = array<i32>} : memref<4x256x64xf32, #tpu.memory_space<vmem>>, vector<1x1x16xf32>,
        %get3A_467 = vector.shape_cast %get3A_466 : vector<1x1x16xf32> to vector<16xf32>
        %mul3A_468 = arith.constant 8.000000e+00 : f32
        %mul3A_469 = vector.broadcast %mul3A_468 : f32 to vector<16xf32>
        %mul3A_470 = arith.mulf %get3A_467, %mul3A_469 : vector<16xf32>
        %swap3A_471 = arith.constant 0 : i32
        %swap3A_472 = arith.index_cast %swap3A_471 : i32 to index
        %swap3A_473 = arith.index_cast %scan3A_445 : i32 to index
        %swap3A_474 = arith.constant 16 : index
        %swap3A_475 = tpu.vector_load %arg6[%swap3A_472, %swap3A_473, %swap3A_474] {strides = array<i32>} : memref<4x256x64xf32, #tpu.memory_space<vmem>>, vector<1x1x16xf32>,
        %swap3A_476 = vector.shape_cast %swap3A_475 : vector<1x1x16xf32> to vector<16xf32>
        %swap3A_477 = vector.shape_cast %mul3A_470 : vector<16xf32> to vector<1x1x16xf32>
        tpu.vector_store %arg6[%swap3A_472, %swap3A_473, %swap3A_474], %swap3A_477 {strides = array<i32>} : memref<4x256x64xf32, #tpu.memory_space<vmem>>, vector<1x1x16xf32>,
        %get3A_478 = arith.constant 0 : i32
        %get3A_479 = arith.index_cast %get3A_478 : i32 to index
        %get3A_480 = arith.index_cast %scan3A_445 : i32 to index
        %get3A_481 = arith.constant 32 : index
        %get3A_482 = tpu.vector_load %arg6[%get3A_479, %get3A_480, %get3A_481] {strides = array<i32>} : memref<4x256x64xf32, #tpu.memory_space<vmem>>, vector<1x1x16xf32>,
        %get3A_483 = vector.shape_cast %get3A_482 : vector<1x1x16xf32> to vector<16xf32>
        %mul3A_484 = arith.constant 8.000000e+00 : f32
        %mul3A_485 = vector.broadcast %mul3A_484 : f32 to vector<16xf32>
        %mul3A_486 = arith.mulf %get3A_483, %mul3A_485 : vector<16xf32>
        %swap3A_487 = arith.constant 0 : i32
        %swap3A_488 = arith.index_cast %swap3A_487 : i32 to index
        %swap3A_489 = arith.index_cast %scan3A_445 : i32 to index
        %swap3A_490 = arith.constant 32 : index
        %swap3A_491 = tpu.vector_load %arg6[%swap3A_488, %swap3A_489, %swap3A_490] {strides = array<i32>} : memref<4x256x64xf32, #tpu.memory_space<vmem>>, vector<1x1x16xf32>,
        %swap3A_492 = vector.shape_cast %swap3A_491 : vector<1x1x16xf32> to vector<16xf32>
        %swap3A_493 = vector.shape_cast %mul3A_486 : vector<16xf32> to vector<1x1x16xf32>
        tpu.vector_store %arg6[%swap3A_488, %swap3A_489, %swap3A_490], %swap3A_493 {strides = array<i32>} : memref<4x256x64xf32, #tpu.memory_space<vmem>>, vector<1x1x16xf32>,
        %get3A_494 = arith.constant 0 : i32
        %get3A_495 = arith.index_cast %get3A_494 : i32 to index
        %get3A_496 = arith.index_cast %scan3A_445 : i32 to index
        %get3A_497 = arith.constant 48 : index
        %get3A_498 = tpu.vector_load %arg6[%get3A_495, %get3A_496, %get3A_497] {strides = array<i32>} : memref<4x256x64xf32, #tpu.memory_space<vmem>>, vector<1x1x16xf32>,
        %get3A_499 = vector.shape_cast %get3A_498 : vector<1x1x16xf32> to vector<16xf32>
        %mul3A_500 = arith.constant 8.000000e+00 : f32
        %mul3A_501 = vector.broadcast %mul3A_500 : f32 to vector<16xf32>
        %mul3A_502 = arith.mulf %get3A_499, %mul3A_501 : vector<16xf32>
        %swap3A_503 = arith.constant 0 : i32
        %swap3A_504 = arith.index_cast %swap3A_503 : i32 to index
        %swap3A_505 = arith.index_cast %scan3A_445 : i32 to index
        %swap3A_506 = arith.constant 48 : index
        %swap3A_507 = tpu.vector_load %arg6[%swap3A_504, %swap3A_505, %swap3A_506] {strides = array<i32>} : memref<4x256x64xf32, #tpu.memory_space<vmem>>, vector<1x1x16xf32>,
        %swap3A_508 = vector.shape_cast %swap3A_507 : vector<1x1x16xf32> to vector<16xf32>
        %swap3A_509 = vector.shape_cast %mul3A_502 : vector<16xf32> to vector<1x1x16xf32>
        tpu.vector_store %arg6[%swap3A_504, %swap3A_505, %swap3A_506], %swap3A_509 {strides = array<i32>} : memref<4x256x64xf32, #tpu.memory_space<vmem>>, vector<1x1x16xf32>,
        %scan3A_510 = arith.constant 4 : i32
        %scan3A_511 = arith.addi %scan3A_249, %scan3A_510 : i32
        %get3A_512 = arith.constant 0 : i32
        %get3A_513 = arith.index_cast %get3A_512 : i32 to index
        %get3A_514 = arith.index_cast %scan3A_511 : i32 to index
        %get3A_515 = arith.constant 0 : index
        %get3A_516 = tpu.vector_load %arg6[%get3A_513, %get3A_514, %get3A_515] {strides = array<i32>} : memref<4x256x64xf32, #tpu.memory_space<vmem>>, vector<1x1x16xf32>,
        %get3A_517 = vector.shape_cast %get3A_516 : vector<1x1x16xf32> to vector<16xf32>
        %mul3A_518 = arith.constant 8.000000e+00 : f32
        %mul3A_519 = vector.broadcast %mul3A_518 : f32 to vector<16xf32>
        %mul3A_520 = arith.mulf %get3A_517, %mul3A_519 : vector<16xf32>
        %swap3A_521 = arith.constant 0 : i32
        %swap3A_522 = arith.index_cast %swap3A_521 : i32 to index
        %swap3A_523 = arith.index_cast %scan3A_511 : i32 to index
        %swap3A_524 = arith.constant 0 : index
        %swap3A_525 = tpu.vector_load %arg6[%swap3A_522, %swap3A_523, %swap3A_524] {strides = array<i32>} : memref<4x256x64xf32, #tpu.memory_space<vmem>>, vector<1x1x16xf32>,
        %swap3A_526 = vector.shape_cast %swap3A_525 : vector<1x1x16xf32> to vector<16xf32>
        %swap3A_527 = vector.shape_cast %mul3A_520 : vector<16xf32> to vector<1x1x16xf32>
        tpu.vector_store %arg6[%swap3A_522, %swap3A_523, %swap3A_524], %swap3A_527 {strides = array<i32>} : memref<4x256x64xf32, #tpu.memory_space<vmem>>, vector<1x1x16xf32>,
        %get3A_528 = arith.constant 0 : i32
        %get3A_529 = arith.index_cast %get3A_528 : i32 to index
        %get3A_530 = arith.index_cast %scan3A_511 : i32 to index
        %get3A_531 = arith.constant 16 : index
        %get3A_532 = tpu.vector_load %arg6[%get3A_529, %get3A_530, %get3A_531] {strides = array<i32>} : memref<4x256x64xf32, #tpu.memory_space<vmem>>, vector<1x1x16xf32>,
        %get3A_533 = vector.shape_cast %get3A_532 : vector<1x1x16xf32> to vector<16xf32>
        %mul3A_534 = arith.constant 8.000000e+00 : f32
        %mul3A_535 = vector.broadcast %mul3A_534 : f32 to vector<16xf32>
        %mul3A_536 = arith.mulf %get3A_533, %mul3A_535 : vector<16xf32>
        %swap3A_537 = arith.constant 0 : i32
        %swap3A_538 = arith.index_cast %swap3A_537 : i32 to index
        %swap3A_539 = arith.index_cast %scan3A_511 : i32 to index
        %swap3A_540 = arith.constant 16 : index
        %swap3A_541 = tpu.vector_load %arg6[%swap3A_538, %swap3A_539, %swap3A_540] {strides = array<i32>} : memref<4x256x64xf32, #tpu.memory_space<vmem>>, vector<1x1x16xf32>,
        %swap3A_542 = vector.shape_cast %swap3A_541 : vector<1x1x16xf32> to vector<16xf32>
        %swap3A_543 = vector.shape_cast %mul3A_536 : vector<16xf32> to vector<1x1x16xf32>
        tpu.vector_store %arg6[%swap3A_538, %swap3A_539, %swap3A_540], %swap3A_543 {strides = array<i32>} : memref<4x256x64xf32, #tpu.memory_space<vmem>>, vector<1x1x16xf32>,
        %get3A_544 = arith.constant 0 : i32
        %get3A_545 = arith.index_cast %get3A_544 : i32 to index
        %get3A_546 = arith.index_cast %scan3A_511 : i32 to index
        %get3A_547 = arith.constant 32 : index
        %get3A_548 = tpu.vector_load %arg6[%get3A_545, %get3A_546, %get3A_547] {strides = array<i32>} : memref<4x256x64xf32, #tpu.memory_space<vmem>>, vector<1x1x16xf32>,
        %get3A_549 = vector.shape_cast %get3A_548 : vector<1x1x16xf32> to vector<16xf32>
        %mul3A_550 = arith.constant 8.000000e+00 : f32
        %mul3A_551 = vector.broadcast %mul3A_550 : f32 to vector<16xf32>
        %mul3A_552 = arith.mulf %get3A_549, %mul3A_551 : vector<16xf32>
        %swap3A_553 = arith.constant 0 : i32
        %swap3A_554 = arith.index_cast %swap3A_553 : i32 to index
        %swap3A_555 = arith.index_cast %scan3A_511 : i32 to index
        %swap3A_556 = arith.constant 32 : index
        %swap3A_557 = tpu.vector_load %arg6[%swap3A_554, %swap3A_555, %swap3A_556] {strides = array<i32>} : memref<4x256x64xf32, #tpu.memory_space<vmem>>, vector<1x1x16xf32>,
        %swap3A_558 = vector.shape_cast %swap3A_557 : vector<1x1x16xf32> to vector<16xf32>
        %swap3A_559 = vector.shape_cast %mul3A_552 : vector<16xf32> to vector<1x1x16xf32>
        tpu.vector_store %arg6[%swap3A_554, %swap3A_555, %swap3A_556], %swap3A_559 {strides = array<i32>} : memref<4x256x64xf32, #tpu.memory_space<vmem>>, vector<1x1x16xf32>,
        %get3A_560 = arith.constant 0 : i32
        %get3A_561 = arith.index_cast %get3A_560 : i32 to index
        %get3A_562 = arith.index_cast %scan3A_511 : i32 to index
        %get3A_563 = arith.constant 48 : index
        %get3A_564 = tpu.vector_load %arg6[%get3A_561, %get3A_562, %get3A_563] {strides = array<i32>} : memref<4x256x64xf32, #tpu.memory_space<vmem>>, vector<1x1x16xf32>,
        %get3A_565 = vector.shape_cast %get3A_564 : vector<1x1x16xf32> to vector<16xf32>
        %mul3A_566 = arith.constant 8.000000e+00 : f32
        %mul3A_567 = vector.broadcast %mul3A_566 : f32 to vector<16xf32>
        %mul3A_568 = arith.mulf %get3A_565, %mul3A_567 : vector<16xf32>
        %swap3A_569 = arith.constant 0 : i32
        %swap3A_570 = arith.index_cast %swap3A_569 : i32 to index
        %swap3A_571 = arith.index_cast %scan3A_511 : i32 to index
        %swap3A_572 = arith.constant 48 : index
        %swap3A_573 = tpu.vector_load %arg6[%swap3A_570, %swap3A_571, %swap3A_572] {strides = array<i32>} : memref<4x256x64xf32, #tpu.memory_space<vmem>>, vector<1x1x16xf32>,
        %swap3A_574 = vector.shape_cast %swap3A_573 : vector<1x1x16xf32> to vector<16xf32>
        %swap3A_575 = vector.shape_cast %mul3A_568 : vector<16xf32> to vector<1x1x16xf32>
        tpu.vector_store %arg6[%swap3A_570, %swap3A_571, %swap3A_572], %swap3A_575 {strides = array<i32>} : memref<4x256x64xf32, #tpu.memory_space<vmem>>, vector<1x1x16xf32>,
        %scan3A_576 = arith.constant 5 : i32
        %scan3A_577 = arith.addi %scan3A_249, %scan3A_576 : i32
        %get3A_578 = arith.constant 0 : i32
        %get3A_579 = arith.index_cast %get3A_578 : i32 to index
        %get3A_580 = arith.index_cast %scan3A_577 : i32 to index
        %get3A_581 = arith.constant 0 : index
        %get3A_582 = tpu.vector_load %arg6[%get3A_579, %get3A_580, %get3A_581] {strides = array<i32>} : memref<4x256x64xf32, #tpu.memory_space<vmem>>, vector<1x1x16xf32>,
        %get3A_583 = vector.shape_cast %get3A_582 : vector<1x1x16xf32> to vector<16xf32>
        %mul3A_584 = arith.constant 8.000000e+00 : f32
        %mul3A_585 = vector.broadcast %mul3A_584 : f32 to vector<16xf32>
        %mul3A_586 = arith.mulf %get3A_583, %mul3A_585 : vector<16xf32>
        %swap3A_587 = arith.constant 0 : i32
        %swap3A_588 = arith.index_cast %swap3A_587 : i32 to index
        %swap3A_589 = arith.index_cast %scan3A_577 : i32 to index
        %swap3A_590 = arith.constant 0 : index
        %swap3A_591 = tpu.vector_load %arg6[%swap3A_588, %swap3A_589, %swap3A_590] {strides = array<i32>} : memref<4x256x64xf32, #tpu.memory_space<vmem>>, vector<1x1x16xf32>,
        %swap3A_592 = vector.shape_cast %swap3A_591 : vector<1x1x16xf32> to vector<16xf32>
        %swap3A_593 = vector.shape_cast %mul3A_586 : vector<16xf32> to vector<1x1x16xf32>
        tpu.vector_store %arg6[%swap3A_588, %swap3A_589, %swap3A_590], %swap3A_593 {strides = array<i32>} : memref<4x256x64xf32, #tpu.memory_space<vmem>>, vector<1x1x16xf32>,
        %get3A_594 = arith.constant 0 : i32
        %get3A_595 = arith.index_cast %get3A_594 : i32 to index
        %get3A_596 = arith.index_cast %scan3A_577 : i32 to index
        %get3A_597 = arith.constant 16 : index
        %get3A_598 = tpu.vector_load %arg6[%get3A_595, %get3A_596, %get3A_597] {strides = array<i32>} : memref<4x256x64xf32, #tpu.memory_space<vmem>>, vector<1x1x16xf32>,
        %get3A_599 = vector.shape_cast %get3A_598 : vector<1x1x16xf32> to vector<16xf32>
        %mul3A_600 = arith.constant 8.000000e+00 : f32
        %mul3A_601 = vector.broadcast %mul3A_600 : f32 to vector<16xf32>
        %mul3A_602 = arith.mulf %get3A_599, %mul3A_601 : vector<16xf32>
        %swap3A_603 = arith.constant 0 : i32
        %swap3A_604 = arith.index_cast %swap3A_603 : i32 to index
        %swap3A_605 = arith.index_cast %scan3A_577 : i32 to index
        %swap3A_606 = arith.constant 16 : index
        %swap3A_607 = tpu.vector_load %arg6[%swap3A_604, %swap3A_605, %swap3A_606] {strides = array<i32>} : memref<4x256x64xf32, #tpu.memory_space<vmem>>, vector<1x1x16xf32>,
        %swap3A_608 = vector.shape_cast %swap3A_607 : vector<1x1x16xf32> to vector<16xf32>
        %swap3A_609 = vector.shape_cast %mul3A_602 : vector<16xf32> to vector<1x1x16xf32>
        tpu.vector_store %arg6[%swap3A_604, %swap3A_605, %swap3A_606], %swap3A_609 {strides = array<i32>} : memref<4x256x64xf32, #tpu.memory_space<vmem>>, vector<1x1x16xf32>,
        %get3A_610 = arith.constant 0 : i32
        %get3A_611 = arith.index_cast %get3A_610 : i32 to index
        %get3A_612 = arith.index_cast %scan3A_577 : i32 to index
        %get3A_613 = arith.constant 32 : index
        %get3A_614 = tpu.vector_load %arg6[%get3A_611, %get3A_612, %get3A_613] {strides = array<i32>} : memref<4x256x64xf32, #tpu.memory_space<vmem>>, vector<1x1x16xf32>,
        %get3A_615 = vector.shape_cast %get3A_614 : vector<1x1x16xf32> to vector<16xf32>
        %mul3A_616 = arith.constant 8.000000e+00 : f32
        %mul3A_617 = vector.broadcast %mul3A_616 : f32 to vector<16xf32>
        %mul3A_618 = arith.mulf %get3A_615, %mul3A_617 : vector<16xf32>
        %swap3A_619 = arith.constant 0 : i32
        %swap3A_620 = arith.index_cast %swap3A_619 : i32 to index
        %swap3A_621 = arith.index_cast %scan3A_577 : i32 to index
        %swap3A_622 = arith.constant 32 : index
        %swap3A_623 = tpu.vector_load %arg6[%swap3A_620, %swap3A_621, %swap3A_622] {strides = array<i32>} : memref<4x256x64xf32, #tpu.memory_space<vmem>>, vector<1x1x16xf32>,
        %swap3A_624 = vector.shape_cast %swap3A_623 : vector<1x1x16xf32> to vector<16xf32>
        %swap3A_625 = vector.shape_cast %mul3A_618 : vector<16xf32> to vector<1x1x16xf32>
        tpu.vector_store %arg6[%swap3A_620, %swap3A_621, %swap3A_622], %swap3A_625 {strides = array<i32>} : memref<4x256x64xf32, #tpu.memory_space<vmem>>, vector<1x1x16xf32>,
        %get3A_626 = arith.constant 0 : i32
        %get3A_627 = arith.index_cast %get3A_626 : i32 to index
        %get3A_628 = arith.index_cast %scan3A_577 : i32 to index
        %get3A_629 = arith.constant 48 : index
        %get3A_630 = tpu.vector_load %arg6[%get3A_627, %get3A_628, %get3A_629] {strides = array<i32>} : memref<4x256x64xf32, #tpu.memory_space<vmem>>, vector<1x1x16xf32>,
        %get3A_631 = vector.shape_cast %get3A_630 : vector<1x1x16xf32> to vector<16xf32>
        %mul3A_632 = arith.constant 8.000000e+00 : f32
        %mul3A_633 = vector.broadcast %mul3A_632 : f32 to vector<16xf32>
        %mul3A_634 = arith.mulf %get3A_631, %mul3A_633 : vector<16xf32>
        %swap3A_635 = arith.constant 0 : i32
        %swap3A_636 = arith.index_cast %swap3A_635 : i32 to index
        %swap3A_637 = arith.index_cast %scan3A_577 : i32 to index
        %swap3A_638 = arith.constant 48 : index
        %swap3A_639 = tpu.vector_load %arg6[%swap3A_636, %swap3A_637, %swap3A_638] {strides = array<i32>} : memref<4x256x64xf32, #tpu.memory_space<vmem>>, vector<1x1x16xf32>,
        %swap3A_640 = vector.shape_cast %swap3A_639 : vector<1x1x16xf32> to vector<16xf32>
        %swap3A_641 = vector.shape_cast %mul3A_634 : vector<16xf32> to vector<1x1x16xf32>
        tpu.vector_store %arg6[%swap3A_636, %swap3A_637, %swap3A_638], %swap3A_641 {strides = array<i32>} : memref<4x256x64xf32, #tpu.memory_space<vmem>>, vector<1x1x16xf32>,
        %scan3A_642 = arith.constant 6 : i32
        %scan3A_643 = arith.addi %scan3A_249, %scan3A_642 : i32
        %get3A_644 = arith.constant 0 : i32
        %get3A_645 = arith.index_cast %get3A_644 : i32 to index
        %get3A_646 = arith.index_cast %scan3A_643 : i32 to index
        %get3A_647 = arith.constant 0 : index
        %get3A_648 = tpu.vector_load %arg6[%get3A_645, %get3A_646, %get3A_647] {strides = array<i32>} : memref<4x256x64xf32, #tpu.memory_space<vmem>>, vector<1x1x16xf32>,
        %get3A_649 = vector.shape_cast %get3A_648 : vector<1x1x16xf32> to vector<16xf32>
        %mul3A_650 = arith.constant 8.000000e+00 : f32
        %mul3A_651 = vector.broadcast %mul3A_650 : f32 to vector<16xf32>
        %mul3A_652 = arith.mulf %get3A_649, %mul3A_651 : vector<16xf32>
        %swap3A_653 = arith.constant 0 : i32
        %swap3A_654 = arith.index_cast %swap3A_653 : i32 to index
        %swap3A_655 = arith.index_cast %scan3A_643 : i32 to index
        %swap3A_656 = arith.constant 0 : index
        %swap3A_657 = tpu.vector_load %arg6[%swap3A_654, %swap3A_655, %swap3A_656] {strides = array<i32>} : memref<4x256x64xf32, #tpu.memory_space<vmem>>, vector<1x1x16xf32>,
        %swap3A_658 = vector.shape_cast %swap3A_657 : vector<1x1x16xf32> to vector<16xf32>
        %swap3A_659 = vector.shape_cast %mul3A_652 : vector<16xf32> to vector<1x1x16xf32>
        tpu.vector_store %arg6[%swap3A_654, %swap3A_655, %swap3A_656], %swap3A_659 {strides = array<i32>} : memref<4x256x64xf32, #tpu.memory_space<vmem>>, vector<1x1x16xf32>,
        %get3A_660 = arith.constant 0 : i32
        %get3A_661 = arith.index_cast %get3A_660 : i32 to index
        %get3A_662 = arith.index_cast %scan3A_643 : i32 to index
        %get3A_663 = arith.constant 16 : index
        %get3A_664 = tpu.vector_load %arg6[%get3A_661, %get3A_662, %get3A_663] {strides = array<i32>} : memref<4x256x64xf32, #tpu.memory_space<vmem>>, vector<1x1x16xf32>,
        %get3A_665 = vector.shape_cast %get3A_664 : vector<1x1x16xf32> to vector<16xf32>
        %mul3A_666 = arith.constant 8.000000e+00 : f32
        %mul3A_667 = vector.broadcast %mul3A_666 : f32 to vector<16xf32>
        %mul3A_668 = arith.mulf %get3A_665, %mul3A_667 : vector<16xf32>
        %swap3A_669 = arith.constant 0 : i32
        %swap3A_670 = arith.index_cast %swap3A_669 : i32 to index
        %swap3A_671 = arith.index_cast %scan3A_643 : i32 to index
        %swap3A_672 = arith.constant 16 : index
        %swap3A_673 = tpu.vector_load %arg6[%swap3A_670, %swap3A_671, %swap3A_672] {strides = array<i32>} : memref<4x256x64xf32, #tpu.memory_space<vmem>>, vector<1x1x16xf32>,
        %swap3A_674 = vector.shape_cast %swap3A_673 : vector<1x1x16xf32> to vector<16xf32>
        %swap3A_675 = vector.shape_cast %mul3A_668 : vector<16xf32> to vector<1x1x16xf32>
        tpu.vector_store %arg6[%swap3A_670, %swap3A_671, %swap3A_672], %swap3A_675 {strides = array<i32>} : memref<4x256x64xf32, #tpu.memory_space<vmem>>, vector<1x1x16xf32>,
        %get3A_676 = arith.constant 0 : i32
        %get3A_677 = arith.index_cast %get3A_676 : i32 to index
        %get3A_678 = arith.index_cast %scan3A_643 : i32 to index
        %get3A_679 = arith.constant 32 : index
        %get3A_680 = tpu.vector_load %arg6[%get3A_677, %get3A_678, %get3A_679] {strides = array<i32>} : memref<4x256x64xf32, #tpu.memory_space<vmem>>, vector<1x1x16xf32>,
        %get3A_681 = vector.shape_cast %get3A_680 : vector<1x1x16xf32> to vector<16xf32>
        %mul3A_682 = arith.constant 8.000000e+00 : f32
        %mul3A_683 = vector.broadcast %mul3A_682 : f32 to vector<16xf32>
        %mul3A_684 = arith.mulf %get3A_681, %mul3A_683 : vector<16xf32>
        %swap3A_685 = arith.constant 0 : i32
        %swap3A_686 = arith.index_cast %swap3A_685 : i32 to index
        %swap3A_687 = arith.index_cast %scan3A_643 : i32 to index
        %swap3A_688 = arith.constant 32 : index
        %swap3A_689 = tpu.vector_load %arg6[%swap3A_686, %swap3A_687, %swap3A_688] {strides = array<i32>} : memref<4x256x64xf32, #tpu.memory_space<vmem>>, vector<1x1x16xf32>,
        %swap3A_690 = vector.shape_cast %swap3A_689 : vector<1x1x16xf32> to vector<16xf32>
        %swap3A_691 = vector.shape_cast %mul3A_684 : vector<16xf32> to vector<1x1x16xf32>
        tpu.vector_store %arg6[%swap3A_686, %swap3A_687, %swap3A_688], %swap3A_691 {strides = array<i32>} : memref<4x256x64xf32, #tpu.memory_space<vmem>>, vector<1x1x16xf32>,
        %get3A_692 = arith.constant 0 : i32
        %get3A_693 = arith.index_cast %get3A_692 : i32 to index
        %get3A_694 = arith.index_cast %scan3A_643 : i32 to index
        %get3A_695 = arith.constant 48 : index
        %get3A_696 = tpu.vector_load %arg6[%get3A_693, %get3A_694, %get3A_695] {strides = array<i32>} : memref<4x256x64xf32, #tpu.memory_space<vmem>>, vector<1x1x16xf32>,
        %get3A_697 = vector.shape_cast %get3A_696 : vector<1x1x16xf32> to vector<16xf32>
        %mul3A_698 = arith.constant 8.000000e+00 : f32
        %mul3A_699 = vector.broadcast %mul3A_698 : f32 to vector<16xf32>
        %mul3A_700 = arith.mulf %get3A_697, %mul3A_699 : vector<16xf32>
        %swap3A_701 = arith.constant 0 : i32
        %swap3A_702 = arith.index_cast %swap3A_701 : i32 to index
        %swap3A_703 = arith.index_cast %scan3A_643 : i32 to index
        %swap3A_704 = arith.constant 48 : index
        %swap3A_705 = tpu.vector_load %arg6[%swap3A_702, %swap3A_703, %swap3A_704] {strides = array<i32>} : memref<4x256x64xf32, #tpu.memory_space<vmem>>, vector<1x1x16xf32>,
        %swap3A_706 = vector.shape_cast %swap3A_705 : vector<1x1x16xf32> to vector<16xf32>
        %swap3A_707 = vector.shape_cast %mul3A_700 : vector<16xf32> to vector<1x1x16xf32>
        tpu.vector_store %arg6[%swap3A_702, %swap3A_703, %swap3A_704], %swap3A_707 {strides = array<i32>} : memref<4x256x64xf32, #tpu.memory_space<vmem>>, vector<1x1x16xf32>,
        %scan3A_708 = arith.constant 7 : i32
        %scan3A_709 = arith.addi %scan3A_249, %scan3A_708 : i32
        %get3A_710 = arith.constant 0 : i32
        %get3A_711 = arith.index_cast %get3A_710 : i32 to index
        %get3A_712 = arith.index_cast %scan3A_709 : i32 to index
        %get3A_713 = arith.constant 0 : index
        %get3A_714 = tpu.vector_load %arg6[%get3A_711, %get3A_712, %get3A_713] {strides = array<i32>} : memref<4x256x64xf32, #tpu.memory_space<vmem>>, vector<1x1x16xf32>,
        %get3A_715 = vector.shape_cast %get3A_714 : vector<1x1x16xf32> to vector<16xf32>
        %mul3A_716 = arith.constant 8.000000e+00 : f32
        %mul3A_717 = vector.broadcast %mul3A_716 : f32 to vector<16xf32>
        %mul3A_718 = arith.mulf %get3A_715, %mul3A_717 : vector<16xf32>
        %swap3A_719 = arith.constant 0 : i32
        %swap3A_720 = arith.index_cast %swap3A_719 : i32 to index
        %swap3A_721 = arith.index_cast %scan3A_709 : i32 to index
        %swap3A_722 = arith.constant 0 : index
        %swap3A_723 = tpu.vector_load %arg6[%swap3A_720, %swap3A_721, %swap3A_722] {strides = array<i32>} : memref<4x256x64xf32, #tpu.memory_space<vmem>>, vector<1x1x16xf32>,
        %swap3A_724 = vector.shape_cast %swap3A_723 : vector<1x1x16xf32> to vector<16xf32>
        %swap3A_725 = vector.shape_cast %mul3A_718 : vector<16xf32> to vector<1x1x16xf32>
        tpu.vector_store %arg6[%swap3A_720, %swap3A_721, %swap3A_722], %swap3A_725 {strides = array<i32>} : memref<4x256x64xf32, #tpu.memory_space<vmem>>, vector<1x1x16xf32>,
        %get3A_726 = arith.constant 0 : i32
        %get3A_727 = arith.index_cast %get3A_726 : i32 to index
        %get3A_728 = arith.index_cast %scan3A_709 : i32 to index
        %get3A_729 = arith.constant 16 : index
        %get3A_730 = tpu.vector_load %arg6[%get3A_727, %get3A_728, %get3A_729] {strides = array<i32>} : memref<4x256x64xf32, #tpu.memory_space<vmem>>, vector<1x1x16xf32>,
        %get3A_731 = vector.shape_cast %get3A_730 : vector<1x1x16xf32> to vector<16xf32>
        %mul3A_732 = arith.constant 8.000000e+00 : f32
        %mul3A_733 = vector.broadcast %mul3A_732 : f32 to vector<16xf32>
        %mul3A_734 = arith.mulf %get3A_731, %mul3A_733 : vector<16xf32>
        %swap3A_735 = arith.constant 0 : i32
        %swap3A_736 = arith.index_cast %swap3A_735 : i32 to index
        %swap3A_737 = arith.index_cast %scan3A_709 : i32 to index
        %swap3A_738 = arith.constant 16 : index
        %swap3A_739 = tpu.vector_load %arg6[%swap3A_736, %swap3A_737, %swap3A_738] {strides = array<i32>} : memref<4x256x64xf32, #tpu.memory_space<vmem>>, vector<1x1x16xf32>,
        %swap3A_740 = vector.shape_cast %swap3A_739 : vector<1x1x16xf32> to vector<16xf32>
        %swap3A_741 = vector.shape_cast %mul3A_734 : vector<16xf32> to vector<1x1x16xf32>
        tpu.vector_store %arg6[%swap3A_736, %swap3A_737, %swap3A_738], %swap3A_741 {strides = array<i32>} : memref<4x256x64xf32, #tpu.memory_space<vmem>>, vector<1x1x16xf32>,
        %get3A_742 = arith.constant 0 : i32
        %get3A_743 = arith.index_cast %get3A_742 : i32 to index
        %get3A_744 = arith.index_cast %scan3A_709 : i32 to index
        %get3A_745 = arith.constant 32 : index
        %get3A_746 = tpu.vector_load %arg6[%get3A_743, %get3A_744, %get3A_745] {strides = array<i32>} : memref<4x256x64xf32, #tpu.memory_space<vmem>>, vector<1x1x16xf32>,
        %get3A_747 = vector.shape_cast %get3A_746 : vector<1x1x16xf32> to vector<16xf32>
        %mul3A_748 = arith.constant 8.000000e+00 : f32
        %mul3A_749 = vector.broadcast %mul3A_748 : f32 to vector<16xf32>
        %mul3A_750 = arith.mulf %get3A_747, %mul3A_749 : vector<16xf32>
        %swap3A_751 = arith.constant 0 : i32
        %swap3A_752 = arith.index_cast %swap3A_751 : i32 to index
        %swap3A_753 = arith.index_cast %scan3A_709 : i32 to index
        %swap3A_754 = arith.constant 32 : index
        %swap3A_755 = tpu.vector_load %arg6[%swap3A_752, %swap3A_753, %swap3A_754] {strides = array<i32>} : memref<4x256x64xf32, #tpu.memory_space<vmem>>, vector<1x1x16xf32>,
        %swap3A_756 = vector.shape_cast %swap3A_755 : vector<1x1x16xf32> to vector<16xf32>
        %swap3A_757 = vector.shape_cast %mul3A_750 : vector<16xf32> to vector<1x1x16xf32>
        tpu.vector_store %arg6[%swap3A_752, %swap3A_753, %swap3A_754], %swap3A_757 {strides = array<i32>} : memref<4x256x64xf32, #tpu.memory_space<vmem>>, vector<1x1x16xf32>,
        %get3A_758 = arith.constant 0 : i32
        %get3A_759 = arith.index_cast %get3A_758 : i32 to index
        %get3A_760 = arith.index_cast %scan3A_709 : i32 to index
        %get3A_761 = arith.constant 48 : index
        %get3A_762 = tpu.vector_load %arg6[%get3A_759, %get3A_760, %get3A_761] {strides = array<i32>} : memref<4x256x64xf32, #tpu.memory_space<vmem>>, vector<1x1x16xf32>,
        %get3A_763 = vector.shape_cast %get3A_762 : vector<1x1x16xf32> to vector<16xf32>
        %mul3A_764 = arith.constant 8.000000e+00 : f32
        %mul3A_765 = vector.broadcast %mul3A_764 : f32 to vector<16xf32>
        %mul3A_766 = arith.mulf %get3A_763, %mul3A_765 : vector<16xf32>
        %swap3A_767 = arith.constant 0 : i32
        %swap3A_768 = arith.index_cast %swap3A_767 : i32 to index
        %swap3A_769 = arith.index_cast %scan3A_709 : i32 to index
        %swap3A_770 = arith.constant 48 : index
        %swap3A_771 = tpu.vector_load %arg6[%swap3A_768, %swap3A_769, %swap3A_770] {strides = array<i32>} : memref<4x256x64xf32, #tpu.memory_space<vmem>>, vector<1x1x16xf32>,
        %swap3A_772 = vector.shape_cast %swap3A_771 : vector<1x1x16xf32> to vector<16xf32>
        %swap3A_773 = vector.shape_cast %mul3A_766 : vector<16xf32> to vector<1x1x16xf32>
        tpu.vector_store %arg6[%swap3A_768, %swap3A_769, %swap3A_770], %swap3A_773 {strides = array<i32>} : memref<4x256x64xf32, #tpu.memory_space<vmem>>, vector<1x1x16xf32>,
      }
      %scan3A_85 = arith.constant 256 : i32
      %mul3A_86 = arith.constant 256 : i32
      %mul3A_87 = arith.muli %add3A_60, %mul3A_86 : i32
      %add3A_88 = arith.addi %mul3A_2, %mul3A_87 : i32
      %dma_start3A_89 = arith.constant 0 : i32
      %dma_start3A_90 = arith.constant 0 : i32
      %dma_start3A_91 = arith.constant 0 : i32
      %dma_start3A_92 = tpu.memref_slice %arg6[%dma_start3A_89, %dma_start3A_90, %dma_start3A_91] : memref<4x256x64xf32, #tpu.memory_space<vmem>> -> memref<1x256x64xf32, #tpu.memory_space<vmem>>
      %dma_start3A_93 = tpu.memref_squeeze %dma_start3A_92 : memref<1x256x64xf32, #tpu.memory_space<vmem>> -> memref<256x64xf32, #tpu.memory_space<vmem>>
      %dma_start3A_94 = arith.constant 0 : i32
      %dma_start3A_95 = tpu.memref_slice %arg4[%add3A_88, %dma_start3A_94] : memref<819200x64xf32, #tpu.memory_space<hbm>> -> memref<256x64xf32, #tpu.memory_space<hbm>>
      %dma_start3A_96 = arith.constant 0 : i32
      %dma_start3A_97 = tpu.memref_slice %arg4[%add3A_88, %dma_start3A_96] : memref<819200x64xf32, #tpu.memory_space<hbm>> -> memref<256x64xf32, #tpu.memory_space<hbm>>
      %dma_start3A_98 = arith.constant 0 : i32
      %dma_start3A_99 = arith.constant 0 : i32
      %dma_start3A_100 = tpu.memref_slice %arg6[%dma_start3A_89, %dma_start3A_98, %dma_start3A_99] : memref<4x256x64xf32, #tpu.memory_space<vmem>> -> memref<1x256x64xf32, #tpu.memory_space<vmem>>
      %dma_start3A_101 = tpu.memref_squeeze %dma_start3A_100 : memref<1x256x64xf32, #tpu.memory_space<vmem>> -> memref<256x64xf32, #tpu.memory_space<vmem>>
      tpu.enqueue_dma source(%dma_start3A_101 : memref<256x64xf32, #tpu.memory_space<vmem>>) target(%dma_start3A_97 : memref<256x64xf32, #tpu.memory_space<hbm>>) target_semaphore(%arg11 : memref<!tpu.dma_semaphore, #tpu.memory_space<semaphore_mem>>)
      %mul3A_102 = arith.constant 4 : i32
      %mul3A_103 = arith.muli %scan3A_56, %mul3A_102 : i32
      %add3A_104 = arith.constant 1 : i32
      %add3A_105 = arith.addi %mul3A_103, %add3A_104 : i32
      %ge3A_106 = arith.constant 2 : i32
      %ge3A_107 = arith.cmpi sge, %add3A_105, %ge3A_106 : i32
      %convert_element_type3A_108 = arith.extui %ge3A_107 : i1 to i32
      %cond3A_109 = arith.constant 0 : i32
      %cond3A_110 = arith.cmpi ne, %convert_element_type3A_108, %cond3A_109 : i32
      scf.if %cond3A_110 {
        %sub3A = arith.constant 2 : i32
        %sub3A_249 = arith.subi %add3A_105, %sub3A : i32
        %mul3A_250 = arith.constant 256 : i32
        %mul3A_251 = arith.muli %sub3A_249, %mul3A_250 : i32
        %add3A_252 = arith.addi %mul3A_2, %mul3A_251 : i32
        %dma_wait3A_253 = arith.constant 3 : i32
        %dma_wait3A_254 = arith.constant 0 : i32
        %dma_wait3A_255 = arith.constant 0 : i32
        %dma_wait3A_256 = tpu.memref_slice %arg6[%dma_wait3A_253, %dma_wait3A_254, %dma_wait3A_255] : memref<4x256x64xf32, #tpu.memory_space<vmem>> -> memref<1x256x64xf32, #tpu.memory_space<vmem>>
        %dma_wait3A_257 = tpu.memref_squeeze %dma_wait3A_256 : memref<1x256x64xf32, #tpu.memory_space<vmem>> -> memref<256x64xf32, #tpu.memory_space<vmem>>
        %dma_wait3A_258 = arith.constant 0 : i32
        %dma_wait3A_259 = tpu.memref_slice %arg4[%add3A_252, %dma_wait3A_258] : memref<819200x64xf32, #tpu.memory_space<hbm>> -> memref<256x64xf32, #tpu.memory_space<hbm>>
        %dma_wait3A_260 = arith.constant 0 : i32
        %dma_wait3A_261 = tpu.memref_slice %arg4[%add3A_252, %dma_wait3A_260] : memref<819200x64xf32, #tpu.memory_space<hbm>> -> memref<256x64xf32, #tpu.memory_space<hbm>>
        %dma_wait3A_262 = arith.constant 0 : i32
        %dma_wait3A_263 = arith.constant 0 : i32
        %dma_wait3A_264 = tpu.memref_slice %arg6[%dma_wait3A_253, %dma_wait3A_262, %dma_wait3A_263] : memref<4x256x64xf32, #tpu.memory_space<vmem>> -> memref<1x256x64xf32, #tpu.memory_space<vmem>>
        %dma_wait3A_265 = tpu.memref_squeeze %dma_wait3A_264 : memref<1x256x64xf32, #tpu.memory_space<vmem>> -> memref<256x64xf32, #tpu.memory_space<vmem>>
        tpu.wait_dma2 semaphore(%arg14 : memref<!tpu.dma_semaphore, #tpu.memory_space<semaphore_mem>>) src(%dma_wait3A_265 : memref<256x64xf32, #tpu.memory_space<vmem>>) dst(%dma_wait3A_261 : memref<256x64xf32, #tpu.memory_space<hbm>>)
      } else {
      }
      %add3A_111 = arith.constant 2 : i32
      %add3A_112 = arith.addi %add3A_105, %add3A_111 : i32
      %lt3A_113 = arith.constant 100 : i32
      %lt3A_114 = arith.cmpi slt, %add3A_112, %lt3A_113 : i32
      %convert_element_type3A_115 = arith.extui %lt3A_114 : i1 to i32
      %cond3A_116 = arith.constant 0 : i32
      %cond3A_117 = arith.cmpi ne, %convert_element_type3A_115, %cond3A_116 : i32
      scf.if %cond3A_117 {
        %add3A_249 = arith.constant 2 : i32
        %add3A_250 = arith.addi %add3A_105, %add3A_249 : i32
        %mul3A_251 = arith.constant 256 : i32
        %mul3A_252 = arith.muli %add3A_250, %mul3A_251 : i32
        %dma_start3A_253 = arith.constant 3 : i32
        %dma_start3A_254 = arith.constant 0 : i32
        %dma_start3A_255 = arith.constant 0 : i32
        %dma_start3A_256 = tpu.memref_slice %arg6[%dma_start3A_253, %dma_start3A_254, %dma_start3A_255] : memref<4x256x64xf32, #tpu.memory_space<vmem>> -> memref<1x256x64xf32, #tpu.memory_space<vmem>>
        %dma_start3A_257 = tpu.memref_squeeze %dma_start3A_256 : memref<1x256x64xf32, #tpu.memory_space<vmem>> -> memref<256x64xf32, #tpu.memory_space<vmem>>
        %dma_start3A_258 = tpu.memref_slice %arg5[%mul3A_252] : memref<25600xi32, #tpu.memory_space<vmem>> -> memref<256xi32, #tpu.memory_space<vmem>>
        %dma_start3A_259 = arith.constant 0 : i32
        %dma_start3A_260 = arith.constant 0 : i32
        %dma_start3A_261 = tpu.memref_slice %arg2[%dma_start3A_259, %dma_start3A_260] : memref<1000000x64xf32, #tpu.memory_space<hbm>> -> memref<1000000x64xf32, #tpu.memory_space<hbm>>
        tpu.enqueue_indirect_dma source(%dma_start3A_261 : memref<1000000x64xf32, #tpu.memory_space<hbm>>) target(%dma_start3A_257 : memref<256x64xf32, #tpu.memory_space<vmem>>) offsets(%dma_start3A_258 : memref<256xi32, #tpu.memory_space<vmem>>) semaphore(%arg10 : memref<!tpu.dma_semaphore, #tpu.memory_space<semaphore_mem>>)
      } else {
      }
      %mul3A_118 = arith.constant 256 : i32
      %mul3A_119 = arith.muli %add3A_105, %mul3A_118 : i32
      %dma_wait3A_120 = arith.constant 1 : i32
      %dma_wait3A_121 = arith.constant 0 : i32
      %dma_wait3A_122 = arith.constant 0 : i32
      %dma_wait3A_123 = tpu.memref_slice %arg6[%dma_wait3A_120, %dma_wait3A_121, %dma_wait3A_122] : memref<4x256x64xf32, #tpu.memory_space<vmem>> -> memref<1x256x64xf32, #tpu.memory_space<vmem>>
      %dma_wait3A_124 = tpu.memref_squeeze %dma_wait3A_123 : memref<1x256x64xf32, #tpu.memory_space<vmem>> -> memref<256x64xf32, #tpu.memory_space<vmem>>
      %dma_wait3A_125 = tpu.memref_slice %arg5[%mul3A_119] : memref<25600xi32, #tpu.memory_space<vmem>> -> memref<256xi32, #tpu.memory_space<vmem>>
      %dma_wait3A_126 = arith.constant 0 : i32
      %dma_wait3A_127 = arith.constant 0 : i32
      %dma_wait3A_128 = tpu.memref_slice %arg2[%dma_wait3A_126, %dma_wait3A_127] : memref<1000000x64xf32, #tpu.memory_space<hbm>> -> memref<1000000x64xf32, #tpu.memory_space<hbm>>
      tpu.wait_indirect_dma semaphore(%arg8 : memref<!tpu.dma_semaphore, #tpu.memory_space<semaphore_mem>>) src(%dma_wait3A_128 : memref<1000000x64xf32, #tpu.memory_space<hbm>>) dst(%dma_wait3A_124 : memref<256x64xf32, #tpu.memory_space<vmem>>)
      %scan3A_129 = arith.constant 0 : i32
      %scan3A_130 = arith.constant 0 : i32
      %scan3A_131 = arith.constant 256 : i32
      %scan3A_132 = arith.addi %scan3A_130, %scan3A_131 : i32
      %scan3A_133 = arith.constant 8 : i32
      scf.for %scan3A_249 = %scan3A_130 to %scan3A_132 step %scan3A_133  : i32 {
        %get3A = arith.constant 1 : i32
        %get3A_250 = arith.index_cast %get3A : i32 to index
        %get3A_251 = arith.index_cast %scan3A_249 : i32 to index
        %get3A_252 = arith.constant 0 : index
        %get3A_253 = tpu.vector_load %arg6[%get3A_250, %get3A_251, %get3A_252] {strides = array<i32>} : memref<4x256x64xf32, #tpu.memory_space<vmem>>, vector<1x1x16xf32>,
        %get3A_254 = vector.shape_cast %get3A_253 : vector<1x1x16xf32> to vector<16xf32>
        %mul3A_255 = arith.constant 8.000000e+00 : f32
        %mul3A_256 = vector.broadcast %mul3A_255 : f32 to vector<16xf32>
        %mul3A_257 = arith.mulf %get3A_254, %mul3A_256 : vector<16xf32>
        %swap3A = arith.constant 1 : i32
        %swap3A_258 = arith.index_cast %swap3A : i32 to index
        %swap3A_259 = arith.index_cast %scan3A_249 : i32 to index
        %swap3A_260 = arith.constant 0 : index
        %swap3A_261 = tpu.vector_load %arg6[%swap3A_258, %swap3A_259, %swap3A_260] {strides = array<i32>} : memref<4x256x64xf32, #tpu.memory_space<vmem>>, vector<1x1x16xf32>,
        %swap3A_262 = vector.shape_cast %swap3A_261 : vector<1x1x16xf32> to vector<16xf32>
        %swap3A_263 = vector.shape_cast %mul3A_257 : vector<16xf32> to vector<1x1x16xf32>
        tpu.vector_store %arg6[%swap3A_258, %swap3A_259, %swap3A_260], %swap3A_263 {strides = array<i32>} : memref<4x256x64xf32, #tpu.memory_space<vmem>>, vector<1x1x16xf32>,
        %get3A_264 = arith.constant 1 : i32
        %get3A_265 = arith.index_cast %get3A_264 : i32 to index
        %get3A_266 = arith.index_cast %scan3A_249 : i32 to index
        %get3A_267 = arith.constant 16 : index
        %get3A_268 = tpu.vector_load %arg6[%get3A_265, %get3A_266, %get3A_267] {strides = array<i32>} : memref<4x256x64xf32, #tpu.memory_space<vmem>>, vector<1x1x16xf32>,
        %get3A_269 = vector.shape_cast %get3A_268 : vector<1x1x16xf32> to vector<16xf32>
        %mul3A_270 = arith.constant 8.000000e+00 : f32
        %mul3A_271 = vector.broadcast %mul3A_270 : f32 to vector<16xf32>
        %mul3A_272 = arith.mulf %get3A_269, %mul3A_271 : vector<16xf32>
        %swap3A_273 = arith.constant 1 : i32
        %swap3A_274 = arith.index_cast %swap3A_273 : i32 to index
        %swap3A_275 = arith.index_cast %scan3A_249 : i32 to index
        %swap3A_276 = arith.constant 16 : index
        %swap3A_277 = tpu.vector_load %arg6[%swap3A_274, %swap3A_275, %swap3A_276] {strides = array<i32>} : memref<4x256x64xf32, #tpu.memory_space<vmem>>, vector<1x1x16xf32>,
        %swap3A_278 = vector.shape_cast %swap3A_277 : vector<1x1x16xf32> to vector<16xf32>
        %swap3A_279 = vector.shape_cast %mul3A_272 : vector<16xf32> to vector<1x1x16xf32>
        tpu.vector_store %arg6[%swap3A_274, %swap3A_275, %swap3A_276], %swap3A_279 {strides = array<i32>} : memref<4x256x64xf32, #tpu.memory_space<vmem>>, vector<1x1x16xf32>,
        %get3A_280 = arith.constant 1 : i32
        %get3A_281 = arith.index_cast %get3A_280 : i32 to index
        %get3A_282 = arith.index_cast %scan3A_249 : i32 to index
        %get3A_283 = arith.constant 32 : index
        %get3A_284 = tpu.vector_load %arg6[%get3A_281, %get3A_282, %get3A_283] {strides = array<i32>} : memref<4x256x64xf32, #tpu.memory_space<vmem>>, vector<1x1x16xf32>,
        %get3A_285 = vector.shape_cast %get3A_284 : vector<1x1x16xf32> to vector<16xf32>
        %mul3A_286 = arith.constant 8.000000e+00 : f32
        %mul3A_287 = vector.broadcast %mul3A_286 : f32 to vector<16xf32>
        %mul3A_288 = arith.mulf %get3A_285, %mul3A_287 : vector<16xf32>
        %swap3A_289 = arith.constant 1 : i32
        %swap3A_290 = arith.index_cast %swap3A_289 : i32 to index
        %swap3A_291 = arith.index_cast %scan3A_249 : i32 to index
        %swap3A_292 = arith.constant 32 : index
        %swap3A_293 = tpu.vector_load %arg6[%swap3A_290, %swap3A_291, %swap3A_292] {strides = array<i32>} : memref<4x256x64xf32, #tpu.memory_space<vmem>>, vector<1x1x16xf32>,
        %swap3A_294 = vector.shape_cast %swap3A_293 : vector<1x1x16xf32> to vector<16xf32>
        %swap3A_295 = vector.shape_cast %mul3A_288 : vector<16xf32> to vector<1x1x16xf32>
        tpu.vector_store %arg6[%swap3A_290, %swap3A_291, %swap3A_292], %swap3A_295 {strides = array<i32>} : memref<4x256x64xf32, #tpu.memory_space<vmem>>, vector<1x1x16xf32>,
        %get3A_296 = arith.constant 1 : i32
        %get3A_297 = arith.index_cast %get3A_296 : i32 to index
        %get3A_298 = arith.index_cast %scan3A_249 : i32 to index
        %get3A_299 = arith.constant 48 : index
        %get3A_300 = tpu.vector_load %arg6[%get3A_297, %get3A_298, %get3A_299] {strides = array<i32>} : memref<4x256x64xf32, #tpu.memory_space<vmem>>, vector<1x1x16xf32>,
        %get3A_301 = vector.shape_cast %get3A_300 : vector<1x1x16xf32> to vector<16xf32>
        %mul3A_302 = arith.constant 8.000000e+00 : f32
        %mul3A_303 = vector.broadcast %mul3A_302 : f32 to vector<16xf32>
        %mul3A_304 = arith.mulf %get3A_301, %mul3A_303 : vector<16xf32>
        %swap3A_305 = arith.constant 1 : i32
        %swap3A_306 = arith.index_cast %swap3A_305 : i32 to index
        %swap3A_307 = arith.index_cast %scan3A_249 : i32 to index
        %swap3A_308 = arith.constant 48 : index
        %swap3A_309 = tpu.vector_load %arg6[%swap3A_306, %swap3A_307, %swap3A_308] {strides = array<i32>} : memref<4x256x64xf32, #tpu.memory_space<vmem>>, vector<1x1x16xf32>,
        %swap3A_310 = vector.shape_cast %swap3A_309 : vector<1x1x16xf32> to vector<16xf32>
        %swap3A_311 = vector.shape_cast %mul3A_304 : vector<16xf32> to vector<1x1x16xf32>
        tpu.vector_store %arg6[%swap3A_306, %swap3A_307, %swap3A_308], %swap3A_311 {strides = array<i32>} : memref<4x256x64xf32, #tpu.memory_space<vmem>>, vector<1x1x16xf32>,
        %scan3A_312 = arith.constant 1 : i32
        %scan3A_313 = arith.addi %scan3A_249, %scan3A_312 : i32
        %get3A_314 = arith.constant 1 : i32
        %get3A_315 = arith.index_cast %get3A_314 : i32 to index
        %get3A_316 = arith.index_cast %scan3A_313 : i32 to index
        %get3A_317 = arith.constant 0 : index
        %get3A_318 = tpu.vector_load %arg6[%get3A_315, %get3A_316, %get3A_317] {strides = array<i32>} : memref<4x256x64xf32, #tpu.memory_space<vmem>>, vector<1x1x16xf32>,
        %get3A_319 = vector.shape_cast %get3A_318 : vector<1x1x16xf32> to vector<16xf32>
        %mul3A_320 = arith.constant 8.000000e+00 : f32
        %mul3A_321 = vector.broadcast %mul3A_320 : f32 to vector<16xf32>
        %mul3A_322 = arith.mulf %get3A_319, %mul3A_321 : vector<16xf32>
        %swap3A_323 = arith.constant 1 : i32
        %swap3A_324 = arith.index_cast %swap3A_323 : i32 to index
        %swap3A_325 = arith.index_cast %scan3A_313 : i32 to index
        %swap3A_326 = arith.constant 0 : index
        %swap3A_327 = tpu.vector_load %arg6[%swap3A_324, %swap3A_325, %swap3A_326] {strides = array<i32>} : memref<4x256x64xf32, #tpu.memory_space<vmem>>, vector<1x1x16xf32>,
        %swap3A_328 = vector.shape_cast %swap3A_327 : vector<1x1x16xf32> to vector<16xf32>
        %swap3A_329 = vector.shape_cast %mul3A_322 : vector<16xf32> to vector<1x1x16xf32>
        tpu.vector_store %arg6[%swap3A_324, %swap3A_325, %swap3A_326], %swap3A_329 {strides = array<i32>} : memref<4x256x64xf32, #tpu.memory_space<vmem>>, vector<1x1x16xf32>,
        %get3A_330 = arith.constant 1 : i32
        %get3A_331 = arith.index_cast %get3A_330 : i32 to index
        %get3A_332 = arith.index_cast %scan3A_313 : i32 to index
        %get3A_333 = arith.constant 16 : index
        %get3A_334 = tpu.vector_load %arg6[%get3A_331, %get3A_332, %get3A_333] {strides = array<i32>} : memref<4x256x64xf32, #tpu.memory_space<vmem>>, vector<1x1x16xf32>,
        %get3A_335 = vector.shape_cast %get3A_334 : vector<1x1x16xf32> to vector<16xf32>
        %mul3A_336 = arith.constant 8.000000e+00 : f32
        %mul3A_337 = vector.broadcast %mul3A_336 : f32 to vector<16xf32>
        %mul3A_338 = arith.mulf %get3A_335, %mul3A_337 : vector<16xf32>
        %swap3A_339 = arith.constant 1 : i32
        %swap3A_340 = arith.index_cast %swap3A_339 : i32 to index
        %swap3A_341 = arith.index_cast %scan3A_313 : i32 to index
        %swap3A_342 = arith.constant 16 : index
        %swap3A_343 = tpu.vector_load %arg6[%swap3A_340, %swap3A_341, %swap3A_342] {strides = array<i32>} : memref<4x256x64xf32, #tpu.memory_space<vmem>>, vector<1x1x16xf32>,
        %swap3A_344 = vector.shape_cast %swap3A_343 : vector<1x1x16xf32> to vector<16xf32>
        %swap3A_345 = vector.shape_cast %mul3A_338 : vector<16xf32> to vector<1x1x16xf32>
        tpu.vector_store %arg6[%swap3A_340, %swap3A_341, %swap3A_342], %swap3A_345 {strides = array<i32>} : memref<4x256x64xf32, #tpu.memory_space<vmem>>, vector<1x1x16xf32>,
        %get3A_346 = arith.constant 1 : i32
        %get3A_347 = arith.index_cast %get3A_346 : i32 to index
        %get3A_348 = arith.index_cast %scan3A_313 : i32 to index
        %get3A_349 = arith.constant 32 : index
        %get3A_350 = tpu.vector_load %arg6[%get3A_347, %get3A_348, %get3A_349] {strides = array<i32>} : memref<4x256x64xf32, #tpu.memory_space<vmem>>, vector<1x1x16xf32>,
        %get3A_351 = vector.shape_cast %get3A_350 : vector<1x1x16xf32> to vector<16xf32>
        %mul3A_352 = arith.constant 8.000000e+00 : f32
        %mul3A_353 = vector.broadcast %mul3A_352 : f32 to vector<16xf32>
        %mul3A_354 = arith.mulf %get3A_351, %mul3A_353 : vector<16xf32>
        %swap3A_355 = arith.constant 1 : i32
        %swap3A_356 = arith.index_cast %swap3A_355 : i32 to index
        %swap3A_357 = arith.index_cast %scan3A_313 : i32 to index
        %swap3A_358 = arith.constant 32 : index
        %swap3A_359 = tpu.vector_load %arg6[%swap3A_356, %swap3A_357, %swap3A_358] {strides = array<i32>} : memref<4x256x64xf32, #tpu.memory_space<vmem>>, vector<1x1x16xf32>,
        %swap3A_360 = vector.shape_cast %swap3A_359 : vector<1x1x16xf32> to vector<16xf32>
        %swap3A_361 = vector.shape_cast %mul3A_354 : vector<16xf32> to vector<1x1x16xf32>
        tpu.vector_store %arg6[%swap3A_356, %swap3A_357, %swap3A_358], %swap3A_361 {strides = array<i32>} : memref<4x256x64xf32, #tpu.memory_space<vmem>>, vector<1x1x16xf32>,
        %get3A_362 = arith.constant 1 : i32
        %get3A_363 = arith.index_cast %get3A_362 : i32 to index
        %get3A_364 = arith.index_cast %scan3A_313 : i32 to index
        %get3A_365 = arith.constant 48 : index
        %get3A_366 = tpu.vector_load %arg6[%get3A_363, %get3A_364, %get3A_365] {strides = array<i32>} : memref<4x256x64xf32, #tpu.memory_space<vmem>>, vector<1x1x16xf32>,
        %get3A_367 = vector.shape_cast %get3A_366 : vector<1x1x16xf32> to vector<16xf32>
        %mul3A_368 = arith.constant 8.000000e+00 : f32
        %mul3A_369 = vector.broadcast %mul3A_368 : f32 to vector<16xf32>
        %mul3A_370 = arith.mulf %get3A_367, %mul3A_369 : vector<16xf32>
        %swap3A_371 = arith.constant 1 : i32
        %swap3A_372 = arith.index_cast %swap3A_371 : i32 to index
        %swap3A_373 = arith.index_cast %scan3A_313 : i32 to index
        %swap3A_374 = arith.constant 48 : index
        %swap3A_375 = tpu.vector_load %arg6[%swap3A_372, %swap3A_373, %swap3A_374] {strides = array<i32>} : memref<4x256x64xf32, #tpu.memory_space<vmem>>, vector<1x1x16xf32>,
        %swap3A_376 = vector.shape_cast %swap3A_375 : vector<1x1x16xf32> to vector<16xf32>
        %swap3A_377 = vector.shape_cast %mul3A_370 : vector<16xf32> to vector<1x1x16xf32>
        tpu.vector_store %arg6[%swap3A_372, %swap3A_373, %swap3A_374], %swap3A_377 {strides = array<i32>} : memref<4x256x64xf32, #tpu.memory_space<vmem>>, vector<1x1x16xf32>,
        %scan3A_378 = arith.constant 2 : i32
        %scan3A_379 = arith.addi %scan3A_249, %scan3A_378 : i32
        %get3A_380 = arith.constant 1 : i32
        %get3A_381 = arith.index_cast %get3A_380 : i32 to index
        %get3A_382 = arith.index_cast %scan3A_379 : i32 to index
        %get3A_383 = arith.constant 0 : index
        %get3A_384 = tpu.vector_load %arg6[%get3A_381, %get3A_382, %get3A_383] {strides = array<i32>} : memref<4x256x64xf32, #tpu.memory_space<vmem>>, vector<1x1x16xf32>,
        %get3A_385 = vector.shape_cast %get3A_384 : vector<1x1x16xf32> to vector<16xf32>
        %mul3A_386 = arith.constant 8.000000e+00 : f32
        %mul3A_387 = vector.broadcast %mul3A_386 : f32 to vector<16xf32>
        %mul3A_388 = arith.mulf %get3A_385, %mul3A_387 : vector<16xf32>
        %swap3A_389 = arith.constant 1 : i32
        %swap3A_390 = arith.index_cast %swap3A_389 : i32 to index
        %swap3A_391 = arith.index_cast %scan3A_379 : i32 to index
        %swap3A_392 = arith.constant 0 : index
        %swap3A_393 = tpu.vector_load %arg6[%swap3A_390, %swap3A_391, %swap3A_392] {strides = array<i32>} : memref<4x256x64xf32, #tpu.memory_space<vmem>>, vector<1x1x16xf32>,
        %swap3A_394 = vector.shape_cast %swap3A_393 : vector<1x1x16xf32> to vector<16xf32>
        %swap3A_395 = vector.shape_cast %mul3A_388 : vector<16xf32> to vector<1x1x16xf32>
        tpu.vector_store %arg6[%swap3A_390, %swap3A_391, %swap3A_392], %swap3A_395 {strides = array<i32>} : memref<4x256x64xf32, #tpu.memory_space<vmem>>, vector<1x1x16xf32>,
        %get3A_396 = arith.constant 1 : i32
        %get3A_397 = arith.index_cast %get3A_396 : i32 to index
        %get3A_398 = arith.index_cast %scan3A_379 : i32 to index
        %get3A_399 = arith.constant 16 : index
        %get3A_400 = tpu.vector_load %arg6[%get3A_397, %get3A_398, %get3A_399] {strides = array<i32>} : memref<4x256x64xf32, #tpu.memory_space<vmem>>, vector<1x1x16xf32>,
        %get3A_401 = vector.shape_cast %get3A_400 : vector<1x1x16xf32> to vector<16xf32>
        %mul3A_402 = arith.constant 8.000000e+00 : f32
        %mul3A_403 = vector.broadcast %mul3A_402 : f32 to vector<16xf32>
        %mul3A_404 = arith.mulf %get3A_401, %mul3A_403 : vector<16xf32>
        %swap3A_405 = arith.constant 1 : i32
        %swap3A_406 = arith.index_cast %swap3A_405 : i32 to index
        %swap3A_407 = arith.index_cast %scan3A_379 : i32 to index
        %swap3A_408 = arith.constant 16 : index
        %swap3A_409 = tpu.vector_load %arg6[%swap3A_406, %swap3A_407, %swap3A_408] {strides = array<i32>} : memref<4x256x64xf32, #tpu.memory_space<vmem>>, vector<1x1x16xf32>,
        %swap3A_410 = vector.shape_cast %swap3A_409 : vector<1x1x16xf32> to vector<16xf32>
        %swap3A_411 = vector.shape_cast %mul3A_404 : vector<16xf32> to vector<1x1x16xf32>
        tpu.vector_store %arg6[%swap3A_406, %swap3A_407, %swap3A_408], %swap3A_411 {strides = array<i32>} : memref<4x256x64xf32, #tpu.memory_space<vmem>>, vector<1x1x16xf32>,
        %get3A_412 = arith.constant 1 : i32
        %get3A_413 = arith.index_cast %get3A_412 : i32 to index
        %get3A_414 = arith.index_cast %scan3A_379 : i32 to index
        %get3A_415 = arith.constant 32 : index
        %get3A_416 = tpu.vector_load %arg6[%get3A_413, %get3A_414, %get3A_415] {strides = array<i32>} : memref<4x256x64xf32, #tpu.memory_space<vmem>>, vector<1x1x16xf32>,
        %get3A_417 = vector.shape_cast %get3A_416 : vector<1x1x16xf32> to vector<16xf32>
        %mul3A_418 = arith.constant 8.000000e+00 : f32
        %mul3A_419 = vector.broadcast %mul3A_418 : f32 to vector<16xf32>
        %mul3A_420 = arith.mulf %get3A_417, %mul3A_419 : vector<16xf32>
        %swap3A_421 = arith.constant 1 : i32
        %swap3A_422 = arith.index_cast %swap3A_421 : i32 to index
        %swap3A_423 = arith.index_cast %scan3A_379 : i32 to index
        %swap3A_424 = arith.constant 32 : index
        %swap3A_425 = tpu.vector_load %arg6[%swap3A_422, %swap3A_423, %swap3A_424] {strides = array<i32>} : memref<4x256x64xf32, #tpu.memory_space<vmem>>, vector<1x1x16xf32>,
        %swap3A_426 = vector.shape_cast %swap3A_425 : vector<1x1x16xf32> to vector<16xf32>
        %swap3A_427 = vector.shape_cast %mul3A_420 : vector<16xf32> to vector<1x1x16xf32>
        tpu.vector_store %arg6[%swap3A_422, %swap3A_423, %swap3A_424], %swap3A_427 {strides = array<i32>} : memref<4x256x64xf32, #tpu.memory_space<vmem>>, vector<1x1x16xf32>,
        %get3A_428 = arith.constant 1 : i32
        %get3A_429 = arith.index_cast %get3A_428 : i32 to index
        %get3A_430 = arith.index_cast %scan3A_379 : i32 to index
        %get3A_431 = arith.constant 48 : index
        %get3A_432 = tpu.vector_load %arg6[%get3A_429, %get3A_430, %get3A_431] {strides = array<i32>} : memref<4x256x64xf32, #tpu.memory_space<vmem>>, vector<1x1x16xf32>,
        %get3A_433 = vector.shape_cast %get3A_432 : vector<1x1x16xf32> to vector<16xf32>
        %mul3A_434 = arith.constant 8.000000e+00 : f32
        %mul3A_435 = vector.broadcast %mul3A_434 : f32 to vector<16xf32>
        %mul3A_436 = arith.mulf %get3A_433, %mul3A_435 : vector<16xf32>
        %swap3A_437 = arith.constant 1 : i32
        %swap3A_438 = arith.index_cast %swap3A_437 : i32 to index
        %swap3A_439 = arith.index_cast %scan3A_379 : i32 to index
        %swap3A_440 = arith.constant 48 : index
        %swap3A_441 = tpu.vector_load %arg6[%swap3A_438, %swap3A_439, %swap3A_440] {strides = array<i32>} : memref<4x256x64xf32, #tpu.memory_space<vmem>>, vector<1x1x16xf32>,
        %swap3A_442 = vector.shape_cast %swap3A_441 : vector<1x1x16xf32> to vector<16xf32>
        %swap3A_443 = vector.shape_cast %mul3A_436 : vector<16xf32> to vector<1x1x16xf32>
        tpu.vector_store %arg6[%swap3A_438, %swap3A_439, %swap3A_440], %swap3A_443 {strides = array<i32>} : memref<4x256x64xf32, #tpu.memory_space<vmem>>, vector<1x1x16xf32>,
        %scan3A_444 = arith.constant 3 : i32
        %scan3A_445 = arith.addi %scan3A_249, %scan3A_444 : i32
        %get3A_446 = arith.constant 1 : i32
        %get3A_447 = arith.index_cast %get3A_446 : i32 to index
        %get3A_448 = arith.index_cast %scan3A_445 : i32 to index
        %get3A_449 = arith.constant 0 : index
        %get3A_450 = tpu.vector_load %arg6[%get3A_447, %get3A_448, %get3A_449] {strides = array<i32>} : memref<4x256x64xf32, #tpu.memory_space<vmem>>, vector<1x1x16xf32>,
        %get3A_451 = vector.shape_cast %get3A_450 : vector<1x1x16xf32> to vector<16xf32>
        %mul3A_452 = arith.constant 8.000000e+00 : f32
        %mul3A_453 = vector.broadcast %mul3A_452 : f32 to vector<16xf32>
        %mul3A_454 = arith.mulf %get3A_451, %mul3A_453 : vector<16xf32>
        %swap3A_455 = arith.constant 1 : i32
        %swap3A_456 = arith.index_cast %swap3A_455 : i32 to index
        %swap3A_457 = arith.index_cast %scan3A_445 : i32 to index
        %swap3A_458 = arith.constant 0 : index
        %swap3A_459 = tpu.vector_load %arg6[%swap3A_456, %swap3A_457, %swap3A_458] {strides = array<i32>} : memref<4x256x64xf32, #tpu.memory_space<vmem>>, vector<1x1x16xf32>,
        %swap3A_460 = vector.shape_cast %swap3A_459 : vector<1x1x16xf32> to vector<16xf32>
        %swap3A_461 = vector.shape_cast %mul3A_454 : vector<16xf32> to vector<1x1x16xf32>
        tpu.vector_store %arg6[%swap3A_456, %swap3A_457, %swap3A_458], %swap3A_461 {strides = array<i32>} : memref<4x256x64xf32, #tpu.memory_space<vmem>>, vector<1x1x16xf32>,
        %get3A_462 = arith.constant 1 : i32
        %get3A_463 = arith.index_cast %get3A_462 : i32 to index
        %get3A_464 = arith.index_cast %scan3A_445 : i32 to index
        %get3A_465 = arith.constant 16 : index
        %get3A_466 = tpu.vector_load %arg6[%get3A_463, %get3A_464, %get3A_465] {strides = array<i32>} : memref<4x256x64xf32, #tpu.memory_space<vmem>>, vector<1x1x16xf32>,
        %get3A_467 = vector.shape_cast %get3A_466 : vector<1x1x16xf32> to vector<16xf32>
        %mul3A_468 = arith.constant 8.000000e+00 : f32
        %mul3A_469 = vector.broadcast %mul3A_468 : f32 to vector<16xf32>
        %mul3A_470 = arith.mulf %get3A_467, %mul3A_469 : vector<16xf32>
        %swap3A_471 = arith.constant 1 : i32
        %swap3A_472 = arith.index_cast %swap3A_471 : i32 to index
        %swap3A_473 = arith.index_cast %scan3A_445 : i32 to index
        %swap3A_474 = arith.constant 16 : index
        %swap3A_475 = tpu.vector_load %arg6[%swap3A_472, %swap3A_473, %swap3A_474] {strides = array<i32>} : memref<4x256x64xf32, #tpu.memory_space<vmem>>, vector<1x1x16xf32>,
        %swap3A_476 = vector.shape_cast %swap3A_475 : vector<1x1x16xf32> to vector<16xf32>
        %swap3A_477 = vector.shape_cast %mul3A_470 : vector<16xf32> to vector<1x1x16xf32>
        tpu.vector_store %arg6[%swap3A_472, %swap3A_473, %swap3A_474], %swap3A_477 {strides = array<i32>} : memref<4x256x64xf32, #tpu.memory_space<vmem>>, vector<1x1x16xf32>,
        %get3A_478 = arith.constant 1 : i32
        %get3A_479 = arith.index_cast %get3A_478 : i32 to index
        %get3A_480 = arith.index_cast %scan3A_445 : i32 to index
        %get3A_481 = arith.constant 32 : index
        %get3A_482 = tpu.vector_load %arg6[%get3A_479, %get3A_480, %get3A_481] {strides = array<i32>} : memref<4x256x64xf32, #tpu.memory_space<vmem>>, vector<1x1x16xf32>,
        %get3A_483 = vector.shape_cast %get3A_482 : vector<1x1x16xf32> to vector<16xf32>
        %mul3A_484 = arith.constant 8.000000e+00 : f32
        %mul3A_485 = vector.broadcast %mul3A_484 : f32 to vector<16xf32>
        %mul3A_486 = arith.mulf %get3A_483, %mul3A_485 : vector<16xf32>
        %swap3A_487 = arith.constant 1 : i32
        %swap3A_488 = arith.index_cast %swap3A_487 : i32 to index
        %swap3A_489 = arith.index_cast %scan3A_445 : i32 to index
        %swap3A_490 = arith.constant 32 : index
        %swap3A_491 = tpu.vector_load %arg6[%swap3A_488, %swap3A_489, %swap3A_490] {strides = array<i32>} : memref<4x256x64xf32, #tpu.memory_space<vmem>>, vector<1x1x16xf32>,
        %swap3A_492 = vector.shape_cast %swap3A_491 : vector<1x1x16xf32> to vector<16xf32>
        %swap3A_493 = vector.shape_cast %mul3A_486 : vector<16xf32> to vector<1x1x16xf32>
        tpu.vector_store %arg6[%swap3A_488, %swap3A_489, %swap3A_490], %swap3A_493 {strides = array<i32>} : memref<4x256x64xf32, #tpu.memory_space<vmem>>, vector<1x1x16xf32>,
        %get3A_494 = arith.constant 1 : i32
        %get3A_495 = arith.index_cast %get3A_494 : i32 to index
        %get3A_496 = arith.index_cast %scan3A_445 : i32 to index
        %get3A_497 = arith.constant 48 : index
        %get3A_498 = tpu.vector_load %arg6[%get3A_495, %get3A_496, %get3A_497] {strides = array<i32>} : memref<4x256x64xf32, #tpu.memory_space<vmem>>, vector<1x1x16xf32>,
        %get3A_499 = vector.shape_cast %get3A_498 : vector<1x1x16xf32> to vector<16xf32>
        %mul3A_500 = arith.constant 8.000000e+00 : f32
        %mul3A_501 = vector.broadcast %mul3A_500 : f32 to vector<16xf32>
        %mul3A_502 = arith.mulf %get3A_499, %mul3A_501 : vector<16xf32>
        %swap3A_503 = arith.constant 1 : i32
        %swap3A_504 = arith.index_cast %swap3A_503 : i32 to index
        %swap3A_505 = arith.index_cast %scan3A_445 : i32 to index
        %swap3A_506 = arith.constant 48 : index
        %swap3A_507 = tpu.vector_load %arg6[%swap3A_504, %swap3A_505, %swap3A_506] {strides = array<i32>} : memref<4x256x64xf32, #tpu.memory_space<vmem>>, vector<1x1x16xf32>,
        %swap3A_508 = vector.shape_cast %swap3A_507 : vector<1x1x16xf32> to vector<16xf32>
        %swap3A_509 = vector.shape_cast %mul3A_502 : vector<16xf32> to vector<1x1x16xf32>
        tpu.vector_store %arg6[%swap3A_504, %swap3A_505, %swap3A_506], %swap3A_509 {strides = array<i32>} : memref<4x256x64xf32, #tpu.memory_space<vmem>>, vector<1x1x16xf32>,
        %scan3A_510 = arith.constant 4 : i32
        %scan3A_511 = arith.addi %scan3A_249, %scan3A_510 : i32
        %get3A_512 = arith.constant 1 : i32
        %get3A_513 = arith.index_cast %get3A_512 : i32 to index
        %get3A_514 = arith.index_cast %scan3A_511 : i32 to index
        %get3A_515 = arith.constant 0 : index
        %get3A_516 = tpu.vector_load %arg6[%get3A_513, %get3A_514, %get3A_515] {strides = array<i32>} : memref<4x256x64xf32, #tpu.memory_space<vmem>>, vector<1x1x16xf32>,
        %get3A_517 = vector.shape_cast %get3A_516 : vector<1x1x16xf32> to vector<16xf32>
        %mul3A_518 = arith.constant 8.000000e+00 : f32
        %mul3A_519 = vector.broadcast %mul3A_518 : f32 to vector<16xf32>
        %mul3A_520 = arith.mulf %get3A_517, %mul3A_519 : vector<16xf32>
        %swap3A_521 = arith.constant 1 : i32
        %swap3A_522 = arith.index_cast %swap3A_521 : i32 to index
        %swap3A_523 = arith.index_cast %scan3A_511 : i32 to index
        %swap3A_524 = arith.constant 0 : index
        %swap3A_525 = tpu.vector_load %arg6[%swap3A_522, %swap3A_523, %swap3A_524] {strides = array<i32>} : memref<4x256x64xf32, #tpu.memory_space<vmem>>, vector<1x1x16xf32>,
        %swap3A_526 = vector.shape_cast %swap3A_525 : vector<1x1x16xf32> to vector<16xf32>
        %swap3A_527 = vector.shape_cast %mul3A_520 : vector<16xf32> to vector<1x1x16xf32>
        tpu.vector_store %arg6[%swap3A_522, %swap3A_523, %swap3A_524], %swap3A_527 {strides = array<i32>} : memref<4x256x64xf32, #tpu.memory_space<vmem>>, vector<1x1x16xf32>,
        %get3A_528 = arith.constant 1 : i32
        %get3A_529 = arith.index_cast %get3A_528 : i32 to index
        %get3A_530 = arith.index_cast %scan3A_511 : i32 to index
        %get3A_531 = arith.constant 16 : index
        %get3A_532 = tpu.vector_load %arg6[%get3A_529, %get3A_530, %get3A_531] {strides = array<i32>} : memref<4x256x64xf32, #tpu.memory_space<vmem>>, vector<1x1x16xf32>,
        %get3A_533 = vector.shape_cast %get3A_532 : vector<1x1x16xf32> to vector<16xf32>
        %mul3A_534 = arith.constant 8.000000e+00 : f32
        %mul3A_535 = vector.broadcast %mul3A_534 : f32 to vector<16xf32>
        %mul3A_536 = arith.mulf %get3A_533, %mul3A_535 : vector<16xf32>
        %swap3A_537 = arith.constant 1 : i32
        %swap3A_538 = arith.index_cast %swap3A_537 : i32 to index
        %swap3A_539 = arith.index_cast %scan3A_511 : i32 to index
        %swap3A_540 = arith.constant 16 : index
        %swap3A_541 = tpu.vector_load %arg6[%swap3A_538, %swap3A_539, %swap3A_540] {strides = array<i32>} : memref<4x256x64xf32, #tpu.memory_space<vmem>>, vector<1x1x16xf32>,
        %swap3A_542 = vector.shape_cast %swap3A_541 : vector<1x1x16xf32> to vector<16xf32>
        %swap3A_543 = vector.shape_cast %mul3A_536 : vector<16xf32> to vector<1x1x16xf32>
        tpu.vector_store %arg6[%swap3A_538, %swap3A_539, %swap3A_540], %swap3A_543 {strides = array<i32>} : memref<4x256x64xf32, #tpu.memory_space<vmem>>, vector<1x1x16xf32>,
        %get3A_544 = arith.constant 1 : i32
        %get3A_545 = arith.index_cast %get3A_544 : i32 to index
        %get3A_546 = arith.index_cast %scan3A_511 : i32 to index
        %get3A_547 = arith.constant 32 : index
        %get3A_548 = tpu.vector_load %arg6[%get3A_545, %get3A_546, %get3A_547] {strides = array<i32>} : memref<4x256x64xf32, #tpu.memory_space<vmem>>, vector<1x1x16xf32>,
        %get3A_549 = vector.shape_cast %get3A_548 : vector<1x1x16xf32> to vector<16xf32>
        %mul3A_550 = arith.constant 8.000000e+00 : f32
        %mul3A_551 = vector.broadcast %mul3A_550 : f32 to vector<16xf32>
        %mul3A_552 = arith.mulf %get3A_549, %mul3A_551 : vector<16xf32>
        %swap3A_553 = arith.constant 1 : i32
        %swap3A_554 = arith.index_cast %swap3A_553 : i32 to index
        %swap3A_555 = arith.index_cast %scan3A_511 : i32 to index
        %swap3A_556 = arith.constant 32 : index
        %swap3A_557 = tpu.vector_load %arg6[%swap3A_554, %swap3A_555, %swap3A_556] {strides = array<i32>} : memref<4x256x64xf32, #tpu.memory_space<vmem>>, vector<1x1x16xf32>,
        %swap3A_558 = vector.shape_cast %swap3A_557 : vector<1x1x16xf32> to vector<16xf32>
        %swap3A_559 = vector.shape_cast %mul3A_552 : vector<16xf32> to vector<1x1x16xf32>
        tpu.vector_store %arg6[%swap3A_554, %swap3A_555, %swap3A_556], %swap3A_559 {strides = array<i32>} : memref<4x256x64xf32, #tpu.memory_space<vmem>>, vector<1x1x16xf32>,
        %get3A_560 = arith.constant 1 : i32
        %get3A_561 = arith.index_cast %get3A_560 : i32 to index
        %get3A_562 = arith.index_cast %scan3A_511 : i32 to index
        %get3A_563 = arith.constant 48 : index
        %get3A_564 = tpu.vector_load %arg6[%get3A_561, %get3A_562, %get3A_563] {strides = array<i32>} : memref<4x256x64xf32, #tpu.memory_space<vmem>>, vector<1x1x16xf32>,
        %get3A_565 = vector.shape_cast %get3A_564 : vector<1x1x16xf32> to vector<16xf32>
        %mul3A_566 = arith.constant 8.000000e+00 : f32
        %mul3A_567 = vector.broadcast %mul3A_566 : f32 to vector<16xf32>
        %mul3A_568 = arith.mulf %get3A_565, %mul3A_567 : vector<16xf32>
        %swap3A_569 = arith.constant 1 : i32
        %swap3A_570 = arith.index_cast %swap3A_569 : i32 to index
        %swap3A_571 = arith.index_cast %scan3A_511 : i32 to index
        %swap3A_572 = arith.constant 48 : index
        %swap3A_573 = tpu.vector_load %arg6[%swap3A_570, %swap3A_571, %swap3A_572] {strides = array<i32>} : memref<4x256x64xf32, #tpu.memory_space<vmem>>, vector<1x1x16xf32>,
        %swap3A_574 = vector.shape_cast %swap3A_573 : vector<1x1x16xf32> to vector<16xf32>
        %swap3A_575 = vector.shape_cast %mul3A_568 : vector<16xf32> to vector<1x1x16xf32>
        tpu.vector_store %arg6[%swap3A_570, %swap3A_571, %swap3A_572], %swap3A_575 {strides = array<i32>} : memref<4x256x64xf32, #tpu.memory_space<vmem>>, vector<1x1x16xf32>,
        %scan3A_576 = arith.constant 5 : i32
        %scan3A_577 = arith.addi %scan3A_249, %scan3A_576 : i32
        %get3A_578 = arith.constant 1 : i32
        %get3A_579 = arith.index_cast %get3A_578 : i32 to index
        %get3A_580 = arith.index_cast %scan3A_577 : i32 to index
        %get3A_581 = arith.constant 0 : index
        %get3A_582 = tpu.vector_load %arg6[%get3A_579, %get3A_580, %get3A_581] {strides = array<i32>} : memref<4x256x64xf32, #tpu.memory_space<vmem>>, vector<1x1x16xf32>,
        %get3A_583 = vector.shape_cast %get3A_582 : vector<1x1x16xf32> to vector<16xf32>
        %mul3A_584 = arith.constant 8.000000e+00 : f32
        %mul3A_585 = vector.broadcast %mul3A_584 : f32 to vector<16xf32>
        %mul3A_586 = arith.mulf %get3A_583, %mul3A_585 : vector<16xf32>
        %swap3A_587 = arith.constant 1 : i32
        %swap3A_588 = arith.index_cast %swap3A_587 : i32 to index
        %swap3A_589 = arith.index_cast %scan3A_577 : i32 to index
        %swap3A_590 = arith.constant 0 : index
        %swap3A_591 = tpu.vector_load %arg6[%swap3A_588, %swap3A_589, %swap3A_590] {strides = array<i32>} : memref<4x256x64xf32, #tpu.memory_space<vmem>>, vector<1x1x16xf32>,
        %swap3A_592 = vector.shape_cast %swap3A_591 : vector<1x1x16xf32> to vector<16xf32>
        %swap3A_593 = vector.shape_cast %mul3A_586 : vector<16xf32> to vector<1x1x16xf32>
        tpu.vector_store %arg6[%swap3A_588, %swap3A_589, %swap3A_590], %swap3A_593 {strides = array<i32>} : memref<4x256x64xf32, #tpu.memory_space<vmem>>, vector<1x1x16xf32>,
        %get3A_594 = arith.constant 1 : i32
        %get3A_595 = arith.index_cast %get3A_594 : i32 to index
        %get3A_596 = arith.index_cast %scan3A_577 : i32 to index
        %get3A_597 = arith.constant 16 : index
        %get3A_598 = tpu.vector_load %arg6[%get3A_595, %get3A_596, %get3A_597] {strides = array<i32>} : memref<4x256x64xf32, #tpu.memory_space<vmem>>, vector<1x1x16xf32>,
        %get3A_599 = vector.shape_cast %get3A_598 : vector<1x1x16xf32> to vector<16xf32>
        %mul3A_600 = arith.constant 8.000000e+00 : f32
        %mul3A_601 = vector.broadcast %mul3A_600 : f32 to vector<16xf32>
        %mul3A_602 = arith.mulf %get3A_599, %mul3A_601 : vector<16xf32>
        %swap3A_603 = arith.constant 1 : i32
        %swap3A_604 = arith.index_cast %swap3A_603 : i32 to index
        %swap3A_605 = arith.index_cast %scan3A_577 : i32 to index
        %swap3A_606 = arith.constant 16 : index
        %swap3A_607 = tpu.vector_load %arg6[%swap3A_604, %swap3A_605, %swap3A_606] {strides = array<i32>} : memref<4x256x64xf32, #tpu.memory_space<vmem>>, vector<1x1x16xf32>,
        %swap3A_608 = vector.shape_cast %swap3A_607 : vector<1x1x16xf32> to vector<16xf32>
        %swap3A_609 = vector.shape_cast %mul3A_602 : vector<16xf32> to vector<1x1x16xf32>
        tpu.vector_store %arg6[%swap3A_604, %swap3A_605, %swap3A_606], %swap3A_609 {strides = array<i32>} : memref<4x256x64xf32, #tpu.memory_space<vmem>>, vector<1x1x16xf32>,
        %get3A_610 = arith.constant 1 : i32
        %get3A_611 = arith.index_cast %get3A_610 : i32 to index
        %get3A_612 = arith.index_cast %scan3A_577 : i32 to index
        %get3A_613 = arith.constant 32 : index
        %get3A_614 = tpu.vector_load %arg6[%get3A_611, %get3A_612, %get3A_613] {strides = array<i32>} : memref<4x256x64xf32, #tpu.memory_space<vmem>>, vector<1x1x16xf32>,
        %get3A_615 = vector.shape_cast %get3A_614 : vector<1x1x16xf32> to vector<16xf32>
        %mul3A_616 = arith.constant 8.000000e+00 : f32
        %mul3A_617 = vector.broadcast %mul3A_616 : f32 to vector<16xf32>
        %mul3A_618 = arith.mulf %get3A_615, %mul3A_617 : vector<16xf32>
        %swap3A_619 = arith.constant 1 : i32
        %swap3A_620 = arith.index_cast %swap3A_619 : i32 to index
        %swap3A_621 = arith.index_cast %scan3A_577 : i32 to index
        %swap3A_622 = arith.constant 32 : index
        %swap3A_623 = tpu.vector_load %arg6[%swap3A_620, %swap3A_621, %swap3A_622] {strides = array<i32>} : memref<4x256x64xf32, #tpu.memory_space<vmem>>, vector<1x1x16xf32>,
        %swap3A_624 = vector.shape_cast %swap3A_623 : vector<1x1x16xf32> to vector<16xf32>
        %swap3A_625 = vector.shape_cast %mul3A_618 : vector<16xf32> to vector<1x1x16xf32>
        tpu.vector_store %arg6[%swap3A_620, %swap3A_621, %swap3A_622], %swap3A_625 {strides = array<i32>} : memref<4x256x64xf32, #tpu.memory_space<vmem>>, vector<1x1x16xf32>,
        %get3A_626 = arith.constant 1 : i32
        %get3A_627 = arith.index_cast %get3A_626 : i32 to index
        %get3A_628 = arith.index_cast %scan3A_577 : i32 to index
        %get3A_629 = arith.constant 48 : index
        %get3A_630 = tpu.vector_load %arg6[%get3A_627, %get3A_628, %get3A_629] {strides = array<i32>} : memref<4x256x64xf32, #tpu.memory_space<vmem>>, vector<1x1x16xf32>,
        %get3A_631 = vector.shape_cast %get3A_630 : vector<1x1x16xf32> to vector<16xf32>
        %mul3A_632 = arith.constant 8.000000e+00 : f32
        %mul3A_633 = vector.broadcast %mul3A_632 : f32 to vector<16xf32>
        %mul3A_634 = arith.mulf %get3A_631, %mul3A_633 : vector<16xf32>
        %swap3A_635 = arith.constant 1 : i32
        %swap3A_636 = arith.index_cast %swap3A_635 : i32 to index
        %swap3A_637 = arith.index_cast %scan3A_577 : i32 to index
        %swap3A_638 = arith.constant 48 : index
        %swap3A_639 = tpu.vector_load %arg6[%swap3A_636, %swap3A_637, %swap3A_638] {strides = array<i32>} : memref<4x256x64xf32, #tpu.memory_space<vmem>>, vector<1x1x16xf32>,
        %swap3A_640 = vector.shape_cast %swap3A_639 : vector<1x1x16xf32> to vector<16xf32>
        %swap3A_641 = vector.shape_cast %mul3A_634 : vector<16xf32> to vector<1x1x16xf32>
        tpu.vector_store %arg6[%swap3A_636, %swap3A_637, %swap3A_638], %swap3A_641 {strides = array<i32>} : memref<4x256x64xf32, #tpu.memory_space<vmem>>, vector<1x1x16xf32>,
        %scan3A_642 = arith.constant 6 : i32
        %scan3A_643 = arith.addi %scan3A_249, %scan3A_642 : i32
        %get3A_644 = arith.constant 1 : i32
        %get3A_645 = arith.index_cast %get3A_644 : i32 to index
        %get3A_646 = arith.index_cast %scan3A_643 : i32 to index
        %get3A_647 = arith.constant 0 : index
        %get3A_648 = tpu.vector_load %arg6[%get3A_645, %get3A_646, %get3A_647] {strides = array<i32>} : memref<4x256x64xf32, #tpu.memory_space<vmem>>, vector<1x1x16xf32>,
        %get3A_649 = vector.shape_cast %get3A_648 : vector<1x1x16xf32> to vector<16xf32>
        %mul3A_650 = arith.constant 8.000000e+00 : f32
        %mul3A_651 = vector.broadcast %mul3A_650 : f32 to vector<16xf32>
        %mul3A_652 = arith.mulf %get3A_649, %mul3A_651 : vector<16xf32>
        %swap3A_653 = arith.constant 1 : i32
        %swap3A_654 = arith.index_cast %swap3A_653 : i32 to index
        %swap3A_655 = arith.index_cast %scan3A_643 : i32 to index
        %swap3A_656 = arith.constant 0 : index
        %swap3A_657 = tpu.vector_load %arg6[%swap3A_654, %swap3A_655, %swap3A_656] {strides = array<i32>} : memref<4x256x64xf32, #tpu.memory_space<vmem>>, vector<1x1x16xf32>,
        %swap3A_658 = vector.shape_cast %swap3A_657 : vector<1x1x16xf32> to vector<16xf32>
        %swap3A_659 = vector.shape_cast %mul3A_652 : vector<16xf32> to vector<1x1x16xf32>
        tpu.vector_store %arg6[%swap3A_654, %swap3A_655, %swap3A_656], %swap3A_659 {strides = array<i32>} : memref<4x256x64xf32, #tpu.memory_space<vmem>>, vector<1x1x16xf32>,
        %get3A_660 = arith.constant 1 : i32
        %get3A_661 = arith.index_cast %get3A_660 : i32 to index
        %get3A_662 = arith.index_cast %scan3A_643 : i32 to index
        %get3A_663 = arith.constant 16 : index
        %get3A_664 = tpu.vector_load %arg6[%get3A_661, %get3A_662, %get3A_663] {strides = array<i32>} : memref<4x256x64xf32, #tpu.memory_space<vmem>>, vector<1x1x16xf32>,
        %get3A_665 = vector.shape_cast %get3A_664 : vector<1x1x16xf32> to vector<16xf32>
        %mul3A_666 = arith.constant 8.000000e+00 : f32
        %mul3A_667 = vector.broadcast %mul3A_666 : f32 to vector<16xf32>
        %mul3A_668 = arith.mulf %get3A_665, %mul3A_667 : vector<16xf32>
        %swap3A_669 = arith.constant 1 : i32
        %swap3A_670 = arith.index_cast %swap3A_669 : i32 to index
        %swap3A_671 = arith.index_cast %scan3A_643 : i32 to index
        %swap3A_672 = arith.constant 16 : index
        %swap3A_673 = tpu.vector_load %arg6[%swap3A_670, %swap3A_671, %swap3A_672] {strides = array<i32>} : memref<4x256x64xf32, #tpu.memory_space<vmem>>, vector<1x1x16xf32>,
        %swap3A_674 = vector.shape_cast %swap3A_673 : vector<1x1x16xf32> to vector<16xf32>
        %swap3A_675 = vector.shape_cast %mul3A_668 : vector<16xf32> to vector<1x1x16xf32>
        tpu.vector_store %arg6[%swap3A_670, %swap3A_671, %swap3A_672], %swap3A_675 {strides = array<i32>} : memref<4x256x64xf32, #tpu.memory_space<vmem>>, vector<1x1x16xf32>,
        %get3A_676 = arith.constant 1 : i32
        %get3A_677 = arith.index_cast %get3A_676 : i32 to index
        %get3A_678 = arith.index_cast %scan3A_643 : i32 to index
        %get3A_679 = arith.constant 32 : index
        %get3A_680 = tpu.vector_load %arg6[%get3A_677, %get3A_678, %get3A_679] {strides = array<i32>} : memref<4x256x64xf32, #tpu.memory_space<vmem>>, vector<1x1x16xf32>,
        %get3A_681 = vector.shape_cast %get3A_680 : vector<1x1x16xf32> to vector<16xf32>
        %mul3A_682 = arith.constant 8.000000e+00 : f32
        %mul3A_683 = vector.broadcast %mul3A_682 : f32 to vector<16xf32>
        %mul3A_684 = arith.mulf %get3A_681, %mul3A_683 : vector<16xf32>
        %swap3A_685 = arith.constant 1 : i32
        %swap3A_686 = arith.index_cast %swap3A_685 : i32 to index
        %swap3A_687 = arith.index_cast %scan3A_643 : i32 to index
        %swap3A_688 = arith.constant 32 : index
        %swap3A_689 = tpu.vector_load %arg6[%swap3A_686, %swap3A_687, %swap3A_688] {strides = array<i32>} : memref<4x256x64xf32, #tpu.memory_space<vmem>>, vector<1x1x16xf32>,
        %swap3A_690 = vector.shape_cast %swap3A_689 : vector<1x1x16xf32> to vector<16xf32>
        %swap3A_691 = vector.shape_cast %mul3A_684 : vector<16xf32> to vector<1x1x16xf32>
        tpu.vector_store %arg6[%swap3A_686, %swap3A_687, %swap3A_688], %swap3A_691 {strides = array<i32>} : memref<4x256x64xf32, #tpu.memory_space<vmem>>, vector<1x1x16xf32>,
        %get3A_692 = arith.constant 1 : i32
        %get3A_693 = arith.index_cast %get3A_692 : i32 to index
        %get3A_694 = arith.index_cast %scan3A_643 : i32 to index
        %get3A_695 = arith.constant 48 : index
        %get3A_696 = tpu.vector_load %arg6[%get3A_693, %get3A_694, %get3A_695] {strides = array<i32>} : memref<4x256x64xf32, #tpu.memory_space<vmem>>, vector<1x1x16xf32>,
        %get3A_697 = vector.shape_cast %get3A_696 : vector<1x1x16xf32> to vector<16xf32>
        %mul3A_698 = arith.constant 8.000000e+00 : f32
        %mul3A_699 = vector.broadcast %mul3A_698 : f32 to vector<16xf32>
        %mul3A_700 = arith.mulf %get3A_697, %mul3A_699 : vector<16xf32>
        %swap3A_701 = arith.constant 1 : i32
        %swap3A_702 = arith.index_cast %swap3A_701 : i32 to index
        %swap3A_703 = arith.index_cast %scan3A_643 : i32 to index
        %swap3A_704 = arith.constant 48 : index
        %swap3A_705 = tpu.vector_load %arg6[%swap3A_702, %swap3A_703, %swap3A_704] {strides = array<i32>} : memref<4x256x64xf32, #tpu.memory_space<vmem>>, vector<1x1x16xf32>,
        %swap3A_706 = vector.shape_cast %swap3A_705 : vector<1x1x16xf32> to vector<16xf32>
        %swap3A_707 = vector.shape_cast %mul3A_700 : vector<16xf32> to vector<1x1x16xf32>
        tpu.vector_store %arg6[%swap3A_702, %swap3A_703, %swap3A_704], %swap3A_707 {strides = array<i32>} : memref<4x256x64xf32, #tpu.memory_space<vmem>>, vector<1x1x16xf32>,
        %scan3A_708 = arith.constant 7 : i32
        %scan3A_709 = arith.addi %scan3A_249, %scan3A_708 : i32
        %get3A_710 = arith.constant 1 : i32
        %get3A_711 = arith.index_cast %get3A_710 : i32 to index
        %get3A_712 = arith.index_cast %scan3A_709 : i32 to index
        %get3A_713 = arith.constant 0 : index
        %get3A_714 = tpu.vector_load %arg6[%get3A_711, %get3A_712, %get3A_713] {strides = array<i32>} : memref<4x256x64xf32, #tpu.memory_space<vmem>>, vector<1x1x16xf32>,
        %get3A_715 = vector.shape_cast %get3A_714 : vector<1x1x16xf32> to vector<16xf32>
        %mul3A_716 = arith.constant 8.000000e+00 : f32
        %mul3A_717 = vector.broadcast %mul3A_716 : f32 to vector<16xf32>
        %mul3A_718 = arith.mulf %get3A_715, %mul3A_717 : vector<16xf32>
        %swap3A_719 = arith.constant 1 : i32
        %swap3A_720 = arith.index_cast %swap3A_719 : i32 to index
        %swap3A_721 = arith.index_cast %scan3A_709 : i32 to index
        %swap3A_722 = arith.constant 0 : index
        %swap3A_723 = tpu.vector_load %arg6[%swap3A_720, %swap3A_721, %swap3A_722] {strides = array<i32>} : memref<4x256x64xf32, #tpu.memory_space<vmem>>, vector<1x1x16xf32>,
        %swap3A_724 = vector.shape_cast %swap3A_723 : vector<1x1x16xf32> to vector<16xf32>
        %swap3A_725 = vector.shape_cast %mul3A_718 : vector<16xf32> to vector<1x1x16xf32>
        tpu.vector_store %arg6[%swap3A_720, %swap3A_721, %swap3A_722], %swap3A_725 {strides = array<i32>} : memref<4x256x64xf32, #tpu.memory_space<vmem>>, vector<1x1x16xf32>,
        %get3A_726 = arith.constant 1 : i32
        %get3A_727 = arith.index_cast %get3A_726 : i32 to index
        %get3A_728 = arith.index_cast %scan3A_709 : i32 to index
        %get3A_729 = arith.constant 16 : index
        %get3A_730 = tpu.vector_load %arg6[%get3A_727, %get3A_728, %get3A_729] {strides = array<i32>} : memref<4x256x64xf32, #tpu.memory_space<vmem>>, vector<1x1x16xf32>,
        %get3A_731 = vector.shape_cast %get3A_730 : vector<1x1x16xf32> to vector<16xf32>
        %mul3A_732 = arith.constant 8.000000e+00 : f32
        %mul3A_733 = vector.broadcast %mul3A_732 : f32 to vector<16xf32>
        %mul3A_734 = arith.mulf %get3A_731, %mul3A_733 : vector<16xf32>
        %swap3A_735 = arith.constant 1 : i32
        %swap3A_736 = arith.index_cast %swap3A_735 : i32 to index
        %swap3A_737 = arith.index_cast %scan3A_709 : i32 to index
        %swap3A_738 = arith.constant 16 : index
        %swap3A_739 = tpu.vector_load %arg6[%swap3A_736, %swap3A_737, %swap3A_738] {strides = array<i32>} : memref<4x256x64xf32, #tpu.memory_space<vmem>>, vector<1x1x16xf32>,
        %swap3A_740 = vector.shape_cast %swap3A_739 : vector<1x1x16xf32> to vector<16xf32>
        %swap3A_741 = vector.shape_cast %mul3A_734 : vector<16xf32> to vector<1x1x16xf32>
        tpu.vector_store %arg6[%swap3A_736, %swap3A_737, %swap3A_738], %swap3A_741 {strides = array<i32>} : memref<4x256x64xf32, #tpu.memory_space<vmem>>, vector<1x1x16xf32>,
        %get3A_742 = arith.constant 1 : i32
        %get3A_743 = arith.index_cast %get3A_742 : i32 to index
        %get3A_744 = arith.index_cast %scan3A_709 : i32 to index
        %get3A_745 = arith.constant 32 : index
        %get3A_746 = tpu.vector_load %arg6[%get3A_743, %get3A_744, %get3A_745] {strides = array<i32>} : memref<4x256x64xf32, #tpu.memory_space<vmem>>, vector<1x1x16xf32>,
        %get3A_747 = vector.shape_cast %get3A_746 : vector<1x1x16xf32> to vector<16xf32>
        %mul3A_748 = arith.constant 8.000000e+00 : f32
        %mul3A_749 = vector.broadcast %mul3A_748 : f32 to vector<16xf32>
        %mul3A_750 = arith.mulf %get3A_747, %mul3A_749 : vector<16xf32>
        %swap3A_751 = arith.constant 1 : i32
        %swap3A_752 = arith.index_cast %swap3A_751 : i32 to index
        %swap3A_753 = arith.index_cast %scan3A_709 : i32 to index
        %swap3A_754 = arith.constant 32 : index
        %swap3A_755 = tpu.vector_load %arg6[%swap3A_752, %swap3A_753, %swap3A_754] {strides = array<i32>} : memref<4x256x64xf32, #tpu.memory_space<vmem>>, vector<1x1x16xf32>,
        %swap3A_756 = vector.shape_cast %swap3A_755 : vector<1x1x16xf32> to vector<16xf32>
        %swap3A_757 = vector.shape_cast %mul3A_750 : vector<16xf32> to vector<1x1x16xf32>
        tpu.vector_store %arg6[%swap3A_752, %swap3A_753, %swap3A_754], %swap3A_757 {strides = array<i32>} : memref<4x256x64xf32, #tpu.memory_space<vmem>>, vector<1x1x16xf32>,
        %get3A_758 = arith.constant 1 : i32
        %get3A_759 = arith.index_cast %get3A_758 : i32 to index
        %get3A_760 = arith.index_cast %scan3A_709 : i32 to index
        %get3A_761 = arith.constant 48 : index
        %get3A_762 = tpu.vector_load %arg6[%get3A_759, %get3A_760, %get3A_761] {strides = array<i32>} : memref<4x256x64xf32, #tpu.memory_space<vmem>>, vector<1x1x16xf32>,
        %get3A_763 = vector.shape_cast %get3A_762 : vector<1x1x16xf32> to vector<16xf32>
        %mul3A_764 = arith.constant 8.000000e+00 : f32
        %mul3A_765 = vector.broadcast %mul3A_764 : f32 to vector<16xf32>
        %mul3A_766 = arith.mulf %get3A_763, %mul3A_765 : vector<16xf32>
        %swap3A_767 = arith.constant 1 : i32
        %swap3A_768 = arith.index_cast %swap3A_767 : i32 to index
        %swap3A_769 = arith.index_cast %scan3A_709 : i32 to index
        %swap3A_770 = arith.constant 48 : index
        %swap3A_771 = tpu.vector_load %arg6[%swap3A_768, %swap3A_769, %swap3A_770] {strides = array<i32>} : memref<4x256x64xf32, #tpu.memory_space<vmem>>, vector<1x1x16xf32>,
        %swap3A_772 = vector.shape_cast %swap3A_771 : vector<1x1x16xf32> to vector<16xf32>
        %swap3A_773 = vector.shape_cast %mul3A_766 : vector<16xf32> to vector<1x1x16xf32>
        tpu.vector_store %arg6[%swap3A_768, %swap3A_769, %swap3A_770], %swap3A_773 {strides = array<i32>} : memref<4x256x64xf32, #tpu.memory_space<vmem>>, vector<1x1x16xf32>,
      }
      %scan3A_134 = arith.constant 256 : i32
      %mul3A_135 = arith.constant 256 : i32
      %mul3A_136 = arith.muli %add3A_105, %mul3A_135 : i32
      %add3A_137 = arith.addi %mul3A_2, %mul3A_136 : i32
      %dma_start3A_138 = arith.constant 1 : i32
      %dma_start3A_139 = arith.constant 0 : i32
      %dma_start3A_140 = arith.constant 0 : i32
      %dma_start3A_141 = tpu.memref_slice %arg6[%dma_start3A_138, %dma_start3A_139, %dma_start3A_140] : memref<4x256x64xf32, #tpu.memory_space<vmem>> -> memref<1x256x64xf32, #tpu.memory_space<vmem>>
      %dma_start3A_142 = tpu.memref_squeeze %dma_start3A_141 : memref<1x256x64xf32, #tpu.memory_space<vmem>> -> memref<256x64xf32, #tpu.memory_space<vmem>>
      %dma_start3A_143 = arith.constant 0 : i32
      %dma_start3A_144 = tpu.memref_slice %arg4[%add3A_137, %dma_start3A_143] : memref<819200x64xf32, #tpu.memory_space<hbm>> -> memref<256x64xf32, #tpu.memory_space<hbm>>
      %dma_start3A_145 = arith.constant 0 : i32
      %dma_start3A_146 = tpu.memref_slice %arg4[%add3A_137, %dma_start3A_145] : memref<819200x64xf32, #tpu.memory_space<hbm>> -> memref<256x64xf32, #tpu.memory_space<hbm>>
      %dma_start3A_147 = arith.constant 0 : i32
      %dma_start3A_148 = arith.constant 0 : i32
      %dma_start3A_149 = tpu.memref_slice %arg6[%dma_start3A_138, %dma_start3A_147, %dma_start3A_148] : memref<4x256x64xf32, #tpu.memory_space<vmem>> -> memref<1x256x64xf32, #tpu.memory_space<vmem>>
      %dma_start3A_150 = tpu.memref_squeeze %dma_start3A_149 : memref<1x256x64xf32, #tpu.memory_space<vmem>> -> memref<256x64xf32, #tpu.memory_space<vmem>>
      tpu.enqueue_dma source(%dma_start3A_150 : memref<256x64xf32, #tpu.memory_space<vmem>>) target(%dma_start3A_146 : memref<256x64xf32, #tpu.memory_space<hbm>>) target_semaphore(%arg12 : memref<!tpu.dma_semaphore, #tpu.memory_space<semaphore_mem>>)
      %mul3A_151 = arith.constant 4 : i32
      %mul3A_152 = arith.muli %scan3A_56, %mul3A_151 : i32
      %add3A_153 = arith.constant 2 : i32
      %add3A_154 = arith.addi %mul3A_152, %add3A_153 : i32
      %ge3A_155 = arith.constant 2 : i32
      %ge3A_156 = arith.cmpi sge, %add3A_154, %ge3A_155 : i32
      %convert_element_type3A_157 = arith.extui %ge3A_156 : i1 to i32
      %cond3A_158 = arith.constant 0 : i32
      %cond3A_159 = arith.cmpi ne, %convert_element_type3A_157, %cond3A_158 : i32
      scf.if %cond3A_159 {
        %sub3A = arith.constant 2 : i32
        %sub3A_249 = arith.subi %add3A_154, %sub3A : i32
        %mul3A_250 = arith.constant 256 : i32
        %mul3A_251 = arith.muli %sub3A_249, %mul3A_250 : i32
        %add3A_252 = arith.addi %mul3A_2, %mul3A_251 : i32
        %dma_wait3A_253 = arith.constant 0 : i32
        %dma_wait3A_254 = arith.constant 0 : i32
        %dma_wait3A_255 = arith.constant 0 : i32
        %dma_wait3A_256 = tpu.memref_slice %arg6[%dma_wait3A_253, %dma_wait3A_254, %dma_wait3A_255] : memref<4x256x64xf32, #tpu.memory_space<vmem>> -> memref<1x256x64xf32, #tpu.memory_space<vmem>>
        %dma_wait3A_257 = tpu.memref_squeeze %dma_wait3A_256 : memref<1x256x64xf32, #tpu.memory_space<vmem>> -> memref<256x64xf32, #tpu.memory_space<vmem>>
        %dma_wait3A_258 = arith.constant 0 : i32
        %dma_wait3A_259 = tpu.memref_slice %arg4[%add3A_252, %dma_wait3A_258] : memref<819200x64xf32, #tpu.memory_space<hbm>> -> memref<256x64xf32, #tpu.memory_space<hbm>>
        %dma_wait3A_260 = arith.constant 0 : i32
        %dma_wait3A_261 = tpu.memref_slice %arg4[%add3A_252, %dma_wait3A_260] : memref<819200x64xf32, #tpu.memory_space<hbm>> -> memref<256x64xf32, #tpu.memory_space<hbm>>
        %dma_wait3A_262 = arith.constant 0 : i32
        %dma_wait3A_263 = arith.constant 0 : i32
        %dma_wait3A_264 = tpu.memref_slice %arg6[%dma_wait3A_253, %dma_wait3A_262, %dma_wait3A_263] : memref<4x256x64xf32, #tpu.memory_space<vmem>> -> memref<1x256x64xf32, #tpu.memory_space<vmem>>
        %dma_wait3A_265 = tpu.memref_squeeze %dma_wait3A_264 : memref<1x256x64xf32, #tpu.memory_space<vmem>> -> memref<256x64xf32, #tpu.memory_space<vmem>>
        tpu.wait_dma2 semaphore(%arg11 : memref<!tpu.dma_semaphore, #tpu.memory_space<semaphore_mem>>) src(%dma_wait3A_265 : memref<256x64xf32, #tpu.memory_space<vmem>>) dst(%dma_wait3A_261 : memref<256x64xf32, #tpu.memory_space<hbm>>)
      } else {
      }
      %add3A_160 = arith.constant 2 : i32
      %add3A_161 = arith.addi %add3A_154, %add3A_160 : i32
      %lt3A_162 = arith.constant 100 : i32
      %lt3A_163 = arith.cmpi slt, %add3A_161, %lt3A_162 : i32
      %convert_element_type3A_164 = arith.extui %lt3A_163 : i1 to i32
      %cond3A_165 = arith.constant 0 : i32
      %cond3A_166 = arith.cmpi ne, %convert_element_type3A_164, %cond3A_165 : i32
      scf.if %cond3A_166 {
        %add3A_249 = arith.constant 2 : i32
        %add3A_250 = arith.addi %add3A_154, %add3A_249 : i32
        %mul3A_251 = arith.constant 256 : i32
        %mul3A_252 = arith.muli %add3A_250, %mul3A_251 : i32
        %dma_start3A_253 = arith.constant 0 : i32
        %dma_start3A_254 = arith.constant 0 : i32
        %dma_start3A_255 = arith.constant 0 : i32
        %dma_start3A_256 = tpu.memref_slice %arg6[%dma_start3A_253, %dma_start3A_254, %dma_start3A_255] : memref<4x256x64xf32, #tpu.memory_space<vmem>> -> memref<1x256x64xf32, #tpu.memory_space<vmem>>
        %dma_start3A_257 = tpu.memref_squeeze %dma_start3A_256 : memref<1x256x64xf32, #tpu.memory_space<vmem>> -> memref<256x64xf32, #tpu.memory_space<vmem>>
        %dma_start3A_258 = tpu.memref_slice %arg5[%mul3A_252] : memref<25600xi32, #tpu.memory_space<vmem>> -> memref<256xi32, #tpu.memory_space<vmem>>
        %dma_start3A_259 = arith.constant 0 : i32
        %dma_start3A_260 = arith.constant 0 : i32
        %dma_start3A_261 = tpu.memref_slice %arg2[%dma_start3A_259, %dma_start3A_260] : memref<1000000x64xf32, #tpu.memory_space<hbm>> -> memref<1000000x64xf32, #tpu.memory_space<hbm>>
        tpu.enqueue_indirect_dma source(%dma_start3A_261 : memref<1000000x64xf32, #tpu.memory_space<hbm>>) target(%dma_start3A_257 : memref<256x64xf32, #tpu.memory_space<vmem>>) offsets(%dma_start3A_258 : memref<256xi32, #tpu.memory_space<vmem>>) semaphore(%arg7 : memref<!tpu.dma_semaphore, #tpu.memory_space<semaphore_mem>>)
      } else {
      }
      %mul3A_167 = arith.constant 256 : i32
      %mul3A_168 = arith.muli %add3A_154, %mul3A_167 : i32
      %dma_wait3A_169 = arith.constant 2 : i32
      %dma_wait3A_170 = arith.constant 0 : i32
      %dma_wait3A_171 = arith.constant 0 : i32
      %dma_wait3A_172 = tpu.memref_slice %arg6[%dma_wait3A_169, %dma_wait3A_170, %dma_wait3A_171] : memref<4x256x64xf32, #tpu.memory_space<vmem>> -> memref<1x256x64xf32, #tpu.memory_space<vmem>>
      %dma_wait3A_173 = tpu.memref_squeeze %dma_wait3A_172 : memref<1x256x64xf32, #tpu.memory_space<vmem>> -> memref<256x64xf32, #tpu.memory_space<vmem>>
      %dma_wait3A_174 = tpu.memref_slice %arg5[%mul3A_168] : memref<25600xi32, #tpu.memory_space<vmem>> -> memref<256xi32, #tpu.memory_space<vmem>>
      %dma_wait3A_175 = arith.constant 0 : i32
      %dma_wait3A_176 = arith.constant 0 : i32
      %dma_wait3A_177 = tpu.memref_slice %arg2[%dma_wait3A_175, %dma_wait3A_176] : memref<1000000x64xf32, #tpu.memory_space<hbm>> -> memref<1000000x64xf32, #tpu.memory_space<hbm>>
      tpu.wait_indirect_dma semaphore(%arg9 : memref<!tpu.dma_semaphore, #tpu.memory_space<semaphore_mem>>) src(%dma_wait3A_177 : memref<1000000x64xf32, #tpu.memory_space<hbm>>) dst(%dma_wait3A_173 : memref<256x64xf32, #tpu.memory_space<vmem>>)
      %scan3A_178 = arith.constant 0 : i32
      %scan3A_179 = arith.constant 0 : i32
      %scan3A_180 = arith.constant 256 : i32
      %scan3A_181 = arith.addi %scan3A_179, %scan3A_180 : i32
      %scan3A_182 = arith.constant 8 : i32
      scf.for %scan3A_249 = %scan3A_179 to %scan3A_181 step %scan3A_182  : i32 {
        %get3A = arith.constant 2 : i32
        %get3A_250 = arith.index_cast %get3A : i32 to index
        %get3A_251 = arith.index_cast %scan3A_249 : i32 to index
        %get3A_252 = arith.constant 0 : index
        %get3A_253 = tpu.vector_load %arg6[%get3A_250, %get3A_251, %get3A_252] {strides = array<i32>} : memref<4x256x64xf32, #tpu.memory_space<vmem>>, vector<1x1x16xf32>,
        %get3A_254 = vector.shape_cast %get3A_253 : vector<1x1x16xf32> to vector<16xf32>
        %mul3A_255 = arith.constant 8.000000e+00 : f32
        %mul3A_256 = vector.broadcast %mul3A_255 : f32 to vector<16xf32>
        %mul3A_257 = arith.mulf %get3A_254, %mul3A_256 : vector<16xf32>
        %swap3A = arith.constant 2 : i32
        %swap3A_258 = arith.index_cast %swap3A : i32 to index
        %swap3A_259 = arith.index_cast %scan3A_249 : i32 to index
        %swap3A_260 = arith.constant 0 : index
        %swap3A_261 = tpu.vector_load %arg6[%swap3A_258, %swap3A_259, %swap3A_260] {strides = array<i32>} : memref<4x256x64xf32, #tpu.memory_space<vmem>>, vector<1x1x16xf32>,
        %swap3A_262 = vector.shape_cast %swap3A_261 : vector<1x1x16xf32> to vector<16xf32>
        %swap3A_263 = vector.shape_cast %mul3A_257 : vector<16xf32> to vector<1x1x16xf32>
        tpu.vector_store %arg6[%swap3A_258, %swap3A_259, %swap3A_260], %swap3A_263 {strides = array<i32>} : memref<4x256x64xf32, #tpu.memory_space<vmem>>, vector<1x1x16xf32>,
        %get3A_264 = arith.constant 2 : i32
        %get3A_265 = arith.index_cast %get3A_264 : i32 to index
        %get3A_266 = arith.index_cast %scan3A_249 : i32 to index
        %get3A_267 = arith.constant 16 : index
        %get3A_268 = tpu.vector_load %arg6[%get3A_265, %get3A_266, %get3A_267] {strides = array<i32>} : memref<4x256x64xf32, #tpu.memory_space<vmem>>, vector<1x1x16xf32>,
        %get3A_269 = vector.shape_cast %get3A_268 : vector<1x1x16xf32> to vector<16xf32>
        %mul3A_270 = arith.constant 8.000000e+00 : f32
        %mul3A_271 = vector.broadcast %mul3A_270 : f32 to vector<16xf32>
        %mul3A_272 = arith.mulf %get3A_269, %mul3A_271 : vector<16xf32>
        %swap3A_273 = arith.constant 2 : i32
        %swap3A_274 = arith.index_cast %swap3A_273 : i32 to index
        %swap3A_275 = arith.index_cast %scan3A_249 : i32 to index
        %swap3A_276 = arith.constant 16 : index
        %swap3A_277 = tpu.vector_load %arg6[%swap3A_274, %swap3A_275, %swap3A_276] {strides = array<i32>} : memref<4x256x64xf32, #tpu.memory_space<vmem>>, vector<1x1x16xf32>,
        %swap3A_278 = vector.shape_cast %swap3A_277 : vector<1x1x16xf32> to vector<16xf32>
        %swap3A_279 = vector.shape_cast %mul3A_272 : vector<16xf32> to vector<1x1x16xf32>
        tpu.vector_store %arg6[%swap3A_274, %swap3A_275, %swap3A_276], %swap3A_279 {strides = array<i32>} : memref<4x256x64xf32, #tpu.memory_space<vmem>>, vector<1x1x16xf32>,
        %get3A_280 = arith.constant 2 : i32
        %get3A_281 = arith.index_cast %get3A_280 : i32 to index
        %get3A_282 = arith.index_cast %scan3A_249 : i32 to index
        %get3A_283 = arith.constant 32 : index
        %get3A_284 = tpu.vector_load %arg6[%get3A_281, %get3A_282, %get3A_283] {strides = array<i32>} : memref<4x256x64xf32, #tpu.memory_space<vmem>>, vector<1x1x16xf32>,
        %get3A_285 = vector.shape_cast %get3A_284 : vector<1x1x16xf32> to vector<16xf32>
        %mul3A_286 = arith.constant 8.000000e+00 : f32
        %mul3A_287 = vector.broadcast %mul3A_286 : f32 to vector<16xf32>
        %mul3A_288 = arith.mulf %get3A_285, %mul3A_287 : vector<16xf32>
        %swap3A_289 = arith.constant 2 : i32
        %swap3A_290 = arith.index_cast %swap3A_289 : i32 to index
        %swap3A_291 = arith.index_cast %scan3A_249 : i32 to index
        %swap3A_292 = arith.constant 32 : index
        %swap3A_293 = tpu.vector_load %arg6[%swap3A_290, %swap3A_291, %swap3A_292] {strides = array<i32>} : memref<4x256x64xf32, #tpu.memory_space<vmem>>, vector<1x1x16xf32>,
        %swap3A_294 = vector.shape_cast %swap3A_293 : vector<1x1x16xf32> to vector<16xf32>
        %swap3A_295 = vector.shape_cast %mul3A_288 : vector<16xf32> to vector<1x1x16xf32>
        tpu.vector_store %arg6[%swap3A_290, %swap3A_291, %swap3A_292], %swap3A_295 {strides = array<i32>} : memref<4x256x64xf32, #tpu.memory_space<vmem>>, vector<1x1x16xf32>,
        %get3A_296 = arith.constant 2 : i32
        %get3A_297 = arith.index_cast %get3A_296 : i32 to index
        %get3A_298 = arith.index_cast %scan3A_249 : i32 to index
        %get3A_299 = arith.constant 48 : index
        %get3A_300 = tpu.vector_load %arg6[%get3A_297, %get3A_298, %get3A_299] {strides = array<i32>} : memref<4x256x64xf32, #tpu.memory_space<vmem>>, vector<1x1x16xf32>,
        %get3A_301 = vector.shape_cast %get3A_300 : vector<1x1x16xf32> to vector<16xf32>
        %mul3A_302 = arith.constant 8.000000e+00 : f32
        %mul3A_303 = vector.broadcast %mul3A_302 : f32 to vector<16xf32>
        %mul3A_304 = arith.mulf %get3A_301, %mul3A_303 : vector<16xf32>
        %swap3A_305 = arith.constant 2 : i32
        %swap3A_306 = arith.index_cast %swap3A_305 : i32 to index
        %swap3A_307 = arith.index_cast %scan3A_249 : i32 to index
        %swap3A_308 = arith.constant 48 : index
        %swap3A_309 = tpu.vector_load %arg6[%swap3A_306, %swap3A_307, %swap3A_308] {strides = array<i32>} : memref<4x256x64xf32, #tpu.memory_space<vmem>>, vector<1x1x16xf32>,
        %swap3A_310 = vector.shape_cast %swap3A_309 : vector<1x1x16xf32> to vector<16xf32>
        %swap3A_311 = vector.shape_cast %mul3A_304 : vector<16xf32> to vector<1x1x16xf32>
        tpu.vector_store %arg6[%swap3A_306, %swap3A_307, %swap3A_308], %swap3A_311 {strides = array<i32>} : memref<4x256x64xf32, #tpu.memory_space<vmem>>, vector<1x1x16xf32>,
        %scan3A_312 = arith.constant 1 : i32
        %scan3A_313 = arith.addi %scan3A_249, %scan3A_312 : i32
        %get3A_314 = arith.constant 2 : i32
        %get3A_315 = arith.index_cast %get3A_314 : i32 to index
        %get3A_316 = arith.index_cast %scan3A_313 : i32 to index
        %get3A_317 = arith.constant 0 : index
        %get3A_318 = tpu.vector_load %arg6[%get3A_315, %get3A_316, %get3A_317] {strides = array<i32>} : memref<4x256x64xf32, #tpu.memory_space<vmem>>, vector<1x1x16xf32>,
        %get3A_319 = vector.shape_cast %get3A_318 : vector<1x1x16xf32> to vector<16xf32>
        %mul3A_320 = arith.constant 8.000000e+00 : f32
        %mul3A_321 = vector.broadcast %mul3A_320 : f32 to vector<16xf32>
        %mul3A_322 = arith.mulf %get3A_319, %mul3A_321 : vector<16xf32>
        %swap3A_323 = arith.constant 2 : i32
        %swap3A_324 = arith.index_cast %swap3A_323 : i32 to index
        %swap3A_325 = arith.index_cast %scan3A_313 : i32 to index
        %swap3A_326 = arith.constant 0 : index
        %swap3A_327 = tpu.vector_load %arg6[%swap3A_324, %swap3A_325, %swap3A_326] {strides = array<i32>} : memref<4x256x64xf32, #tpu.memory_space<vmem>>, vector<1x1x16xf32>,
        %swap3A_328 = vector.shape_cast %swap3A_327 : vector<1x1x16xf32> to vector<16xf32>
        %swap3A_329 = vector.shape_cast %mul3A_322 : vector<16xf32> to vector<1x1x16xf32>
        tpu.vector_store %arg6[%swap3A_324, %swap3A_325, %swap3A_326], %swap3A_329 {strides = array<i32>} : memref<4x256x64xf32, #tpu.memory_space<vmem>>, vector<1x1x16xf32>,
        %get3A_330 = arith.constant 2 : i32
        %get3A_331 = arith.index_cast %get3A_330 : i32 to index
        %get3A_332 = arith.index_cast %scan3A_313 : i32 to index
        %get3A_333 = arith.constant 16 : index
        %get3A_334 = tpu.vector_load %arg6[%get3A_331, %get3A_332, %get3A_333] {strides = array<i32>} : memref<4x256x64xf32, #tpu.memory_space<vmem>>, vector<1x1x16xf32>,
        %get3A_335 = vector.shape_cast %get3A_334 : vector<1x1x16xf32> to vector<16xf32>
        %mul3A_336 = arith.constant 8.000000e+00 : f32
        %mul3A_337 = vector.broadcast %mul3A_336 : f32 to vector<16xf32>
        %mul3A_338 = arith.mulf %get3A_335, %mul3A_337 : vector<16xf32>
        %swap3A_339 = arith.constant 2 : i32
        %swap3A_340 = arith.index_cast %swap3A_339 : i32 to index
        %swap3A_341 = arith.index_cast %scan3A_313 : i32 to index
        %swap3A_342 = arith.constant 16 : index
        %swap3A_343 = tpu.vector_load %arg6[%swap3A_340, %swap3A_341, %swap3A_342] {strides = array<i32>} : memref<4x256x64xf32, #tpu.memory_space<vmem>>, vector<1x1x16xf32>,
        %swap3A_344 = vector.shape_cast %swap3A_343 : vector<1x1x16xf32> to vector<16xf32>
        %swap3A_345 = vector.shape_cast %mul3A_338 : vector<16xf32> to vector<1x1x16xf32>
        tpu.vector_store %arg6[%swap3A_340, %swap3A_341, %swap3A_342], %swap3A_345 {strides = array<i32>} : memref<4x256x64xf32, #tpu.memory_space<vmem>>, vector<1x1x16xf32>,
        %get3A_346 = arith.constant 2 : i32
        %get3A_347 = arith.index_cast %get3A_346 : i32 to index
        %get3A_348 = arith.index_cast %scan3A_313 : i32 to index
        %get3A_349 = arith.constant 32 : index
        %get3A_350 = tpu.vector_load %arg6[%get3A_347, %get3A_348, %get3A_349] {strides = array<i32>} : memref<4x256x64xf32, #tpu.memory_space<vmem>>, vector<1x1x16xf32>,
        %get3A_351 = vector.shape_cast %get3A_350 : vector<1x1x16xf32> to vector<16xf32>
        %mul3A_352 = arith.constant 8.000000e+00 : f32
        %mul3A_353 = vector.broadcast %mul3A_352 : f32 to vector<16xf32>
        %mul3A_354 = arith.mulf %get3A_351, %mul3A_353 : vector<16xf32>
        %swap3A_355 = arith.constant 2 : i32
        %swap3A_356 = arith.index_cast %swap3A_355 : i32 to index
        %swap3A_357 = arith.index_cast %scan3A_313 : i32 to index
        %swap3A_358 = arith.constant 32 : index
        %swap3A_359 = tpu.vector_load %arg6[%swap3A_356, %swap3A_357, %swap3A_358] {strides = array<i32>} : memref<4x256x64xf32, #tpu.memory_space<vmem>>, vector<1x1x16xf32>,
        %swap3A_360 = vector.shape_cast %swap3A_359 : vector<1x1x16xf32> to vector<16xf32>
        %swap3A_361 = vector.shape_cast %mul3A_354 : vector<16xf32> to vector<1x1x16xf32>
        tpu.vector_store %arg6[%swap3A_356, %swap3A_357, %swap3A_358], %swap3A_361 {strides = array<i32>} : memref<4x256x64xf32, #tpu.memory_space<vmem>>, vector<1x1x16xf32>,
        %get3A_362 = arith.constant 2 : i32
        %get3A_363 = arith.index_cast %get3A_362 : i32 to index
        %get3A_364 = arith.index_cast %scan3A_313 : i32 to index
        %get3A_365 = arith.constant 48 : index
        %get3A_366 = tpu.vector_load %arg6[%get3A_363, %get3A_364, %get3A_365] {strides = array<i32>} : memref<4x256x64xf32, #tpu.memory_space<vmem>>, vector<1x1x16xf32>,
        %get3A_367 = vector.shape_cast %get3A_366 : vector<1x1x16xf32> to vector<16xf32>
        %mul3A_368 = arith.constant 8.000000e+00 : f32
        %mul3A_369 = vector.broadcast %mul3A_368 : f32 to vector<16xf32>
        %mul3A_370 = arith.mulf %get3A_367, %mul3A_369 : vector<16xf32>
        %swap3A_371 = arith.constant 2 : i32
        %swap3A_372 = arith.index_cast %swap3A_371 : i32 to index
        %swap3A_373 = arith.index_cast %scan3A_313 : i32 to index
        %swap3A_374 = arith.constant 48 : index
        %swap3A_375 = tpu.vector_load %arg6[%swap3A_372, %swap3A_373, %swap3A_374] {strides = array<i32>} : memref<4x256x64xf32, #tpu.memory_space<vmem>>, vector<1x1x16xf32>,
        %swap3A_376 = vector.shape_cast %swap3A_375 : vector<1x1x16xf32> to vector<16xf32>
        %swap3A_377 = vector.shape_cast %mul3A_370 : vector<16xf32> to vector<1x1x16xf32>
        tpu.vector_store %arg6[%swap3A_372, %swap3A_373, %swap3A_374], %swap3A_377 {strides = array<i32>} : memref<4x256x64xf32, #tpu.memory_space<vmem>>, vector<1x1x16xf32>,
        %scan3A_378 = arith.constant 2 : i32
        %scan3A_379 = arith.addi %scan3A_249, %scan3A_378 : i32
        %get3A_380 = arith.constant 2 : i32
        %get3A_381 = arith.index_cast %get3A_380 : i32 to index
        %get3A_382 = arith.index_cast %scan3A_379 : i32 to index
        %get3A_383 = arith.constant 0 : index
        %get3A_384 = tpu.vector_load %arg6[%get3A_381, %get3A_382, %get3A_383] {strides = array<i32>} : memref<4x256x64xf32, #tpu.memory_space<vmem>>, vector<1x1x16xf32>,
        %get3A_385 = vector.shape_cast %get3A_384 : vector<1x1x16xf32> to vector<16xf32>
        %mul3A_386 = arith.constant 8.000000e+00 : f32
        %mul3A_387 = vector.broadcast %mul3A_386 : f32 to vector<16xf32>
        %mul3A_388 = arith.mulf %get3A_385, %mul3A_387 : vector<16xf32>
        %swap3A_389 = arith.constant 2 : i32
        %swap3A_390 = arith.index_cast %swap3A_389 : i32 to index
        %swap3A_391 = arith.index_cast %scan3A_379 : i32 to index
        %swap3A_392 = arith.constant 0 : index
        %swap3A_393 = tpu.vector_load %arg6[%swap3A_390, %swap3A_391, %swap3A_392] {strides = array<i32>} : memref<4x256x64xf32, #tpu.memory_space<vmem>>, vector<1x1x16xf32>,
        %swap3A_394 = vector.shape_cast %swap3A_393 : vector<1x1x16xf32> to vector<16xf32>
        %swap3A_395 = vector.shape_cast %mul3A_388 : vector<16xf32> to vector<1x1x16xf32>
        tpu.vector_store %arg6[%swap3A_390, %swap3A_391, %swap3A_392], %swap3A_395 {strides = array<i32>} : memref<4x256x64xf32, #tpu.memory_space<vmem>>, vector<1x1x16xf32>,
        %get3A_396 = arith.constant 2 : i32
        %get3A_397 = arith.index_cast %get3A_396 : i32 to index
        %get3A_398 = arith.index_cast %scan3A_379 : i32 to index
        %get3A_399 = arith.constant 16 : index
        %get3A_400 = tpu.vector_load %arg6[%get3A_397, %get3A_398, %get3A_399] {strides = array<i32>} : memref<4x256x64xf32, #tpu.memory_space<vmem>>, vector<1x1x16xf32>,
        %get3A_401 = vector.shape_cast %get3A_400 : vector<1x1x16xf32> to vector<16xf32>
        %mul3A_402 = arith.constant 8.000000e+00 : f32
        %mul3A_403 = vector.broadcast %mul3A_402 : f32 to vector<16xf32>
        %mul3A_404 = arith.mulf %get3A_401, %mul3A_403 : vector<16xf32>
        %swap3A_405 = arith.constant 2 : i32
        %swap3A_406 = arith.index_cast %swap3A_405 : i32 to index
        %swap3A_407 = arith.index_cast %scan3A_379 : i32 to index
        %swap3A_408 = arith.constant 16 : index
        %swap3A_409 = tpu.vector_load %arg6[%swap3A_406, %swap3A_407, %swap3A_408] {strides = array<i32>} : memref<4x256x64xf32, #tpu.memory_space<vmem>>, vector<1x1x16xf32>,
        %swap3A_410 = vector.shape_cast %swap3A_409 : vector<1x1x16xf32> to vector<16xf32>
        %swap3A_411 = vector.shape_cast %mul3A_404 : vector<16xf32> to vector<1x1x16xf32>
        tpu.vector_store %arg6[%swap3A_406, %swap3A_407, %swap3A_408], %swap3A_411 {strides = array<i32>} : memref<4x256x64xf32, #tpu.memory_space<vmem>>, vector<1x1x16xf32>,
        %get3A_412 = arith.constant 2 : i32
        %get3A_413 = arith.index_cast %get3A_412 : i32 to index
        %get3A_414 = arith.index_cast %scan3A_379 : i32 to index
        %get3A_415 = arith.constant 32 : index
        %get3A_416 = tpu.vector_load %arg6[%get3A_413, %get3A_414, %get3A_415] {strides = array<i32>} : memref<4x256x64xf32, #tpu.memory_space<vmem>>, vector<1x1x16xf32>,
        %get3A_417 = vector.shape_cast %get3A_416 : vector<1x1x16xf32> to vector<16xf32>
        %mul3A_418 = arith.constant 8.000000e+00 : f32
        %mul3A_419 = vector.broadcast %mul3A_418 : f32 to vector<16xf32>
        %mul3A_420 = arith.mulf %get3A_417, %mul3A_419 : vector<16xf32>
        %swap3A_421 = arith.constant 2 : i32
        %swap3A_422 = arith.index_cast %swap3A_421 : i32 to index
        %swap3A_423 = arith.index_cast %scan3A_379 : i32 to index
        %swap3A_424 = arith.constant 32 : index
        %swap3A_425 = tpu.vector_load %arg6[%swap3A_422, %swap3A_423, %swap3A_424] {strides = array<i32>} : memref<4x256x64xf32, #tpu.memory_space<vmem>>, vector<1x1x16xf32>,
        %swap3A_426 = vector.shape_cast %swap3A_425 : vector<1x1x16xf32> to vector<16xf32>
        %swap3A_427 = vector.shape_cast %mul3A_420 : vector<16xf32> to vector<1x1x16xf32>
        tpu.vector_store %arg6[%swap3A_422, %swap3A_423, %swap3A_424], %swap3A_427 {strides = array<i32>} : memref<4x256x64xf32, #tpu.memory_space<vmem>>, vector<1x1x16xf32>,
        %get3A_428 = arith.constant 2 : i32
        %get3A_429 = arith.index_cast %get3A_428 : i32 to index
        %get3A_430 = arith.index_cast %scan3A_379 : i32 to index
        %get3A_431 = arith.constant 48 : index
        %get3A_432 = tpu.vector_load %arg6[%get3A_429, %get3A_430, %get3A_431] {strides = array<i32>} : memref<4x256x64xf32, #tpu.memory_space<vmem>>, vector<1x1x16xf32>,
        %get3A_433 = vector.shape_cast %get3A_432 : vector<1x1x16xf32> to vector<16xf32>
        %mul3A_434 = arith.constant 8.000000e+00 : f32
        %mul3A_435 = vector.broadcast %mul3A_434 : f32 to vector<16xf32>
        %mul3A_436 = arith.mulf %get3A_433, %mul3A_435 : vector<16xf32>
        %swap3A_437 = arith.constant 2 : i32
        %swap3A_438 = arith.index_cast %swap3A_437 : i32 to index
        %swap3A_439 = arith.index_cast %scan3A_379 : i32 to index
        %swap3A_440 = arith.constant 48 : index
        %swap3A_441 = tpu.vector_load %arg6[%swap3A_438, %swap3A_439, %swap3A_440] {strides = array<i32>} : memref<4x256x64xf32, #tpu.memory_space<vmem>>, vector<1x1x16xf32>,
        %swap3A_442 = vector.shape_cast %swap3A_441 : vector<1x1x16xf32> to vector<16xf32>
        %swap3A_443 = vector.shape_cast %mul3A_436 : vector<16xf32> to vector<1x1x16xf32>
        tpu.vector_store %arg6[%swap3A_438, %swap3A_439, %swap3A_440], %swap3A_443 {strides = array<i32>} : memref<4x256x64xf32, #tpu.memory_space<vmem>>, vector<1x1x16xf32>,
        %scan3A_444 = arith.constant 3 : i32
        %scan3A_445 = arith.addi %scan3A_249, %scan3A_444 : i32
        %get3A_446 = arith.constant 2 : i32
        %get3A_447 = arith.index_cast %get3A_446 : i32 to index
        %get3A_448 = arith.index_cast %scan3A_445 : i32 to index
        %get3A_449 = arith.constant 0 : index
        %get3A_450 = tpu.vector_load %arg6[%get3A_447, %get3A_448, %get3A_449] {strides = array<i32>} : memref<4x256x64xf32, #tpu.memory_space<vmem>>, vector<1x1x16xf32>,
        %get3A_451 = vector.shape_cast %get3A_450 : vector<1x1x16xf32> to vector<16xf32>
        %mul3A_452 = arith.constant 8.000000e+00 : f32
        %mul3A_453 = vector.broadcast %mul3A_452 : f32 to vector<16xf32>
        %mul3A_454 = arith.mulf %get3A_451, %mul3A_453 : vector<16xf32>
        %swap3A_455 = arith.constant 2 : i32
        %swap3A_456 = arith.index_cast %swap3A_455 : i32 to index
        %swap3A_457 = arith.index_cast %scan3A_445 : i32 to index
        %swap3A_458 = arith.constant 0 : index
        %swap3A_459 = tpu.vector_load %arg6[%swap3A_456, %swap3A_457, %swap3A_458] {strides = array<i32>} : memref<4x256x64xf32, #tpu.memory_space<vmem>>, vector<1x1x16xf32>,
        %swap3A_460 = vector.shape_cast %swap3A_459 : vector<1x1x16xf32> to vector<16xf32>
        %swap3A_461 = vector.shape_cast %mul3A_454 : vector<16xf32> to vector<1x1x16xf32>
        tpu.vector_store %arg6[%swap3A_456, %swap3A_457, %swap3A_458], %swap3A_461 {strides = array<i32>} : memref<4x256x64xf32, #tpu.memory_space<vmem>>, vector<1x1x16xf32>,
        %get3A_462 = arith.constant 2 : i32
        %get3A_463 = arith.index_cast %get3A_462 : i32 to index
        %get3A_464 = arith.index_cast %scan3A_445 : i32 to index
        %get3A_465 = arith.constant 16 : index
        %get3A_466 = tpu.vector_load %arg6[%get3A_463, %get3A_464, %get3A_465] {strides = array<i32>} : memref<4x256x64xf32, #tpu.memory_space<vmem>>, vector<1x1x16xf32>,
        %get3A_467 = vector.shape_cast %get3A_466 : vector<1x1x16xf32> to vector<16xf32>
        %mul3A_468 = arith.constant 8.000000e+00 : f32
        %mul3A_469 = vector.broadcast %mul3A_468 : f32 to vector<16xf32>
        %mul3A_470 = arith.mulf %get3A_467, %mul3A_469 : vector<16xf32>
        %swap3A_471 = arith.constant 2 : i32
        %swap3A_472 = arith.index_cast %swap3A_471 : i32 to index
        %swap3A_473 = arith.index_cast %scan3A_445 : i32 to index
        %swap3A_474 = arith.constant 16 : index
        %swap3A_475 = tpu.vector_load %arg6[%swap3A_472, %swap3A_473, %swap3A_474] {strides = array<i32>} : memref<4x256x64xf32, #tpu.memory_space<vmem>>, vector<1x1x16xf32>,
        %swap3A_476 = vector.shape_cast %swap3A_475 : vector<1x1x16xf32> to vector<16xf32>
        %swap3A_477 = vector.shape_cast %mul3A_470 : vector<16xf32> to vector<1x1x16xf32>
        tpu.vector_store %arg6[%swap3A_472, %swap3A_473, %swap3A_474], %swap3A_477 {strides = array<i32>} : memref<4x256x64xf32, #tpu.memory_space<vmem>>, vector<1x1x16xf32>,
        %get3A_478 = arith.constant 2 : i32
        %get3A_479 = arith.index_cast %get3A_478 : i32 to index
        %get3A_480 = arith.index_cast %scan3A_445 : i32 to index
        %get3A_481 = arith.constant 32 : index
        %get3A_482 = tpu.vector_load %arg6[%get3A_479, %get3A_480, %get3A_481] {strides = array<i32>} : memref<4x256x64xf32, #tpu.memory_space<vmem>>, vector<1x1x16xf32>,
        %get3A_483 = vector.shape_cast %get3A_482 : vector<1x1x16xf32> to vector<16xf32>
        %mul3A_484 = arith.constant 8.000000e+00 : f32
        %mul3A_485 = vector.broadcast %mul3A_484 : f32 to vector<16xf32>
        %mul3A_486 = arith.mulf %get3A_483, %mul3A_485 : vector<16xf32>
        %swap3A_487 = arith.constant 2 : i32
        %swap3A_488 = arith.index_cast %swap3A_487 : i32 to index
        %swap3A_489 = arith.index_cast %scan3A_445 : i32 to index
        %swap3A_490 = arith.constant 32 : index
        %swap3A_491 = tpu.vector_load %arg6[%swap3A_488, %swap3A_489, %swap3A_490] {strides = array<i32>} : memref<4x256x64xf32, #tpu.memory_space<vmem>>, vector<1x1x16xf32>,
        %swap3A_492 = vector.shape_cast %swap3A_491 : vector<1x1x16xf32> to vector<16xf32>
        %swap3A_493 = vector.shape_cast %mul3A_486 : vector<16xf32> to vector<1x1x16xf32>
        tpu.vector_store %arg6[%swap3A_488, %swap3A_489, %swap3A_490], %swap3A_493 {strides = array<i32>} : memref<4x256x64xf32, #tpu.memory_space<vmem>>, vector<1x1x16xf32>,
        %get3A_494 = arith.constant 2 : i32
        %get3A_495 = arith.index_cast %get3A_494 : i32 to index
        %get3A_496 = arith.index_cast %scan3A_445 : i32 to index
        %get3A_497 = arith.constant 48 : index
        %get3A_498 = tpu.vector_load %arg6[%get3A_495, %get3A_496, %get3A_497] {strides = array<i32>} : memref<4x256x64xf32, #tpu.memory_space<vmem>>, vector<1x1x16xf32>,
        %get3A_499 = vector.shape_cast %get3A_498 : vector<1x1x16xf32> to vector<16xf32>
        %mul3A_500 = arith.constant 8.000000e+00 : f32
        %mul3A_501 = vector.broadcast %mul3A_500 : f32 to vector<16xf32>
        %mul3A_502 = arith.mulf %get3A_499, %mul3A_501 : vector<16xf32>
        %swap3A_503 = arith.constant 2 : i32
        %swap3A_504 = arith.index_cast %swap3A_503 : i32 to index
        %swap3A_505 = arith.index_cast %scan3A_445 : i32 to index
        %swap3A_506 = arith.constant 48 : index
        %swap3A_507 = tpu.vector_load %arg6[%swap3A_504, %swap3A_505, %swap3A_506] {strides = array<i32>} : memref<4x256x64xf32, #tpu.memory_space<vmem>>, vector<1x1x16xf32>,
        %swap3A_508 = vector.shape_cast %swap3A_507 : vector<1x1x16xf32> to vector<16xf32>
        %swap3A_509 = vector.shape_cast %mul3A_502 : vector<16xf32> to vector<1x1x16xf32>
        tpu.vector_store %arg6[%swap3A_504, %swap3A_505, %swap3A_506], %swap3A_509 {strides = array<i32>} : memref<4x256x64xf32, #tpu.memory_space<vmem>>, vector<1x1x16xf32>,
        %scan3A_510 = arith.constant 4 : i32
        %scan3A_511 = arith.addi %scan3A_249, %scan3A_510 : i32
        %get3A_512 = arith.constant 2 : i32
        %get3A_513 = arith.index_cast %get3A_512 : i32 to index
        %get3A_514 = arith.index_cast %scan3A_511 : i32 to index
        %get3A_515 = arith.constant 0 : index
        %get3A_516 = tpu.vector_load %arg6[%get3A_513, %get3A_514, %get3A_515] {strides = array<i32>} : memref<4x256x64xf32, #tpu.memory_space<vmem>>, vector<1x1x16xf32>,
        %get3A_517 = vector.shape_cast %get3A_516 : vector<1x1x16xf32> to vector<16xf32>
        %mul3A_518 = arith.constant 8.000000e+00 : f32
        %mul3A_519 = vector.broadcast %mul3A_518 : f32 to vector<16xf32>
        %mul3A_520 = arith.mulf %get3A_517, %mul3A_519 : vector<16xf32>
        %swap3A_521 = arith.constant 2 : i32
        %swap3A_522 = arith.index_cast %swap3A_521 : i32 to index
        %swap3A_523 = arith.index_cast %scan3A_511 : i32 to index
        %swap3A_524 = arith.constant 0 : index
        %swap3A_525 = tpu.vector_load %arg6[%swap3A_522, %swap3A_523, %swap3A_524] {strides = array<i32>} : memref<4x256x64xf32, #tpu.memory_space<vmem>>, vector<1x1x16xf32>,
        %swap3A_526 = vector.shape_cast %swap3A_525 : vector<1x1x16xf32> to vector<16xf32>
        %swap3A_527 = vector.shape_cast %mul3A_520 : vector<16xf32> to vector<1x1x16xf32>
        tpu.vector_store %arg6[%swap3A_522, %swap3A_523, %swap3A_524], %swap3A_527 {strides = array<i32>} : memref<4x256x64xf32, #tpu.memory_space<vmem>>, vector<1x1x16xf32>,
        %get3A_528 = arith.constant 2 : i32
        %get3A_529 = arith.index_cast %get3A_528 : i32 to index
        %get3A_530 = arith.index_cast %scan3A_511 : i32 to index
        %get3A_531 = arith.constant 16 : index
        %get3A_532 = tpu.vector_load %arg6[%get3A_529, %get3A_530, %get3A_531] {strides = array<i32>} : memref<4x256x64xf32, #tpu.memory_space<vmem>>, vector<1x1x16xf32>,
        %get3A_533 = vector.shape_cast %get3A_532 : vector<1x1x16xf32> to vector<16xf32>
        %mul3A_534 = arith.constant 8.000000e+00 : f32
        %mul3A_535 = vector.broadcast %mul3A_534 : f32 to vector<16xf32>
        %mul3A_536 = arith.mulf %get3A_533, %mul3A_535 : vector<16xf32>
        %swap3A_537 = arith.constant 2 : i32
        %swap3A_538 = arith.index_cast %swap3A_537 : i32 to index
        %swap3A_539 = arith.index_cast %scan3A_511 : i32 to index
        %swap3A_540 = arith.constant 16 : index
        %swap3A_541 = tpu.vector_load %arg6[%swap3A_538, %swap3A_539, %swap3A_540] {strides = array<i32>} : memref<4x256x64xf32, #tpu.memory_space<vmem>>, vector<1x1x16xf32>,
        %swap3A_542 = vector.shape_cast %swap3A_541 : vector<1x1x16xf32> to vector<16xf32>
        %swap3A_543 = vector.shape_cast %mul3A_536 : vector<16xf32> to vector<1x1x16xf32>
        tpu.vector_store %arg6[%swap3A_538, %swap3A_539, %swap3A_540], %swap3A_543 {strides = array<i32>} : memref<4x256x64xf32, #tpu.memory_space<vmem>>, vector<1x1x16xf32>,
        %get3A_544 = arith.constant 2 : i32
        %get3A_545 = arith.index_cast %get3A_544 : i32 to index
        %get3A_546 = arith.index_cast %scan3A_511 : i32 to index
        %get3A_547 = arith.constant 32 : index
        %get3A_548 = tpu.vector_load %arg6[%get3A_545, %get3A_546, %get3A_547] {strides = array<i32>} : memref<4x256x64xf32, #tpu.memory_space<vmem>>, vector<1x1x16xf32>,
        %get3A_549 = vector.shape_cast %get3A_548 : vector<1x1x16xf32> to vector<16xf32>
        %mul3A_550 = arith.constant 8.000000e+00 : f32
        %mul3A_551 = vector.broadcast %mul3A_550 : f32 to vector<16xf32>
        %mul3A_552 = arith.mulf %get3A_549, %mul3A_551 : vector<16xf32>
        %swap3A_553 = arith.constant 2 : i32
        %swap3A_554 = arith.index_cast %swap3A_553 : i32 to index
        %swap3A_555 = arith.index_cast %scan3A_511 : i32 to index
        %swap3A_556 = arith.constant 32 : index
        %swap3A_557 = tpu.vector_load %arg6[%swap3A_554, %swap3A_555, %swap3A_556] {strides = array<i32>} : memref<4x256x64xf32, #tpu.memory_space<vmem>>, vector<1x1x16xf32>,
        %swap3A_558 = vector.shape_cast %swap3A_557 : vector<1x1x16xf32> to vector<16xf32>
        %swap3A_559 = vector.shape_cast %mul3A_552 : vector<16xf32> to vector<1x1x16xf32>
        tpu.vector_store %arg6[%swap3A_554, %swap3A_555, %swap3A_556], %swap3A_559 {strides = array<i32>} : memref<4x256x64xf32, #tpu.memory_space<vmem>>, vector<1x1x16xf32>,
        %get3A_560 = arith.constant 2 : i32
        %get3A_561 = arith.index_cast %get3A_560 : i32 to index
        %get3A_562 = arith.index_cast %scan3A_511 : i32 to index
        %get3A_563 = arith.constant 48 : index
        %get3A_564 = tpu.vector_load %arg6[%get3A_561, %get3A_562, %get3A_563] {strides = array<i32>} : memref<4x256x64xf32, #tpu.memory_space<vmem>>, vector<1x1x16xf32>,
        %get3A_565 = vector.shape_cast %get3A_564 : vector<1x1x16xf32> to vector<16xf32>
        %mul3A_566 = arith.constant 8.000000e+00 : f32
        %mul3A_567 = vector.broadcast %mul3A_566 : f32 to vector<16xf32>
        %mul3A_568 = arith.mulf %get3A_565, %mul3A_567 : vector<16xf32>
        %swap3A_569 = arith.constant 2 : i32
        %swap3A_570 = arith.index_cast %swap3A_569 : i32 to index
        %swap3A_571 = arith.index_cast %scan3A_511 : i32 to index
        %swap3A_572 = arith.constant 48 : index
        %swap3A_573 = tpu.vector_load %arg6[%swap3A_570, %swap3A_571, %swap3A_572] {strides = array<i32>} : memref<4x256x64xf32, #tpu.memory_space<vmem>>, vector<1x1x16xf32>,
        %swap3A_574 = vector.shape_cast %swap3A_573 : vector<1x1x16xf32> to vector<16xf32>
        %swap3A_575 = vector.shape_cast %mul3A_568 : vector<16xf32> to vector<1x1x16xf32>
        tpu.vector_store %arg6[%swap3A_570, %swap3A_571, %swap3A_572], %swap3A_575 {strides = array<i32>} : memref<4x256x64xf32, #tpu.memory_space<vmem>>, vector<1x1x16xf32>,
        %scan3A_576 = arith.constant 5 : i32
        %scan3A_577 = arith.addi %scan3A_249, %scan3A_576 : i32
        %get3A_578 = arith.constant 2 : i32
        %get3A_579 = arith.index_cast %get3A_578 : i32 to index
        %get3A_580 = arith.index_cast %scan3A_577 : i32 to index
        %get3A_581 = arith.constant 0 : index
        %get3A_582 = tpu.vector_load %arg6[%get3A_579, %get3A_580, %get3A_581] {strides = array<i32>} : memref<4x256x64xf32, #tpu.memory_space<vmem>>, vector<1x1x16xf32>,
        %get3A_583 = vector.shape_cast %get3A_582 : vector<1x1x16xf32> to vector<16xf32>
        %mul3A_584 = arith.constant 8.000000e+00 : f32
        %mul3A_585 = vector.broadcast %mul3A_584 : f32 to vector<16xf32>
        %mul3A_586 = arith.mulf %get3A_583, %mul3A_585 : vector<16xf32>
        %swap3A_587 = arith.constant 2 : i32
        %swap3A_588 = arith.index_cast %swap3A_587 : i32 to index
        %swap3A_589 = arith.index_cast %scan3A_577 : i32 to index
        %swap3A_590 = arith.constant 0 : index
        %swap3A_591 = tpu.vector_load %arg6[%swap3A_588, %swap3A_589, %swap3A_590] {strides = array<i32>} : memref<4x256x64xf32, #tpu.memory_space<vmem>>, vector<1x1x16xf32>,
        %swap3A_592 = vector.shape_cast %swap3A_591 : vector<1x1x16xf32> to vector<16xf32>
        %swap3A_593 = vector.shape_cast %mul3A_586 : vector<16xf32> to vector<1x1x16xf32>
        tpu.vector_store %arg6[%swap3A_588, %swap3A_589, %swap3A_590], %swap3A_593 {strides = array<i32>} : memref<4x256x64xf32, #tpu.memory_space<vmem>>, vector<1x1x16xf32>,
        %get3A_594 = arith.constant 2 : i32
        %get3A_595 = arith.index_cast %get3A_594 : i32 to index
        %get3A_596 = arith.index_cast %scan3A_577 : i32 to index
        %get3A_597 = arith.constant 16 : index
        %get3A_598 = tpu.vector_load %arg6[%get3A_595, %get3A_596, %get3A_597] {strides = array<i32>} : memref<4x256x64xf32, #tpu.memory_space<vmem>>, vector<1x1x16xf32>,
        %get3A_599 = vector.shape_cast %get3A_598 : vector<1x1x16xf32> to vector<16xf32>
        %mul3A_600 = arith.constant 8.000000e+00 : f32
        %mul3A_601 = vector.broadcast %mul3A_600 : f32 to vector<16xf32>
        %mul3A_602 = arith.mulf %get3A_599, %mul3A_601 : vector<16xf32>
        %swap3A_603 = arith.constant 2 : i32
        %swap3A_604 = arith.index_cast %swap3A_603 : i32 to index
        %swap3A_605 = arith.index_cast %scan3A_577 : i32 to index
        %swap3A_606 = arith.constant 16 : index
        %swap3A_607 = tpu.vector_load %arg6[%swap3A_604, %swap3A_605, %swap3A_606] {strides = array<i32>} : memref<4x256x64xf32, #tpu.memory_space<vmem>>, vector<1x1x16xf32>,
        %swap3A_608 = vector.shape_cast %swap3A_607 : vector<1x1x16xf32> to vector<16xf32>
        %swap3A_609 = vector.shape_cast %mul3A_602 : vector<16xf32> to vector<1x1x16xf32>
        tpu.vector_store %arg6[%swap3A_604, %swap3A_605, %swap3A_606], %swap3A_609 {strides = array<i32>} : memref<4x256x64xf32, #tpu.memory_space<vmem>>, vector<1x1x16xf32>,
        %get3A_610 = arith.constant 2 : i32
        %get3A_611 = arith.index_cast %get3A_610 : i32 to index
        %get3A_612 = arith.index_cast %scan3A_577 : i32 to index
        %get3A_613 = arith.constant 32 : index
        %get3A_614 = tpu.vector_load %arg6[%get3A_611, %get3A_612, %get3A_613] {strides = array<i32>} : memref<4x256x64xf32, #tpu.memory_space<vmem>>, vector<1x1x16xf32>,
        %get3A_615 = vector.shape_cast %get3A_614 : vector<1x1x16xf32> to vector<16xf32>
        %mul3A_616 = arith.constant 8.000000e+00 : f32
        %mul3A_617 = vector.broadcast %mul3A_616 : f32 to vector<16xf32>
        %mul3A_618 = arith.mulf %get3A_615, %mul3A_617 : vector<16xf32>
        %swap3A_619 = arith.constant 2 : i32
        %swap3A_620 = arith.index_cast %swap3A_619 : i32 to index
        %swap3A_621 = arith.index_cast %scan3A_577 : i32 to index
        %swap3A_622 = arith.constant 32 : index
        %swap3A_623 = tpu.vector_load %arg6[%swap3A_620, %swap3A_621, %swap3A_622] {strides = array<i32>} : memref<4x256x64xf32, #tpu.memory_space<vmem>>, vector<1x1x16xf32>,
        %swap3A_624 = vector.shape_cast %swap3A_623 : vector<1x1x16xf32> to vector<16xf32>
        %swap3A_625 = vector.shape_cast %mul3A_618 : vector<16xf32> to vector<1x1x16xf32>
        tpu.vector_store %arg6[%swap3A_620, %swap3A_621, %swap3A_622], %swap3A_625 {strides = array<i32>} : memref<4x256x64xf32, #tpu.memory_space<vmem>>, vector<1x1x16xf32>,
        %get3A_626 = arith.constant 2 : i32
        %get3A_627 = arith.index_cast %get3A_626 : i32 to index
        %get3A_628 = arith.index_cast %scan3A_577 : i32 to index
        %get3A_629 = arith.constant 48 : index
        %get3A_630 = tpu.vector_load %arg6[%get3A_627, %get3A_628, %get3A_629] {strides = array<i32>} : memref<4x256x64xf32, #tpu.memory_space<vmem>>, vector<1x1x16xf32>,
        %get3A_631 = vector.shape_cast %get3A_630 : vector<1x1x16xf32> to vector<16xf32>
        %mul3A_632 = arith.constant 8.000000e+00 : f32
        %mul3A_633 = vector.broadcast %mul3A_632 : f32 to vector<16xf32>
        %mul3A_634 = arith.mulf %get3A_631, %mul3A_633 : vector<16xf32>
        %swap3A_635 = arith.constant 2 : i32
        %swap3A_636 = arith.index_cast %swap3A_635 : i32 to index
        %swap3A_637 = arith.index_cast %scan3A_577 : i32 to index
        %swap3A_638 = arith.constant 48 : index
        %swap3A_639 = tpu.vector_load %arg6[%swap3A_636, %swap3A_637, %swap3A_638] {strides = array<i32>} : memref<4x256x64xf32, #tpu.memory_space<vmem>>, vector<1x1x16xf32>,
        %swap3A_640 = vector.shape_cast %swap3A_639 : vector<1x1x16xf32> to vector<16xf32>
        %swap3A_641 = vector.shape_cast %mul3A_634 : vector<16xf32> to vector<1x1x16xf32>
        tpu.vector_store %arg6[%swap3A_636, %swap3A_637, %swap3A_638], %swap3A_641 {strides = array<i32>} : memref<4x256x64xf32, #tpu.memory_space<vmem>>, vector<1x1x16xf32>,
        %scan3A_642 = arith.constant 6 : i32
        %scan3A_643 = arith.addi %scan3A_249, %scan3A_642 : i32
        %get3A_644 = arith.constant 2 : i32
        %get3A_645 = arith.index_cast %get3A_644 : i32 to index
        %get3A_646 = arith.index_cast %scan3A_643 : i32 to index
        %get3A_647 = arith.constant 0 : index
        %get3A_648 = tpu.vector_load %arg6[%get3A_645, %get3A_646, %get3A_647] {strides = array<i32>} : memref<4x256x64xf32, #tpu.memory_space<vmem>>, vector<1x1x16xf32>,
        %get3A_649 = vector.shape_cast %get3A_648 : vector<1x1x16xf32> to vector<16xf32>
        %mul3A_650 = arith.constant 8.000000e+00 : f32
        %mul3A_651 = vector.broadcast %mul3A_650 : f32 to vector<16xf32>
        %mul3A_652 = arith.mulf %get3A_649, %mul3A_651 : vector<16xf32>
        %swap3A_653 = arith.constant 2 : i32
        %swap3A_654 = arith.index_cast %swap3A_653 : i32 to index
        %swap3A_655 = arith.index_cast %scan3A_643 : i32 to index
        %swap3A_656 = arith.constant 0 : index
        %swap3A_657 = tpu.vector_load %arg6[%swap3A_654, %swap3A_655, %swap3A_656] {strides = array<i32>} : memref<4x256x64xf32, #tpu.memory_space<vmem>>, vector<1x1x16xf32>,
        %swap3A_658 = vector.shape_cast %swap3A_657 : vector<1x1x16xf32> to vector<16xf32>
        %swap3A_659 = vector.shape_cast %mul3A_652 : vector<16xf32> to vector<1x1x16xf32>
        tpu.vector_store %arg6[%swap3A_654, %swap3A_655, %swap3A_656], %swap3A_659 {strides = array<i32>} : memref<4x256x64xf32, #tpu.memory_space<vmem>>, vector<1x1x16xf32>,
        %get3A_660 = arith.constant 2 : i32
        %get3A_661 = arith.index_cast %get3A_660 : i32 to index
        %get3A_662 = arith.index_cast %scan3A_643 : i32 to index
        %get3A_663 = arith.constant 16 : index
        %get3A_664 = tpu.vector_load %arg6[%get3A_661, %get3A_662, %get3A_663] {strides = array<i32>} : memref<4x256x64xf32, #tpu.memory_space<vmem>>, vector<1x1x16xf32>,
        %get3A_665 = vector.shape_cast %get3A_664 : vector<1x1x16xf32> to vector<16xf32>
        %mul3A_666 = arith.constant 8.000000e+00 : f32
        %mul3A_667 = vector.broadcast %mul3A_666 : f32 to vector<16xf32>
        %mul3A_668 = arith.mulf %get3A_665, %mul3A_667 : vector<16xf32>
        %swap3A_669 = arith.constant 2 : i32
        %swap3A_670 = arith.index_cast %swap3A_669 : i32 to index
        %swap3A_671 = arith.index_cast %scan3A_643 : i32 to index
        %swap3A_672 = arith.constant 16 : index
        %swap3A_673 = tpu.vector_load %arg6[%swap3A_670, %swap3A_671, %swap3A_672] {strides = array<i32>} : memref<4x256x64xf32, #tpu.memory_space<vmem>>, vector<1x1x16xf32>,
        %swap3A_674 = vector.shape_cast %swap3A_673 : vector<1x1x16xf32> to vector<16xf32>
        %swap3A_675 = vector.shape_cast %mul3A_668 : vector<16xf32> to vector<1x1x16xf32>
        tpu.vector_store %arg6[%swap3A_670, %swap3A_671, %swap3A_672], %swap3A_675 {strides = array<i32>} : memref<4x256x64xf32, #tpu.memory_space<vmem>>, vector<1x1x16xf32>,
        %get3A_676 = arith.constant 2 : i32
        %get3A_677 = arith.index_cast %get3A_676 : i32 to index
        %get3A_678 = arith.index_cast %scan3A_643 : i32 to index
        %get3A_679 = arith.constant 32 : index
        %get3A_680 = tpu.vector_load %arg6[%get3A_677, %get3A_678, %get3A_679] {strides = array<i32>} : memref<4x256x64xf32, #tpu.memory_space<vmem>>, vector<1x1x16xf32>,
        %get3A_681 = vector.shape_cast %get3A_680 : vector<1x1x16xf32> to vector<16xf32>
        %mul3A_682 = arith.constant 8.000000e+00 : f32
        %mul3A_683 = vector.broadcast %mul3A_682 : f32 to vector<16xf32>
        %mul3A_684 = arith.mulf %get3A_681, %mul3A_683 : vector<16xf32>
        %swap3A_685 = arith.constant 2 : i32
        %swap3A_686 = arith.index_cast %swap3A_685 : i32 to index
        %swap3A_687 = arith.index_cast %scan3A_643 : i32 to index
        %swap3A_688 = arith.constant 32 : index
        %swap3A_689 = tpu.vector_load %arg6[%swap3A_686, %swap3A_687, %swap3A_688] {strides = array<i32>} : memref<4x256x64xf32, #tpu.memory_space<vmem>>, vector<1x1x16xf32>,
        %swap3A_690 = vector.shape_cast %swap3A_689 : vector<1x1x16xf32> to vector<16xf32>
        %swap3A_691 = vector.shape_cast %mul3A_684 : vector<16xf32> to vector<1x1x16xf32>
        tpu.vector_store %arg6[%swap3A_686, %swap3A_687, %swap3A_688], %swap3A_691 {strides = array<i32>} : memref<4x256x64xf32, #tpu.memory_space<vmem>>, vector<1x1x16xf32>,
        %get3A_692 = arith.constant 2 : i32
        %get3A_693 = arith.index_cast %get3A_692 : i32 to index
        %get3A_694 = arith.index_cast %scan3A_643 : i32 to index
        %get3A_695 = arith.constant 48 : index
        %get3A_696 = tpu.vector_load %arg6[%get3A_693, %get3A_694, %get3A_695] {strides = array<i32>} : memref<4x256x64xf32, #tpu.memory_space<vmem>>, vector<1x1x16xf32>,
        %get3A_697 = vector.shape_cast %get3A_696 : vector<1x1x16xf32> to vector<16xf32>
        %mul3A_698 = arith.constant 8.000000e+00 : f32
        %mul3A_699 = vector.broadcast %mul3A_698 : f32 to vector<16xf32>
        %mul3A_700 = arith.mulf %get3A_697, %mul3A_699 : vector<16xf32>
        %swap3A_701 = arith.constant 2 : i32
        %swap3A_702 = arith.index_cast %swap3A_701 : i32 to index
        %swap3A_703 = arith.index_cast %scan3A_643 : i32 to index
        %swap3A_704 = arith.constant 48 : index
        %swap3A_705 = tpu.vector_load %arg6[%swap3A_702, %swap3A_703, %swap3A_704] {strides = array<i32>} : memref<4x256x64xf32, #tpu.memory_space<vmem>>, vector<1x1x16xf32>,
        %swap3A_706 = vector.shape_cast %swap3A_705 : vector<1x1x16xf32> to vector<16xf32>
        %swap3A_707 = vector.shape_cast %mul3A_700 : vector<16xf32> to vector<1x1x16xf32>
        tpu.vector_store %arg6[%swap3A_702, %swap3A_703, %swap3A_704], %swap3A_707 {strides = array<i32>} : memref<4x256x64xf32, #tpu.memory_space<vmem>>, vector<1x1x16xf32>,
        %scan3A_708 = arith.constant 7 : i32
        %scan3A_709 = arith.addi %scan3A_249, %scan3A_708 : i32
        %get3A_710 = arith.constant 2 : i32
        %get3A_711 = arith.index_cast %get3A_710 : i32 to index
        %get3A_712 = arith.index_cast %scan3A_709 : i32 to index
        %get3A_713 = arith.constant 0 : index
        %get3A_714 = tpu.vector_load %arg6[%get3A_711, %get3A_712, %get3A_713] {strides = array<i32>} : memref<4x256x64xf32, #tpu.memory_space<vmem>>, vector<1x1x16xf32>,
        %get3A_715 = vector.shape_cast %get3A_714 : vector<1x1x16xf32> to vector<16xf32>
        %mul3A_716 = arith.constant 8.000000e+00 : f32
        %mul3A_717 = vector.broadcast %mul3A_716 : f32 to vector<16xf32>
        %mul3A_718 = arith.mulf %get3A_715, %mul3A_717 : vector<16xf32>
        %swap3A_719 = arith.constant 2 : i32
        %swap3A_720 = arith.index_cast %swap3A_719 : i32 to index
        %swap3A_721 = arith.index_cast %scan3A_709 : i32 to index
        %swap3A_722 = arith.constant 0 : index
        %swap3A_723 = tpu.vector_load %arg6[%swap3A_720, %swap3A_721, %swap3A_722] {strides = array<i32>} : memref<4x256x64xf32, #tpu.memory_space<vmem>>, vector<1x1x16xf32>,
        %swap3A_724 = vector.shape_cast %swap3A_723 : vector<1x1x16xf32> to vector<16xf32>
        %swap3A_725 = vector.shape_cast %mul3A_718 : vector<16xf32> to vector<1x1x16xf32>
        tpu.vector_store %arg6[%swap3A_720, %swap3A_721, %swap3A_722], %swap3A_725 {strides = array<i32>} : memref<4x256x64xf32, #tpu.memory_space<vmem>>, vector<1x1x16xf32>,
        %get3A_726 = arith.constant 2 : i32
        %get3A_727 = arith.index_cast %get3A_726 : i32 to index
        %get3A_728 = arith.index_cast %scan3A_709 : i32 to index
        %get3A_729 = arith.constant 16 : index
        %get3A_730 = tpu.vector_load %arg6[%get3A_727, %get3A_728, %get3A_729] {strides = array<i32>} : memref<4x256x64xf32, #tpu.memory_space<vmem>>, vector<1x1x16xf32>,
        %get3A_731 = vector.shape_cast %get3A_730 : vector<1x1x16xf32> to vector<16xf32>
        %mul3A_732 = arith.constant 8.000000e+00 : f32
        %mul3A_733 = vector.broadcast %mul3A_732 : f32 to vector<16xf32>
        %mul3A_734 = arith.mulf %get3A_731, %mul3A_733 : vector<16xf32>
        %swap3A_735 = arith.constant 2 : i32
        %swap3A_736 = arith.index_cast %swap3A_735 : i32 to index
        %swap3A_737 = arith.index_cast %scan3A_709 : i32 to index
        %swap3A_738 = arith.constant 16 : index
        %swap3A_739 = tpu.vector_load %arg6[%swap3A_736, %swap3A_737, %swap3A_738] {strides = array<i32>} : memref<4x256x64xf32, #tpu.memory_space<vmem>>, vector<1x1x16xf32>,
        %swap3A_740 = vector.shape_cast %swap3A_739 : vector<1x1x16xf32> to vector<16xf32>
        %swap3A_741 = vector.shape_cast %mul3A_734 : vector<16xf32> to vector<1x1x16xf32>
        tpu.vector_store %arg6[%swap3A_736, %swap3A_737, %swap3A_738], %swap3A_741 {strides = array<i32>} : memref<4x256x64xf32, #tpu.memory_space<vmem>>, vector<1x1x16xf32>,
        %get3A_742 = arith.constant 2 : i32
        %get3A_743 = arith.index_cast %get3A_742 : i32 to index
        %get3A_744 = arith.index_cast %scan3A_709 : i32 to index
        %get3A_745 = arith.constant 32 : index
        %get3A_746 = tpu.vector_load %arg6[%get3A_743, %get3A_744, %get3A_745] {strides = array<i32>} : memref<4x256x64xf32, #tpu.memory_space<vmem>>, vector<1x1x16xf32>,
        %get3A_747 = vector.shape_cast %get3A_746 : vector<1x1x16xf32> to vector<16xf32>
        %mul3A_748 = arith.constant 8.000000e+00 : f32
        %mul3A_749 = vector.broadcast %mul3A_748 : f32 to vector<16xf32>
        %mul3A_750 = arith.mulf %get3A_747, %mul3A_749 : vector<16xf32>
        %swap3A_751 = arith.constant 2 : i32
        %swap3A_752 = arith.index_cast %swap3A_751 : i32 to index
        %swap3A_753 = arith.index_cast %scan3A_709 : i32 to index
        %swap3A_754 = arith.constant 32 : index
        %swap3A_755 = tpu.vector_load %arg6[%swap3A_752, %swap3A_753, %swap3A_754] {strides = array<i32>} : memref<4x256x64xf32, #tpu.memory_space<vmem>>, vector<1x1x16xf32>,
        %swap3A_756 = vector.shape_cast %swap3A_755 : vector<1x1x16xf32> to vector<16xf32>
        %swap3A_757 = vector.shape_cast %mul3A_750 : vector<16xf32> to vector<1x1x16xf32>
        tpu.vector_store %arg6[%swap3A_752, %swap3A_753, %swap3A_754], %swap3A_757 {strides = array<i32>} : memref<4x256x64xf32, #tpu.memory_space<vmem>>, vector<1x1x16xf32>,
        %get3A_758 = arith.constant 2 : i32
        %get3A_759 = arith.index_cast %get3A_758 : i32 to index
        %get3A_760 = arith.index_cast %scan3A_709 : i32 to index
        %get3A_761 = arith.constant 48 : index
        %get3A_762 = tpu.vector_load %arg6[%get3A_759, %get3A_760, %get3A_761] {strides = array<i32>} : memref<4x256x64xf32, #tpu.memory_space<vmem>>, vector<1x1x16xf32>,
        %get3A_763 = vector.shape_cast %get3A_762 : vector<1x1x16xf32> to vector<16xf32>
        %mul3A_764 = arith.constant 8.000000e+00 : f32
        %mul3A_765 = vector.broadcast %mul3A_764 : f32 to vector<16xf32>
        %mul3A_766 = arith.mulf %get3A_763, %mul3A_765 : vector<16xf32>
        %swap3A_767 = arith.constant 2 : i32
        %swap3A_768 = arith.index_cast %swap3A_767 : i32 to index
        %swap3A_769 = arith.index_cast %scan3A_709 : i32 to index
        %swap3A_770 = arith.constant 48 : index
        %swap3A_771 = tpu.vector_load %arg6[%swap3A_768, %swap3A_769, %swap3A_770] {strides = array<i32>} : memref<4x256x64xf32, #tpu.memory_space<vmem>>, vector<1x1x16xf32>,
        %swap3A_772 = vector.shape_cast %swap3A_771 : vector<1x1x16xf32> to vector<16xf32>
        %swap3A_773 = vector.shape_cast %mul3A_766 : vector<16xf32> to vector<1x1x16xf32>
        tpu.vector_store %arg6[%swap3A_768, %swap3A_769, %swap3A_770], %swap3A_773 {strides = array<i32>} : memref<4x256x64xf32, #tpu.memory_space<vmem>>, vector<1x1x16xf32>,
      }
      %scan3A_183 = arith.constant 256 : i32
      %mul3A_184 = arith.constant 256 : i32
      %mul3A_185 = arith.muli %add3A_154, %mul3A_184 : i32
      %add3A_186 = arith.addi %mul3A_2, %mul3A_185 : i32
      %dma_start3A_187 = arith.constant 2 : i32
      %dma_start3A_188 = arith.constant 0 : i32
      %dma_start3A_189 = arith.constant 0 : i32
      %dma_start3A_190 = tpu.memref_slice %arg6[%dma_start3A_187, %dma_start3A_188, %dma_start3A_189] : memref<4x256x64xf32, #tpu.memory_space<vmem>> -> memref<1x256x64xf32, #tpu.memory_space<vmem>>
      %dma_start3A_191 = tpu.memref_squeeze %dma_start3A_190 : memref<1x256x64xf32, #tpu.memory_space<vmem>> -> memref<256x64xf32, #tpu.memory_space<vmem>>
      %dma_start3A_192 = arith.constant 0 : i32
      %dma_start3A_193 = tpu.memref_slice %arg4[%add3A_186, %dma_start3A_192] : memref<819200x64xf32, #tpu.memory_space<hbm>> -> memref<256x64xf32, #tpu.memory_space<hbm>>
      %dma_start3A_194 = arith.constant 0 : i32
      %dma_start3A_195 = tpu.memref_slice %arg4[%add3A_186, %dma_start3A_194] : memref<819200x64xf32, #tpu.memory_space<hbm>> -> memref<256x64xf32, #tpu.memory_space<hbm>>
      %dma_start3A_196 = arith.constant 0 : i32
      %dma_start3A_197 = arith.constant 0 : i32
      %dma_start3A_198 = tpu.memref_slice %arg6[%dma_start3A_187, %dma_start3A_196, %dma_start3A_197] : memref<4x256x64xf32, #tpu.memory_space<vmem>> -> memref<1x256x64xf32, #tpu.memory_space<vmem>>
      %dma_start3A_199 = tpu.memref_squeeze %dma_start3A_198 : memref<1x256x64xf32, #tpu.memory_space<vmem>> -> memref<256x64xf32, #tpu.memory_space<vmem>>
      tpu.enqueue_dma source(%dma_start3A_199 : memref<256x64xf32, #tpu.memory_space<vmem>>) target(%dma_start3A_195 : memref<256x64xf32, #tpu.memory_space<hbm>>) target_semaphore(%arg13 : memref<!tpu.dma_semaphore, #tpu.memory_space<semaphore_mem>>)
      %mul3A_200 = arith.constant 4 : i32
      %mul3A_201 = arith.muli %scan3A_56, %mul3A_200 : i32
      %add3A_202 = arith.constant 3 : i32
      %add3A_203 = arith.addi %mul3A_201, %add3A_202 : i32
      %ge3A_204 = arith.constant 2 : i32
      %ge3A_205 = arith.cmpi sge, %add3A_203, %ge3A_204 : i32
      %convert_element_type3A_206 = arith.extui %ge3A_205 : i1 to i32
      %cond3A_207 = arith.constant 0 : i32
      %cond3A_208 = arith.cmpi ne, %convert_element_type3A_206, %cond3A_207 : i32
      scf.if %cond3A_208 {
        %sub3A = arith.constant 2 : i32
        %sub3A_249 = arith.subi %add3A_203, %sub3A : i32
        %mul3A_250 = arith.constant 256 : i32
        %mul3A_251 = arith.muli %sub3A_249, %mul3A_250 : i32
        %add3A_252 = arith.addi %mul3A_2, %mul3A_251 : i32
        %dma_wait3A_253 = arith.constant 1 : i32
        %dma_wait3A_254 = arith.constant 0 : i32
        %dma_wait3A_255 = arith.constant 0 : i32
        %dma_wait3A_256 = tpu.memref_slice %arg6[%dma_wait3A_253, %dma_wait3A_254, %dma_wait3A_255] : memref<4x256x64xf32, #tpu.memory_space<vmem>> -> memref<1x256x64xf32, #tpu.memory_space<vmem>>
        %dma_wait3A_257 = tpu.memref_squeeze %dma_wait3A_256 : memref<1x256x64xf32, #tpu.memory_space<vmem>> -> memref<256x64xf32, #tpu.memory_space<vmem>>
        %dma_wait3A_258 = arith.constant 0 : i32
        %dma_wait3A_259 = tpu.memref_slice %arg4[%add3A_252, %dma_wait3A_258] : memref<819200x64xf32, #tpu.memory_space<hbm>> -> memref<256x64xf32, #tpu.memory_space<hbm>>
        %dma_wait3A_260 = arith.constant 0 : i32
        %dma_wait3A_261 = tpu.memref_slice %arg4[%add3A_252, %dma_wait3A_260] : memref<819200x64xf32, #tpu.memory_space<hbm>> -> memref<256x64xf32, #tpu.memory_space<hbm>>
        %dma_wait3A_262 = arith.constant 0 : i32
        %dma_wait3A_263 = arith.constant 0 : i32
        %dma_wait3A_264 = tpu.memref_slice %arg6[%dma_wait3A_253, %dma_wait3A_262, %dma_wait3A_263] : memref<4x256x64xf32, #tpu.memory_space<vmem>> -> memref<1x256x64xf32, #tpu.memory_space<vmem>>
        %dma_wait3A_265 = tpu.memref_squeeze %dma_wait3A_264 : memref<1x256x64xf32, #tpu.memory_space<vmem>> -> memref<256x64xf32, #tpu.memory_space<vmem>>
        tpu.wait_dma2 semaphore(%arg12 : memref<!tpu.dma_semaphore, #tpu.memory_space<semaphore_mem>>) src(%dma_wait3A_265 : memref<256x64xf32, #tpu.memory_space<vmem>>) dst(%dma_wait3A_261 : memref<256x64xf32, #tpu.memory_space<hbm>>)
      } else {
      }
      %add3A_209 = arith.constant 2 : i32
      %add3A_210 = arith.addi %add3A_203, %add3A_209 : i32
      %lt3A_211 = arith.constant 100 : i32
      %lt3A_212 = arith.cmpi slt, %add3A_210, %lt3A_211 : i32
      %convert_element_type3A_213 = arith.extui %lt3A_212 : i1 to i32
      %cond3A_214 = arith.constant 0 : i32
      %cond3A_215 = arith.cmpi ne, %convert_element_type3A_213, %cond3A_214 : i32
      scf.if %cond3A_215 {
        %add3A_249 = arith.constant 2 : i32
        %add3A_250 = arith.addi %add3A_203, %add3A_249 : i32
        %mul3A_251 = arith.constant 256 : i32
        %mul3A_252 = arith.muli %add3A_250, %mul3A_251 : i32
        %dma_start3A_253 = arith.constant 1 : i32
        %dma_start3A_254 = arith.constant 0 : i32
        %dma_start3A_255 = arith.constant 0 : i32
        %dma_start3A_256 = tpu.memref_slice %arg6[%dma_start3A_253, %dma_start3A_254, %dma_start3A_255] : memref<4x256x64xf32, #tpu.memory_space<vmem>> -> memref<1x256x64xf32, #tpu.memory_space<vmem>>
        %dma_start3A_257 = tpu.memref_squeeze %dma_start3A_256 : memref<1x256x64xf32, #tpu.memory_space<vmem>> -> memref<256x64xf32, #tpu.memory_space<vmem>>
        %dma_start3A_258 = tpu.memref_slice %arg5[%mul3A_252] : memref<25600xi32, #tpu.memory_space<vmem>> -> memref<256xi32, #tpu.memory_space<vmem>>
        %dma_start3A_259 = arith.constant 0 : i32
        %dma_start3A_260 = arith.constant 0 : i32
        %dma_start3A_261 = tpu.memref_slice %arg2[%dma_start3A_259, %dma_start3A_260] : memref<1000000x64xf32, #tpu.memory_space<hbm>> -> memref<1000000x64xf32, #tpu.memory_space<hbm>>
        tpu.enqueue_indirect_dma source(%dma_start3A_261 : memref<1000000x64xf32, #tpu.memory_space<hbm>>) target(%dma_start3A_257 : memref<256x64xf32, #tpu.memory_space<vmem>>) offsets(%dma_start3A_258 : memref<256xi32, #tpu.memory_space<vmem>>) semaphore(%arg8 : memref<!tpu.dma_semaphore, #tpu.memory_space<semaphore_mem>>)
      } else {
      }
      %mul3A_216 = arith.constant 256 : i32
      %mul3A_217 = arith.muli %add3A_203, %mul3A_216 : i32
      %dma_wait3A_218 = arith.constant 3 : i32
      %dma_wait3A_219 = arith.constant 0 : i32
      %dma_wait3A_220 = arith.constant 0 : i32
      %dma_wait3A_221 = tpu.memref_slice %arg6[%dma_wait3A_218, %dma_wait3A_219, %dma_wait3A_220] : memref<4x256x64xf32, #tpu.memory_space<vmem>> -> memref<1x256x64xf32, #tpu.memory_space<vmem>>
      %dma_wait3A_222 = tpu.memref_squeeze %dma_wait3A_221 : memref<1x256x64xf32, #tpu.memory_space<vmem>> -> memref<256x64xf32, #tpu.memory_space<vmem>>
      %dma_wait3A_223 = tpu.memref_slice %arg5[%mul3A_217] : memref<25600xi32, #tpu.memory_space<vmem>> -> memref<256xi32, #tpu.memory_space<vmem>>
      %dma_wait3A_224 = arith.constant 0 : i32
      %dma_wait3A_225 = arith.constant 0 : i32
      %dma_wait3A_226 = tpu.memref_slice %arg2[%dma_wait3A_224, %dma_wait3A_225] : memref<1000000x64xf32, #tpu.memory_space<hbm>> -> memref<1000000x64xf32, #tpu.memory_space<hbm>>
      tpu.wait_indirect_dma semaphore(%arg10 : memref<!tpu.dma_semaphore, #tpu.memory_space<semaphore_mem>>) src(%dma_wait3A_226 : memref<1000000x64xf32, #tpu.memory_space<hbm>>) dst(%dma_wait3A_222 : memref<256x64xf32, #tpu.memory_space<vmem>>)
      %scan3A_227 = arith.constant 0 : i32
      %scan3A_228 = arith.constant 0 : i32
      %scan3A_229 = arith.constant 256 : i32
      %scan3A_230 = arith.addi %scan3A_228, %scan3A_229 : i32
      %scan3A_231 = arith.constant 8 : i32
      scf.for %scan3A_249 = %scan3A_228 to %scan3A_230 step %scan3A_231  : i32 {
        %get3A = arith.constant 3 : i32
        %get3A_250 = arith.index_cast %get3A : i32 to index
        %get3A_251 = arith.index_cast %scan3A_249 : i32 to index
        %get3A_252 = arith.constant 0 : index
        %get3A_253 = tpu.vector_load %arg6[%get3A_250, %get3A_251, %get3A_252] {strides = array<i32>} : memref<4x256x64xf32, #tpu.memory_space<vmem>>, vector<1x1x16xf32>,
        %get3A_254 = vector.shape_cast %get3A_253 : vector<1x1x16xf32> to vector<16xf32>
        %mul3A_255 = arith.constant 8.000000e+00 : f32
        %mul3A_256 = vector.broadcast %mul3A_255 : f32 to vector<16xf32>
        %mul3A_257 = arith.mulf %get3A_254, %mul3A_256 : vector<16xf32>
        %swap3A = arith.constant 3 : i32
        %swap3A_258 = arith.index_cast %swap3A : i32 to index
        %swap3A_259 = arith.index_cast %scan3A_249 : i32 to index
        %swap3A_260 = arith.constant 0 : index
        %swap3A_261 = tpu.vector_load %arg6[%swap3A_258, %swap3A_259, %swap3A_260] {strides = array<i32>} : memref<4x256x64xf32, #tpu.memory_space<vmem>>, vector<1x1x16xf32>,
        %swap3A_262 = vector.shape_cast %swap3A_261 : vector<1x1x16xf32> to vector<16xf32>
        %swap3A_263 = vector.shape_cast %mul3A_257 : vector<16xf32> to vector<1x1x16xf32>
        tpu.vector_store %arg6[%swap3A_258, %swap3A_259, %swap3A_260], %swap3A_263 {strides = array<i32>} : memref<4x256x64xf32, #tpu.memory_space<vmem>>, vector<1x1x16xf32>,
        %get3A_264 = arith.constant 3 : i32
        %get3A_265 = arith.index_cast %get3A_264 : i32 to index
        %get3A_266 = arith.index_cast %scan3A_249 : i32 to index
        %get3A_267 = arith.constant 16 : index
        %get3A_268 = tpu.vector_load %arg6[%get3A_265, %get3A_266, %get3A_267] {strides = array<i32>} : memref<4x256x64xf32, #tpu.memory_space<vmem>>, vector<1x1x16xf32>,
        %get3A_269 = vector.shape_cast %get3A_268 : vector<1x1x16xf32> to vector<16xf32>
        %mul3A_270 = arith.constant 8.000000e+00 : f32
        %mul3A_271 = vector.broadcast %mul3A_270 : f32 to vector<16xf32>
        %mul3A_272 = arith.mulf %get3A_269, %mul3A_271 : vector<16xf32>
        %swap3A_273 = arith.constant 3 : i32
        %swap3A_274 = arith.index_cast %swap3A_273 : i32 to index
        %swap3A_275 = arith.index_cast %scan3A_249 : i32 to index
        %swap3A_276 = arith.constant 16 : index
        %swap3A_277 = tpu.vector_load %arg6[%swap3A_274, %swap3A_275, %swap3A_276] {strides = array<i32>} : memref<4x256x64xf32, #tpu.memory_space<vmem>>, vector<1x1x16xf32>,
        %swap3A_278 = vector.shape_cast %swap3A_277 : vector<1x1x16xf32> to vector<16xf32>
        %swap3A_279 = vector.shape_cast %mul3A_272 : vector<16xf32> to vector<1x1x16xf32>
        tpu.vector_store %arg6[%swap3A_274, %swap3A_275, %swap3A_276], %swap3A_279 {strides = array<i32>} : memref<4x256x64xf32, #tpu.memory_space<vmem>>, vector<1x1x16xf32>,
        %get3A_280 = arith.constant 3 : i32
        %get3A_281 = arith.index_cast %get3A_280 : i32 to index
        %get3A_282 = arith.index_cast %scan3A_249 : i32 to index
        %get3A_283 = arith.constant 32 : index
        %get3A_284 = tpu.vector_load %arg6[%get3A_281, %get3A_282, %get3A_283] {strides = array<i32>} : memref<4x256x64xf32, #tpu.memory_space<vmem>>, vector<1x1x16xf32>,
        %get3A_285 = vector.shape_cast %get3A_284 : vector<1x1x16xf32> to vector<16xf32>
        %mul3A_286 = arith.constant 8.000000e+00 : f32
        %mul3A_287 = vector.broadcast %mul3A_286 : f32 to vector<16xf32>
        %mul3A_288 = arith.mulf %get3A_285, %mul3A_287 : vector<16xf32>
        %swap3A_289 = arith.constant 3 : i32
        %swap3A_290 = arith.index_cast %swap3A_289 : i32 to index
        %swap3A_291 = arith.index_cast %scan3A_249 : i32 to index
        %swap3A_292 = arith.constant 32 : index
        %swap3A_293 = tpu.vector_load %arg6[%swap3A_290, %swap3A_291, %swap3A_292] {strides = array<i32>} : memref<4x256x64xf32, #tpu.memory_space<vmem>>, vector<1x1x16xf32>,
        %swap3A_294 = vector.shape_cast %swap3A_293 : vector<1x1x16xf32> to vector<16xf32>
        %swap3A_295 = vector.shape_cast %mul3A_288 : vector<16xf32> to vector<1x1x16xf32>
        tpu.vector_store %arg6[%swap3A_290, %swap3A_291, %swap3A_292], %swap3A_295 {strides = array<i32>} : memref<4x256x64xf32, #tpu.memory_space<vmem>>, vector<1x1x16xf32>,
        %get3A_296 = arith.constant 3 : i32
        %get3A_297 = arith.index_cast %get3A_296 : i32 to index
        %get3A_298 = arith.index_cast %scan3A_249 : i32 to index
        %get3A_299 = arith.constant 48 : index
        %get3A_300 = tpu.vector_load %arg6[%get3A_297, %get3A_298, %get3A_299] {strides = array<i32>} : memref<4x256x64xf32, #tpu.memory_space<vmem>>, vector<1x1x16xf32>,
        %get3A_301 = vector.shape_cast %get3A_300 : vector<1x1x16xf32> to vector<16xf32>
        %mul3A_302 = arith.constant 8.000000e+00 : f32
        %mul3A_303 = vector.broadcast %mul3A_302 : f32 to vector<16xf32>
        %mul3A_304 = arith.mulf %get3A_301, %mul3A_303 : vector<16xf32>
        %swap3A_305 = arith.constant 3 : i32
        %swap3A_306 = arith.index_cast %swap3A_305 : i32 to index
        %swap3A_307 = arith.index_cast %scan3A_249 : i32 to index
        %swap3A_308 = arith.constant 48 : index
        %swap3A_309 = tpu.vector_load %arg6[%swap3A_306, %swap3A_307, %swap3A_308] {strides = array<i32>} : memref<4x256x64xf32, #tpu.memory_space<vmem>>, vector<1x1x16xf32>,
        %swap3A_310 = vector.shape_cast %swap3A_309 : vector<1x1x16xf32> to vector<16xf32>
        %swap3A_311 = vector.shape_cast %mul3A_304 : vector<16xf32> to vector<1x1x16xf32>
        tpu.vector_store %arg6[%swap3A_306, %swap3A_307, %swap3A_308], %swap3A_311 {strides = array<i32>} : memref<4x256x64xf32, #tpu.memory_space<vmem>>, vector<1x1x16xf32>,
        %scan3A_312 = arith.constant 1 : i32
        %scan3A_313 = arith.addi %scan3A_249, %scan3A_312 : i32
        %get3A_314 = arith.constant 3 : i32
        %get3A_315 = arith.index_cast %get3A_314 : i32 to index
        %get3A_316 = arith.index_cast %scan3A_313 : i32 to index
        %get3A_317 = arith.constant 0 : index
        %get3A_318 = tpu.vector_load %arg6[%get3A_315, %get3A_316, %get3A_317] {strides = array<i32>} : memref<4x256x64xf32, #tpu.memory_space<vmem>>, vector<1x1x16xf32>,
        %get3A_319 = vector.shape_cast %get3A_318 : vector<1x1x16xf32> to vector<16xf32>
        %mul3A_320 = arith.constant 8.000000e+00 : f32
        %mul3A_321 = vector.broadcast %mul3A_320 : f32 to vector<16xf32>
        %mul3A_322 = arith.mulf %get3A_319, %mul3A_321 : vector<16xf32>
        %swap3A_323 = arith.constant 3 : i32
        %swap3A_324 = arith.index_cast %swap3A_323 : i32 to index
        %swap3A_325 = arith.index_cast %scan3A_313 : i32 to index
        %swap3A_326 = arith.constant 0 : index
        %swap3A_327 = tpu.vector_load %arg6[%swap3A_324, %swap3A_325, %swap3A_326] {strides = array<i32>} : memref<4x256x64xf32, #tpu.memory_space<vmem>>, vector<1x1x16xf32>,
        %swap3A_328 = vector.shape_cast %swap3A_327 : vector<1x1x16xf32> to vector<16xf32>
        %swap3A_329 = vector.shape_cast %mul3A_322 : vector<16xf32> to vector<1x1x16xf32>
        tpu.vector_store %arg6[%swap3A_324, %swap3A_325, %swap3A_326], %swap3A_329 {strides = array<i32>} : memref<4x256x64xf32, #tpu.memory_space<vmem>>, vector<1x1x16xf32>,
        %get3A_330 = arith.constant 3 : i32
        %get3A_331 = arith.index_cast %get3A_330 : i32 to index
        %get3A_332 = arith.index_cast %scan3A_313 : i32 to index
        %get3A_333 = arith.constant 16 : index
        %get3A_334 = tpu.vector_load %arg6[%get3A_331, %get3A_332, %get3A_333] {strides = array<i32>} : memref<4x256x64xf32, #tpu.memory_space<vmem>>, vector<1x1x16xf32>,
        %get3A_335 = vector.shape_cast %get3A_334 : vector<1x1x16xf32> to vector<16xf32>
        %mul3A_336 = arith.constant 8.000000e+00 : f32
        %mul3A_337 = vector.broadcast %mul3A_336 : f32 to vector<16xf32>
        %mul3A_338 = arith.mulf %get3A_335, %mul3A_337 : vector<16xf32>
        %swap3A_339 = arith.constant 3 : i32
        %swap3A_340 = arith.index_cast %swap3A_339 : i32 to index
        %swap3A_341 = arith.index_cast %scan3A_313 : i32 to index
        %swap3A_342 = arith.constant 16 : index
        %swap3A_343 = tpu.vector_load %arg6[%swap3A_340, %swap3A_341, %swap3A_342] {strides = array<i32>} : memref<4x256x64xf32, #tpu.memory_space<vmem>>, vector<1x1x16xf32>,
        %swap3A_344 = vector.shape_cast %swap3A_343 : vector<1x1x16xf32> to vector<16xf32>
        %swap3A_345 = vector.shape_cast %mul3A_338 : vector<16xf32> to vector<1x1x16xf32>
        tpu.vector_store %arg6[%swap3A_340, %swap3A_341, %swap3A_342], %swap3A_345 {strides = array<i32>} : memref<4x256x64xf32, #tpu.memory_space<vmem>>, vector<1x1x16xf32>,
        %get3A_346 = arith.constant 3 : i32
        %get3A_347 = arith.index_cast %get3A_346 : i32 to index
        %get3A_348 = arith.index_cast %scan3A_313 : i32 to index
        %get3A_349 = arith.constant 32 : index
        %get3A_350 = tpu.vector_load %arg6[%get3A_347, %get3A_348, %get3A_349] {strides = array<i32>} : memref<4x256x64xf32, #tpu.memory_space<vmem>>, vector<1x1x16xf32>,
        %get3A_351 = vector.shape_cast %get3A_350 : vector<1x1x16xf32> to vector<16xf32>
        %mul3A_352 = arith.constant 8.000000e+00 : f32
        %mul3A_353 = vector.broadcast %mul3A_352 : f32 to vector<16xf32>
        %mul3A_354 = arith.mulf %get3A_351, %mul3A_353 : vector<16xf32>
        %swap3A_355 = arith.constant 3 : i32
        %swap3A_356 = arith.index_cast %swap3A_355 : i32 to index
        %swap3A_357 = arith.index_cast %scan3A_313 : i32 to index
        %swap3A_358 = arith.constant 32 : index
        %swap3A_359 = tpu.vector_load %arg6[%swap3A_356, %swap3A_357, %swap3A_358] {strides = array<i32>} : memref<4x256x64xf32, #tpu.memory_space<vmem>>, vector<1x1x16xf32>,
        %swap3A_360 = vector.shape_cast %swap3A_359 : vector<1x1x16xf32> to vector<16xf32>
        %swap3A_361 = vector.shape_cast %mul3A_354 : vector<16xf32> to vector<1x1x16xf32>
        tpu.vector_store %arg6[%swap3A_356, %swap3A_357, %swap3A_358], %swap3A_361 {strides = array<i32>} : memref<4x256x64xf32, #tpu.memory_space<vmem>>, vector<1x1x16xf32>,
        %get3A_362 = arith.constant 3 : i32
        %get3A_363 = arith.index_cast %get3A_362 : i32 to index
        %get3A_364 = arith.index_cast %scan3A_313 : i32 to index
        %get3A_365 = arith.constant 48 : index
        %get3A_366 = tpu.vector_load %arg6[%get3A_363, %get3A_364, %get3A_365] {strides = array<i32>} : memref<4x256x64xf32, #tpu.memory_space<vmem>>, vector<1x1x16xf32>,
        %get3A_367 = vector.shape_cast %get3A_366 : vector<1x1x16xf32> to vector<16xf32>
        %mul3A_368 = arith.constant 8.000000e+00 : f32
        %mul3A_369 = vector.broadcast %mul3A_368 : f32 to vector<16xf32>
        %mul3A_370 = arith.mulf %get3A_367, %mul3A_369 : vector<16xf32>
        %swap3A_371 = arith.constant 3 : i32
        %swap3A_372 = arith.index_cast %swap3A_371 : i32 to index
        %swap3A_373 = arith.index_cast %scan3A_313 : i32 to index
        %swap3A_374 = arith.constant 48 : index
        %swap3A_375 = tpu.vector_load %arg6[%swap3A_372, %swap3A_373, %swap3A_374] {strides = array<i32>} : memref<4x256x64xf32, #tpu.memory_space<vmem>>, vector<1x1x16xf32>,
        %swap3A_376 = vector.shape_cast %swap3A_375 : vector<1x1x16xf32> to vector<16xf32>
        %swap3A_377 = vector.shape_cast %mul3A_370 : vector<16xf32> to vector<1x1x16xf32>
        tpu.vector_store %arg6[%swap3A_372, %swap3A_373, %swap3A_374], %swap3A_377 {strides = array<i32>} : memref<4x256x64xf32, #tpu.memory_space<vmem>>, vector<1x1x16xf32>,
        %scan3A_378 = arith.constant 2 : i32
        %scan3A_379 = arith.addi %scan3A_249, %scan3A_378 : i32
        %get3A_380 = arith.constant 3 : i32
        %get3A_381 = arith.index_cast %get3A_380 : i32 to index
        %get3A_382 = arith.index_cast %scan3A_379 : i32 to index
        %get3A_383 = arith.constant 0 : index
        %get3A_384 = tpu.vector_load %arg6[%get3A_381, %get3A_382, %get3A_383] {strides = array<i32>} : memref<4x256x64xf32, #tpu.memory_space<vmem>>, vector<1x1x16xf32>,
        %get3A_385 = vector.shape_cast %get3A_384 : vector<1x1x16xf32> to vector<16xf32>
        %mul3A_386 = arith.constant 8.000000e+00 : f32
        %mul3A_387 = vector.broadcast %mul3A_386 : f32 to vector<16xf32>
        %mul3A_388 = arith.mulf %get3A_385, %mul3A_387 : vector<16xf32>
        %swap3A_389 = arith.constant 3 : i32
        %swap3A_390 = arith.index_cast %swap3A_389 : i32 to index
        %swap3A_391 = arith.index_cast %scan3A_379 : i32 to index
        %swap3A_392 = arith.constant 0 : index
        %swap3A_393 = tpu.vector_load %arg6[%swap3A_390, %swap3A_391, %swap3A_392] {strides = array<i32>} : memref<4x256x64xf32, #tpu.memory_space<vmem>>, vector<1x1x16xf32>,
        %swap3A_394 = vector.shape_cast %swap3A_393 : vector<1x1x16xf32> to vector<16xf32>
        %swap3A_395 = vector.shape_cast %mul3A_388 : vector<16xf32> to vector<1x1x16xf32>
        tpu.vector_store %arg6[%swap3A_390, %swap3A_391, %swap3A_392], %swap3A_395 {strides = array<i32>} : memref<4x256x64xf32, #tpu.memory_space<vmem>>, vector<1x1x16xf32>,
        %get3A_396 = arith.constant 3 : i32
        %get3A_397 = arith.index_cast %get3A_396 : i32 to index
        %get3A_398 = arith.index_cast %scan3A_379 : i32 to index
        %get3A_399 = arith.constant 16 : index
        %get3A_400 = tpu.vector_load %arg6[%get3A_397, %get3A_398, %get3A_399] {strides = array<i32>} : memref<4x256x64xf32, #tpu.memory_space<vmem>>, vector<1x1x16xf32>,
        %get3A_401 = vector.shape_cast %get3A_400 : vector<1x1x16xf32> to vector<16xf32>
        %mul3A_402 = arith.constant 8.000000e+00 : f32
        %mul3A_403 = vector.broadcast %mul3A_402 : f32 to vector<16xf32>
        %mul3A_404 = arith.mulf %get3A_401, %mul3A_403 : vector<16xf32>
        %swap3A_405 = arith.constant 3 : i32
        %swap3A_406 = arith.index_cast %swap3A_405 : i32 to index
        %swap3A_407 = arith.index_cast %scan3A_379 : i32 to index
        %swap3A_408 = arith.constant 16 : index
        %swap3A_409 = tpu.vector_load %arg6[%swap3A_406, %swap3A_407, %swap3A_408] {strides = array<i32>} : memref<4x256x64xf32, #tpu.memory_space<vmem>>, vector<1x1x16xf32>,
        %swap3A_410 = vector.shape_cast %swap3A_409 : vector<1x1x16xf32> to vector<16xf32>
        %swap3A_411 = vector.shape_cast %mul3A_404 : vector<16xf32> to vector<1x1x16xf32>
        tpu.vector_store %arg6[%swap3A_406, %swap3A_407, %swap3A_408], %swap3A_411 {strides = array<i32>} : memref<4x256x64xf32, #tpu.memory_space<vmem>>, vector<1x1x16xf32>,
        %get3A_412 = arith.constant 3 : i32
        %get3A_413 = arith.index_cast %get3A_412 : i32 to index
        %get3A_414 = arith.index_cast %scan3A_379 : i32 to index
        %get3A_415 = arith.constant 32 : index
        %get3A_416 = tpu.vector_load %arg6[%get3A_413, %get3A_414, %get3A_415] {strides = array<i32>} : memref<4x256x64xf32, #tpu.memory_space<vmem>>, vector<1x1x16xf32>,
        %get3A_417 = vector.shape_cast %get3A_416 : vector<1x1x16xf32> to vector<16xf32>
        %mul3A_418 = arith.constant 8.000000e+00 : f32
        %mul3A_419 = vector.broadcast %mul3A_418 : f32 to vector<16xf32>
        %mul3A_420 = arith.mulf %get3A_417, %mul3A_419 : vector<16xf32>
        %swap3A_421 = arith.constant 3 : i32
        %swap3A_422 = arith.index_cast %swap3A_421 : i32 to index
        %swap3A_423 = arith.index_cast %scan3A_379 : i32 to index
        %swap3A_424 = arith.constant 32 : index
        %swap3A_425 = tpu.vector_load %arg6[%swap3A_422, %swap3A_423, %swap3A_424] {strides = array<i32>} : memref<4x256x64xf32, #tpu.memory_space<vmem>>, vector<1x1x16xf32>,
        %swap3A_426 = vector.shape_cast %swap3A_425 : vector<1x1x16xf32> to vector<16xf32>
        %swap3A_427 = vector.shape_cast %mul3A_420 : vector<16xf32> to vector<1x1x16xf32>
        tpu.vector_store %arg6[%swap3A_422, %swap3A_423, %swap3A_424], %swap3A_427 {strides = array<i32>} : memref<4x256x64xf32, #tpu.memory_space<vmem>>, vector<1x1x16xf32>,
        %get3A_428 = arith.constant 3 : i32
        %get3A_429 = arith.index_cast %get3A_428 : i32 to index
        %get3A_430 = arith.index_cast %scan3A_379 : i32 to index
        %get3A_431 = arith.constant 48 : index
        %get3A_432 = tpu.vector_load %arg6[%get3A_429, %get3A_430, %get3A_431] {strides = array<i32>} : memref<4x256x64xf32, #tpu.memory_space<vmem>>, vector<1x1x16xf32>,
        %get3A_433 = vector.shape_cast %get3A_432 : vector<1x1x16xf32> to vector<16xf32>
        %mul3A_434 = arith.constant 8.000000e+00 : f32
        %mul3A_435 = vector.broadcast %mul3A_434 : f32 to vector<16xf32>
        %mul3A_436 = arith.mulf %get3A_433, %mul3A_435 : vector<16xf32>
        %swap3A_437 = arith.constant 3 : i32
        %swap3A_438 = arith.index_cast %swap3A_437 : i32 to index
        %swap3A_439 = arith.index_cast %scan3A_379 : i32 to index
        %swap3A_440 = arith.constant 48 : index
        %swap3A_441 = tpu.vector_load %arg6[%swap3A_438, %swap3A_439, %swap3A_440] {strides = array<i32>} : memref<4x256x64xf32, #tpu.memory_space<vmem>>, vector<1x1x16xf32>,
        %swap3A_442 = vector.shape_cast %swap3A_441 : vector<1x1x16xf32> to vector<16xf32>
        %swap3A_443 = vector.shape_cast %mul3A_436 : vector<16xf32> to vector<1x1x16xf32>
        tpu.vector_store %arg6[%swap3A_438, %swap3A_439, %swap3A_440], %swap3A_443 {strides = array<i32>} : memref<4x256x64xf32, #tpu.memory_space<vmem>>, vector<1x1x16xf32>,
        %scan3A_444 = arith.constant 3 : i32
        %scan3A_445 = arith.addi %scan3A_249, %scan3A_444 : i32
        %get3A_446 = arith.constant 3 : i32
        %get3A_447 = arith.index_cast %get3A_446 : i32 to index
        %get3A_448 = arith.index_cast %scan3A_445 : i32 to index
        %get3A_449 = arith.constant 0 : index
        %get3A_450 = tpu.vector_load %arg6[%get3A_447, %get3A_448, %get3A_449] {strides = array<i32>} : memref<4x256x64xf32, #tpu.memory_space<vmem>>, vector<1x1x16xf32>,
        %get3A_451 = vector.shape_cast %get3A_450 : vector<1x1x16xf32> to vector<16xf32>
        %mul3A_452 = arith.constant 8.000000e+00 : f32
        %mul3A_453 = vector.broadcast %mul3A_452 : f32 to vector<16xf32>
        %mul3A_454 = arith.mulf %get3A_451, %mul3A_453 : vector<16xf32>
        %swap3A_455 = arith.constant 3 : i32
        %swap3A_456 = arith.index_cast %swap3A_455 : i32 to index
        %swap3A_457 = arith.index_cast %scan3A_445 : i32 to index
        %swap3A_458 = arith.constant 0 : index
        %swap3A_459 = tpu.vector_load %arg6[%swap3A_456, %swap3A_457, %swap3A_458] {strides = array<i32>} : memref<4x256x64xf32, #tpu.memory_space<vmem>>, vector<1x1x16xf32>,
        %swap3A_460 = vector.shape_cast %swap3A_459 : vector<1x1x16xf32> to vector<16xf32>
        %swap3A_461 = vector.shape_cast %mul3A_454 : vector<16xf32> to vector<1x1x16xf32>
        tpu.vector_store %arg6[%swap3A_456, %swap3A_457, %swap3A_458], %swap3A_461 {strides = array<i32>} : memref<4x256x64xf32, #tpu.memory_space<vmem>>, vector<1x1x16xf32>,
        %get3A_462 = arith.constant 3 : i32
        %get3A_463 = arith.index_cast %get3A_462 : i32 to index
        %get3A_464 = arith.index_cast %scan3A_445 : i32 to index
        %get3A_465 = arith.constant 16 : index
        %get3A_466 = tpu.vector_load %arg6[%get3A_463, %get3A_464, %get3A_465] {strides = array<i32>} : memref<4x256x64xf32, #tpu.memory_space<vmem>>, vector<1x1x16xf32>,
        %get3A_467 = vector.shape_cast %get3A_466 : vector<1x1x16xf32> to vector<16xf32>
        %mul3A_468 = arith.constant 8.000000e+00 : f32
        %mul3A_469 = vector.broadcast %mul3A_468 : f32 to vector<16xf32>
        %mul3A_470 = arith.mulf %get3A_467, %mul3A_469 : vector<16xf32>
        %swap3A_471 = arith.constant 3 : i32
        %swap3A_472 = arith.index_cast %swap3A_471 : i32 to index
        %swap3A_473 = arith.index_cast %scan3A_445 : i32 to index
        %swap3A_474 = arith.constant 16 : index
        %swap3A_475 = tpu.vector_load %arg6[%swap3A_472, %swap3A_473, %swap3A_474] {strides = array<i32>} : memref<4x256x64xf32, #tpu.memory_space<vmem>>, vector<1x1x16xf32>,
        %swap3A_476 = vector.shape_cast %swap3A_475 : vector<1x1x16xf32> to vector<16xf32>
        %swap3A_477 = vector.shape_cast %mul3A_470 : vector<16xf32> to vector<1x1x16xf32>
        tpu.vector_store %arg6[%swap3A_472, %swap3A_473, %swap3A_474], %swap3A_477 {strides = array<i32>} : memref<4x256x64xf32, #tpu.memory_space<vmem>>, vector<1x1x16xf32>,
        %get3A_478 = arith.constant 3 : i32
        %get3A_479 = arith.index_cast %get3A_478 : i32 to index
        %get3A_480 = arith.index_cast %scan3A_445 : i32 to index
        %get3A_481 = arith.constant 32 : index
        %get3A_482 = tpu.vector_load %arg6[%get3A_479, %get3A_480, %get3A_481] {strides = array<i32>} : memref<4x256x64xf32, #tpu.memory_space<vmem>>, vector<1x1x16xf32>,
        %get3A_483 = vector.shape_cast %get3A_482 : vector<1x1x16xf32> to vector<16xf32>
        %mul3A_484 = arith.constant 8.000000e+00 : f32
        %mul3A_485 = vector.broadcast %mul3A_484 : f32 to vector<16xf32>
        %mul3A_486 = arith.mulf %get3A_483, %mul3A_485 : vector<16xf32>
        %swap3A_487 = arith.constant 3 : i32
        %swap3A_488 = arith.index_cast %swap3A_487 : i32 to index
        %swap3A_489 = arith.index_cast %scan3A_445 : i32 to index
        %swap3A_490 = arith.constant 32 : index
        %swap3A_491 = tpu.vector_load %arg6[%swap3A_488, %swap3A_489, %swap3A_490] {strides = array<i32>} : memref<4x256x64xf32, #tpu.memory_space<vmem>>, vector<1x1x16xf32>,
        %swap3A_492 = vector.shape_cast %swap3A_491 : vector<1x1x16xf32> to vector<16xf32>
        %swap3A_493 = vector.shape_cast %mul3A_486 : vector<16xf32> to vector<1x1x16xf32>
        tpu.vector_store %arg6[%swap3A_488, %swap3A_489, %swap3A_490], %swap3A_493 {strides = array<i32>} : memref<4x256x64xf32, #tpu.memory_space<vmem>>, vector<1x1x16xf32>,
        %get3A_494 = arith.constant 3 : i32
        %get3A_495 = arith.index_cast %get3A_494 : i32 to index
        %get3A_496 = arith.index_cast %scan3A_445 : i32 to index
        %get3A_497 = arith.constant 48 : index
        %get3A_498 = tpu.vector_load %arg6[%get3A_495, %get3A_496, %get3A_497] {strides = array<i32>} : memref<4x256x64xf32, #tpu.memory_space<vmem>>, vector<1x1x16xf32>,
        %get3A_499 = vector.shape_cast %get3A_498 : vector<1x1x16xf32> to vector<16xf32>
        %mul3A_500 = arith.constant 8.000000e+00 : f32
        %mul3A_501 = vector.broadcast %mul3A_500 : f32 to vector<16xf32>
        %mul3A_502 = arith.mulf %get3A_499, %mul3A_501 : vector<16xf32>
        %swap3A_503 = arith.constant 3 : i32
        %swap3A_504 = arith.index_cast %swap3A_503 : i32 to index
        %swap3A_505 = arith.index_cast %scan3A_445 : i32 to index
        %swap3A_506 = arith.constant 48 : index
        %swap3A_507 = tpu.vector_load %arg6[%swap3A_504, %swap3A_505, %swap3A_506] {strides = array<i32>} : memref<4x256x64xf32, #tpu.memory_space<vmem>>, vector<1x1x16xf32>,
        %swap3A_508 = vector.shape_cast %swap3A_507 : vector<1x1x16xf32> to vector<16xf32>
        %swap3A_509 = vector.shape_cast %mul3A_502 : vector<16xf32> to vector<1x1x16xf32>
        tpu.vector_store %arg6[%swap3A_504, %swap3A_505, %swap3A_506], %swap3A_509 {strides = array<i32>} : memref<4x256x64xf32, #tpu.memory_space<vmem>>, vector<1x1x16xf32>,
        %scan3A_510 = arith.constant 4 : i32
        %scan3A_511 = arith.addi %scan3A_249, %scan3A_510 : i32
        %get3A_512 = arith.constant 3 : i32
        %get3A_513 = arith.index_cast %get3A_512 : i32 to index
        %get3A_514 = arith.index_cast %scan3A_511 : i32 to index
        %get3A_515 = arith.constant 0 : index
        %get3A_516 = tpu.vector_load %arg6[%get3A_513, %get3A_514, %get3A_515] {strides = array<i32>} : memref<4x256x64xf32, #tpu.memory_space<vmem>>, vector<1x1x16xf32>,
        %get3A_517 = vector.shape_cast %get3A_516 : vector<1x1x16xf32> to vector<16xf32>
        %mul3A_518 = arith.constant 8.000000e+00 : f32
        %mul3A_519 = vector.broadcast %mul3A_518 : f32 to vector<16xf32>
        %mul3A_520 = arith.mulf %get3A_517, %mul3A_519 : vector<16xf32>
        %swap3A_521 = arith.constant 3 : i32
        %swap3A_522 = arith.index_cast %swap3A_521 : i32 to index
        %swap3A_523 = arith.index_cast %scan3A_511 : i32 to index
        %swap3A_524 = arith.constant 0 : index
        %swap3A_525 = tpu.vector_load %arg6[%swap3A_522, %swap3A_523, %swap3A_524] {strides = array<i32>} : memref<4x256x64xf32, #tpu.memory_space<vmem>>, vector<1x1x16xf32>,
        %swap3A_526 = vector.shape_cast %swap3A_525 : vector<1x1x16xf32> to vector<16xf32>
        %swap3A_527 = vector.shape_cast %mul3A_520 : vector<16xf32> to vector<1x1x16xf32>
        tpu.vector_store %arg6[%swap3A_522, %swap3A_523, %swap3A_524], %swap3A_527 {strides = array<i32>} : memref<4x256x64xf32, #tpu.memory_space<vmem>>, vector<1x1x16xf32>,
        %get3A_528 = arith.constant 3 : i32
        %get3A_529 = arith.index_cast %get3A_528 : i32 to index
        %get3A_530 = arith.index_cast %scan3A_511 : i32 to index
        %get3A_531 = arith.constant 16 : index
        %get3A_532 = tpu.vector_load %arg6[%get3A_529, %get3A_530, %get3A_531] {strides = array<i32>} : memref<4x256x64xf32, #tpu.memory_space<vmem>>, vector<1x1x16xf32>,
        %get3A_533 = vector.shape_cast %get3A_532 : vector<1x1x16xf32> to vector<16xf32>
        %mul3A_534 = arith.constant 8.000000e+00 : f32
        %mul3A_535 = vector.broadcast %mul3A_534 : f32 to vector<16xf32>
        %mul3A_536 = arith.mulf %get3A_533, %mul3A_535 : vector<16xf32>
        %swap3A_537 = arith.constant 3 : i32
        %swap3A_538 = arith.index_cast %swap3A_537 : i32 to index
        %swap3A_539 = arith.index_cast %scan3A_511 : i32 to index
        %swap3A_540 = arith.constant 16 : index
        %swap3A_541 = tpu.vector_load %arg6[%swap3A_538, %swap3A_539, %swap3A_540] {strides = array<i32>} : memref<4x256x64xf32, #tpu.memory_space<vmem>>, vector<1x1x16xf32>,
        %swap3A_542 = vector.shape_cast %swap3A_541 : vector<1x1x16xf32> to vector<16xf32>
        %swap3A_543 = vector.shape_cast %mul3A_536 : vector<16xf32> to vector<1x1x16xf32>
        tpu.vector_store %arg6[%swap3A_538, %swap3A_539, %swap3A_540], %swap3A_543 {strides = array<i32>} : memref<4x256x64xf32, #tpu.memory_space<vmem>>, vector<1x1x16xf32>,
        %get3A_544 = arith.constant 3 : i32
        %get3A_545 = arith.index_cast %get3A_544 : i32 to index
        %get3A_546 = arith.index_cast %scan3A_511 : i32 to index
        %get3A_547 = arith.constant 32 : index
        %get3A_548 = tpu.vector_load %arg6[%get3A_545, %get3A_546, %get3A_547] {strides = array<i32>} : memref<4x256x64xf32, #tpu.memory_space<vmem>>, vector<1x1x16xf32>,
        %get3A_549 = vector.shape_cast %get3A_548 : vector<1x1x16xf32> to vector<16xf32>
        %mul3A_550 = arith.constant 8.000000e+00 : f32
        %mul3A_551 = vector.broadcast %mul3A_550 : f32 to vector<16xf32>
        %mul3A_552 = arith.mulf %get3A_549, %mul3A_551 : vector<16xf32>
        %swap3A_553 = arith.constant 3 : i32
        %swap3A_554 = arith.index_cast %swap3A_553 : i32 to index
        %swap3A_555 = arith.index_cast %scan3A_511 : i32 to index
        %swap3A_556 = arith.constant 32 : index
        %swap3A_557 = tpu.vector_load %arg6[%swap3A_554, %swap3A_555, %swap3A_556] {strides = array<i32>} : memref<4x256x64xf32, #tpu.memory_space<vmem>>, vector<1x1x16xf32>,
        %swap3A_558 = vector.shape_cast %swap3A_557 : vector<1x1x16xf32> to vector<16xf32>
        %swap3A_559 = vector.shape_cast %mul3A_552 : vector<16xf32> to vector<1x1x16xf32>
        tpu.vector_store %arg6[%swap3A_554, %swap3A_555, %swap3A_556], %swap3A_559 {strides = array<i32>} : memref<4x256x64xf32, #tpu.memory_space<vmem>>, vector<1x1x16xf32>,
        %get3A_560 = arith.constant 3 : i32
        %get3A_561 = arith.index_cast %get3A_560 : i32 to index
        %get3A_562 = arith.index_cast %scan3A_511 : i32 to index
        %get3A_563 = arith.constant 48 : index
        %get3A_564 = tpu.vector_load %arg6[%get3A_561, %get3A_562, %get3A_563] {strides = array<i32>} : memref<4x256x64xf32, #tpu.memory_space<vmem>>, vector<1x1x16xf32>,
        %get3A_565 = vector.shape_cast %get3A_564 : vector<1x1x16xf32> to vector<16xf32>
        %mul3A_566 = arith.constant 8.000000e+00 : f32
        %mul3A_567 = vector.broadcast %mul3A_566 : f32 to vector<16xf32>
        %mul3A_568 = arith.mulf %get3A_565, %mul3A_567 : vector<16xf32>
        %swap3A_569 = arith.constant 3 : i32
        %swap3A_570 = arith.index_cast %swap3A_569 : i32 to index
        %swap3A_571 = arith.index_cast %scan3A_511 : i32 to index
        %swap3A_572 = arith.constant 48 : index
        %swap3A_573 = tpu.vector_load %arg6[%swap3A_570, %swap3A_571, %swap3A_572] {strides = array<i32>} : memref<4x256x64xf32, #tpu.memory_space<vmem>>, vector<1x1x16xf32>,
        %swap3A_574 = vector.shape_cast %swap3A_573 : vector<1x1x16xf32> to vector<16xf32>
        %swap3A_575 = vector.shape_cast %mul3A_568 : vector<16xf32> to vector<1x1x16xf32>
        tpu.vector_store %arg6[%swap3A_570, %swap3A_571, %swap3A_572], %swap3A_575 {strides = array<i32>} : memref<4x256x64xf32, #tpu.memory_space<vmem>>, vector<1x1x16xf32>,
        %scan3A_576 = arith.constant 5 : i32
        %scan3A_577 = arith.addi %scan3A_249, %scan3A_576 : i32
        %get3A_578 = arith.constant 3 : i32
        %get3A_579 = arith.index_cast %get3A_578 : i32 to index
        %get3A_580 = arith.index_cast %scan3A_577 : i32 to index
        %get3A_581 = arith.constant 0 : index
        %get3A_582 = tpu.vector_load %arg6[%get3A_579, %get3A_580, %get3A_581] {strides = array<i32>} : memref<4x256x64xf32, #tpu.memory_space<vmem>>, vector<1x1x16xf32>,
        %get3A_583 = vector.shape_cast %get3A_582 : vector<1x1x16xf32> to vector<16xf32>
        %mul3A_584 = arith.constant 8.000000e+00 : f32
        %mul3A_585 = vector.broadcast %mul3A_584 : f32 to vector<16xf32>
        %mul3A_586 = arith.mulf %get3A_583, %mul3A_585 : vector<16xf32>
        %swap3A_587 = arith.constant 3 : i32
        %swap3A_588 = arith.index_cast %swap3A_587 : i32 to index
        %swap3A_589 = arith.index_cast %scan3A_577 : i32 to index
        %swap3A_590 = arith.constant 0 : index
        %swap3A_591 = tpu.vector_load %arg6[%swap3A_588, %swap3A_589, %swap3A_590] {strides = array<i32>} : memref<4x256x64xf32, #tpu.memory_space<vmem>>, vector<1x1x16xf32>,
        %swap3A_592 = vector.shape_cast %swap3A_591 : vector<1x1x16xf32> to vector<16xf32>
        %swap3A_593 = vector.shape_cast %mul3A_586 : vector<16xf32> to vector<1x1x16xf32>
        tpu.vector_store %arg6[%swap3A_588, %swap3A_589, %swap3A_590], %swap3A_593 {strides = array<i32>} : memref<4x256x64xf32, #tpu.memory_space<vmem>>, vector<1x1x16xf32>,
        %get3A_594 = arith.constant 3 : i32
        %get3A_595 = arith.index_cast %get3A_594 : i32 to index
        %get3A_596 = arith.index_cast %scan3A_577 : i32 to index
        %get3A_597 = arith.constant 16 : index
        %get3A_598 = tpu.vector_load %arg6[%get3A_595, %get3A_596, %get3A_597] {strides = array<i32>} : memref<4x256x64xf32, #tpu.memory_space<vmem>>, vector<1x1x16xf32>,
        %get3A_599 = vector.shape_cast %get3A_598 : vector<1x1x16xf32> to vector<16xf32>
        %mul3A_600 = arith.constant 8.000000e+00 : f32
        %mul3A_601 = vector.broadcast %mul3A_600 : f32 to vector<16xf32>
        %mul3A_602 = arith.mulf %get3A_599, %mul3A_601 : vector<16xf32>
        %swap3A_603 = arith.constant 3 : i32
        %swap3A_604 = arith.index_cast %swap3A_603 : i32 to index
        %swap3A_605 = arith.index_cast %scan3A_577 : i32 to index
        %swap3A_606 = arith.constant 16 : index
        %swap3A_607 = tpu.vector_load %arg6[%swap3A_604, %swap3A_605, %swap3A_606] {strides = array<i32>} : memref<4x256x64xf32, #tpu.memory_space<vmem>>, vector<1x1x16xf32>,
        %swap3A_608 = vector.shape_cast %swap3A_607 : vector<1x1x16xf32> to vector<16xf32>
        %swap3A_609 = vector.shape_cast %mul3A_602 : vector<16xf32> to vector<1x1x16xf32>
        tpu.vector_store %arg6[%swap3A_604, %swap3A_605, %swap3A_606], %swap3A_609 {strides = array<i32>} : memref<4x256x64xf32, #tpu.memory_space<vmem>>, vector<1x1x16xf32>,
        %get3A_610 = arith.constant 3 : i32
        %get3A_611 = arith.index_cast %get3A_610 : i32 to index
        %get3A_612 = arith.index_cast %scan3A_577 : i32 to index
        %get3A_613 = arith.constant 32 : index
        %get3A_614 = tpu.vector_load %arg6[%get3A_611, %get3A_612, %get3A_613] {strides = array<i32>} : memref<4x256x64xf32, #tpu.memory_space<vmem>>, vector<1x1x16xf32>,
        %get3A_615 = vector.shape_cast %get3A_614 : vector<1x1x16xf32> to vector<16xf32>
        %mul3A_616 = arith.constant 8.000000e+00 : f32
        %mul3A_617 = vector.broadcast %mul3A_616 : f32 to vector<16xf32>
        %mul3A_618 = arith.mulf %get3A_615, %mul3A_617 : vector<16xf32>
        %swap3A_619 = arith.constant 3 : i32
        %swap3A_620 = arith.index_cast %swap3A_619 : i32 to index
        %swap3A_621 = arith.index_cast %scan3A_577 : i32 to index
        %swap3A_622 = arith.constant 32 : index
        %swap3A_623 = tpu.vector_load %arg6[%swap3A_620, %swap3A_621, %swap3A_622] {strides = array<i32>} : memref<4x256x64xf32, #tpu.memory_space<vmem>>, vector<1x1x16xf32>,
        %swap3A_624 = vector.shape_cast %swap3A_623 : vector<1x1x16xf32> to vector<16xf32>
        %swap3A_625 = vector.shape_cast %mul3A_618 : vector<16xf32> to vector<1x1x16xf32>
        tpu.vector_store %arg6[%swap3A_620, %swap3A_621, %swap3A_622], %swap3A_625 {strides = array<i32>} : memref<4x256x64xf32, #tpu.memory_space<vmem>>, vector<1x1x16xf32>,
        %get3A_626 = arith.constant 3 : i32
        %get3A_627 = arith.index_cast %get3A_626 : i32 to index
        %get3A_628 = arith.index_cast %scan3A_577 : i32 to index
        %get3A_629 = arith.constant 48 : index
        %get3A_630 = tpu.vector_load %arg6[%get3A_627, %get3A_628, %get3A_629] {strides = array<i32>} : memref<4x256x64xf32, #tpu.memory_space<vmem>>, vector<1x1x16xf32>,
        %get3A_631 = vector.shape_cast %get3A_630 : vector<1x1x16xf32> to vector<16xf32>
        %mul3A_632 = arith.constant 8.000000e+00 : f32
        %mul3A_633 = vector.broadcast %mul3A_632 : f32 to vector<16xf32>
        %mul3A_634 = arith.mulf %get3A_631, %mul3A_633 : vector<16xf32>
        %swap3A_635 = arith.constant 3 : i32
        %swap3A_636 = arith.index_cast %swap3A_635 : i32 to index
        %swap3A_637 = arith.index_cast %scan3A_577 : i32 to index
        %swap3A_638 = arith.constant 48 : index
        %swap3A_639 = tpu.vector_load %arg6[%swap3A_636, %swap3A_637, %swap3A_638] {strides = array<i32>} : memref<4x256x64xf32, #tpu.memory_space<vmem>>, vector<1x1x16xf32>,
        %swap3A_640 = vector.shape_cast %swap3A_639 : vector<1x1x16xf32> to vector<16xf32>
        %swap3A_641 = vector.shape_cast %mul3A_634 : vector<16xf32> to vector<1x1x16xf32>
        tpu.vector_store %arg6[%swap3A_636, %swap3A_637, %swap3A_638], %swap3A_641 {strides = array<i32>} : memref<4x256x64xf32, #tpu.memory_space<vmem>>, vector<1x1x16xf32>,
        %scan3A_642 = arith.constant 6 : i32
        %scan3A_643 = arith.addi %scan3A_249, %scan3A_642 : i32
        %get3A_644 = arith.constant 3 : i32
        %get3A_645 = arith.index_cast %get3A_644 : i32 to index
        %get3A_646 = arith.index_cast %scan3A_643 : i32 to index
        %get3A_647 = arith.constant 0 : index
        %get3A_648 = tpu.vector_load %arg6[%get3A_645, %get3A_646, %get3A_647] {strides = array<i32>} : memref<4x256x64xf32, #tpu.memory_space<vmem>>, vector<1x1x16xf32>,
        %get3A_649 = vector.shape_cast %get3A_648 : vector<1x1x16xf32> to vector<16xf32>
        %mul3A_650 = arith.constant 8.000000e+00 : f32
        %mul3A_651 = vector.broadcast %mul3A_650 : f32 to vector<16xf32>
        %mul3A_652 = arith.mulf %get3A_649, %mul3A_651 : vector<16xf32>
        %swap3A_653 = arith.constant 3 : i32
        %swap3A_654 = arith.index_cast %swap3A_653 : i32 to index
        %swap3A_655 = arith.index_cast %scan3A_643 : i32 to index
        %swap3A_656 = arith.constant 0 : index
        %swap3A_657 = tpu.vector_load %arg6[%swap3A_654, %swap3A_655, %swap3A_656] {strides = array<i32>} : memref<4x256x64xf32, #tpu.memory_space<vmem>>, vector<1x1x16xf32>,
        %swap3A_658 = vector.shape_cast %swap3A_657 : vector<1x1x16xf32> to vector<16xf32>
        %swap3A_659 = vector.shape_cast %mul3A_652 : vector<16xf32> to vector<1x1x16xf32>
        tpu.vector_store %arg6[%swap3A_654, %swap3A_655, %swap3A_656], %swap3A_659 {strides = array<i32>} : memref<4x256x64xf32, #tpu.memory_space<vmem>>, vector<1x1x16xf32>,
        %get3A_660 = arith.constant 3 : i32
        %get3A_661 = arith.index_cast %get3A_660 : i32 to index
        %get3A_662 = arith.index_cast %scan3A_643 : i32 to index
        %get3A_663 = arith.constant 16 : index
        %get3A_664 = tpu.vector_load %arg6[%get3A_661, %get3A_662, %get3A_663] {strides = array<i32>} : memref<4x256x64xf32, #tpu.memory_space<vmem>>, vector<1x1x16xf32>,
        %get3A_665 = vector.shape_cast %get3A_664 : vector<1x1x16xf32> to vector<16xf32>
        %mul3A_666 = arith.constant 8.000000e+00 : f32
        %mul3A_667 = vector.broadcast %mul3A_666 : f32 to vector<16xf32>
        %mul3A_668 = arith.mulf %get3A_665, %mul3A_667 : vector<16xf32>
        %swap3A_669 = arith.constant 3 : i32
        %swap3A_670 = arith.index_cast %swap3A_669 : i32 to index
        %swap3A_671 = arith.index_cast %scan3A_643 : i32 to index
        %swap3A_672 = arith.constant 16 : index
        %swap3A_673 = tpu.vector_load %arg6[%swap3A_670, %swap3A_671, %swap3A_672] {strides = array<i32>} : memref<4x256x64xf32, #tpu.memory_space<vmem>>, vector<1x1x16xf32>,
        %swap3A_674 = vector.shape_cast %swap3A_673 : vector<1x1x16xf32> to vector<16xf32>
        %swap3A_675 = vector.shape_cast %mul3A_668 : vector<16xf32> to vector<1x1x16xf32>
        tpu.vector_store %arg6[%swap3A_670, %swap3A_671, %swap3A_672], %swap3A_675 {strides = array<i32>} : memref<4x256x64xf32, #tpu.memory_space<vmem>>, vector<1x1x16xf32>,
        %get3A_676 = arith.constant 3 : i32
        %get3A_677 = arith.index_cast %get3A_676 : i32 to index
        %get3A_678 = arith.index_cast %scan3A_643 : i32 to index
        %get3A_679 = arith.constant 32 : index
        %get3A_680 = tpu.vector_load %arg6[%get3A_677, %get3A_678, %get3A_679] {strides = array<i32>} : memref<4x256x64xf32, #tpu.memory_space<vmem>>, vector<1x1x16xf32>,
        %get3A_681 = vector.shape_cast %get3A_680 : vector<1x1x16xf32> to vector<16xf32>
        %mul3A_682 = arith.constant 8.000000e+00 : f32
        %mul3A_683 = vector.broadcast %mul3A_682 : f32 to vector<16xf32>
        %mul3A_684 = arith.mulf %get3A_681, %mul3A_683 : vector<16xf32>
        %swap3A_685 = arith.constant 3 : i32
        %swap3A_686 = arith.index_cast %swap3A_685 : i32 to index
        %swap3A_687 = arith.index_cast %scan3A_643 : i32 to index
        %swap3A_688 = arith.constant 32 : index
        %swap3A_689 = tpu.vector_load %arg6[%swap3A_686, %swap3A_687, %swap3A_688] {strides = array<i32>} : memref<4x256x64xf32, #tpu.memory_space<vmem>>, vector<1x1x16xf32>,
        %swap3A_690 = vector.shape_cast %swap3A_689 : vector<1x1x16xf32> to vector<16xf32>
        %swap3A_691 = vector.shape_cast %mul3A_684 : vector<16xf32> to vector<1x1x16xf32>
        tpu.vector_store %arg6[%swap3A_686, %swap3A_687, %swap3A_688], %swap3A_691 {strides = array<i32>} : memref<4x256x64xf32, #tpu.memory_space<vmem>>, vector<1x1x16xf32>,
        %get3A_692 = arith.constant 3 : i32
        %get3A_693 = arith.index_cast %get3A_692 : i32 to index
        %get3A_694 = arith.index_cast %scan3A_643 : i32 to index
        %get3A_695 = arith.constant 48 : index
        %get3A_696 = tpu.vector_load %arg6[%get3A_693, %get3A_694, %get3A_695] {strides = array<i32>} : memref<4x256x64xf32, #tpu.memory_space<vmem>>, vector<1x1x16xf32>,
        %get3A_697 = vector.shape_cast %get3A_696 : vector<1x1x16xf32> to vector<16xf32>
        %mul3A_698 = arith.constant 8.000000e+00 : f32
        %mul3A_699 = vector.broadcast %mul3A_698 : f32 to vector<16xf32>
        %mul3A_700 = arith.mulf %get3A_697, %mul3A_699 : vector<16xf32>
        %swap3A_701 = arith.constant 3 : i32
        %swap3A_702 = arith.index_cast %swap3A_701 : i32 to index
        %swap3A_703 = arith.index_cast %scan3A_643 : i32 to index
        %swap3A_704 = arith.constant 48 : index
        %swap3A_705 = tpu.vector_load %arg6[%swap3A_702, %swap3A_703, %swap3A_704] {strides = array<i32>} : memref<4x256x64xf32, #tpu.memory_space<vmem>>, vector<1x1x16xf32>,
        %swap3A_706 = vector.shape_cast %swap3A_705 : vector<1x1x16xf32> to vector<16xf32>
        %swap3A_707 = vector.shape_cast %mul3A_700 : vector<16xf32> to vector<1x1x16xf32>
        tpu.vector_store %arg6[%swap3A_702, %swap3A_703, %swap3A_704], %swap3A_707 {strides = array<i32>} : memref<4x256x64xf32, #tpu.memory_space<vmem>>, vector<1x1x16xf32>,
        %scan3A_708 = arith.constant 7 : i32
        %scan3A_709 = arith.addi %scan3A_249, %scan3A_708 : i32
        %get3A_710 = arith.constant 3 : i32
        %get3A_711 = arith.index_cast %get3A_710 : i32 to index
        %get3A_712 = arith.index_cast %scan3A_709 : i32 to index
        %get3A_713 = arith.constant 0 : index
        %get3A_714 = tpu.vector_load %arg6[%get3A_711, %get3A_712, %get3A_713] {strides = array<i32>} : memref<4x256x64xf32, #tpu.memory_space<vmem>>, vector<1x1x16xf32>,
        %get3A_715 = vector.shape_cast %get3A_714 : vector<1x1x16xf32> to vector<16xf32>
        %mul3A_716 = arith.constant 8.000000e+00 : f32
        %mul3A_717 = vector.broadcast %mul3A_716 : f32 to vector<16xf32>
        %mul3A_718 = arith.mulf %get3A_715, %mul3A_717 : vector<16xf32>
        %swap3A_719 = arith.constant 3 : i32
        %swap3A_720 = arith.index_cast %swap3A_719 : i32 to index
        %swap3A_721 = arith.index_cast %scan3A_709 : i32 to index
        %swap3A_722 = arith.constant 0 : index
        %swap3A_723 = tpu.vector_load %arg6[%swap3A_720, %swap3A_721, %swap3A_722] {strides = array<i32>} : memref<4x256x64xf32, #tpu.memory_space<vmem>>, vector<1x1x16xf32>,
        %swap3A_724 = vector.shape_cast %swap3A_723 : vector<1x1x16xf32> to vector<16xf32>
        %swap3A_725 = vector.shape_cast %mul3A_718 : vector<16xf32> to vector<1x1x16xf32>
        tpu.vector_store %arg6[%swap3A_720, %swap3A_721, %swap3A_722], %swap3A_725 {strides = array<i32>} : memref<4x256x64xf32, #tpu.memory_space<vmem>>, vector<1x1x16xf32>,
        %get3A_726 = arith.constant 3 : i32
        %get3A_727 = arith.index_cast %get3A_726 : i32 to index
        %get3A_728 = arith.index_cast %scan3A_709 : i32 to index
        %get3A_729 = arith.constant 16 : index
        %get3A_730 = tpu.vector_load %arg6[%get3A_727, %get3A_728, %get3A_729] {strides = array<i32>} : memref<4x256x64xf32, #tpu.memory_space<vmem>>, vector<1x1x16xf32>,
        %get3A_731 = vector.shape_cast %get3A_730 : vector<1x1x16xf32> to vector<16xf32>
        %mul3A_732 = arith.constant 8.000000e+00 : f32
        %mul3A_733 = vector.broadcast %mul3A_732 : f32 to vector<16xf32>
        %mul3A_734 = arith.mulf %get3A_731, %mul3A_733 : vector<16xf32>
        %swap3A_735 = arith.constant 3 : i32
        %swap3A_736 = arith.index_cast %swap3A_735 : i32 to index
        %swap3A_737 = arith.index_cast %scan3A_709 : i32 to index
        %swap3A_738 = arith.constant 16 : index
        %swap3A_739 = tpu.vector_load %arg6[%swap3A_736, %swap3A_737, %swap3A_738] {strides = array<i32>} : memref<4x256x64xf32, #tpu.memory_space<vmem>>, vector<1x1x16xf32>,
        %swap3A_740 = vector.shape_cast %swap3A_739 : vector<1x1x16xf32> to vector<16xf32>
        %swap3A_741 = vector.shape_cast %mul3A_734 : vector<16xf32> to vector<1x1x16xf32>
        tpu.vector_store %arg6[%swap3A_736, %swap3A_737, %swap3A_738], %swap3A_741 {strides = array<i32>} : memref<4x256x64xf32, #tpu.memory_space<vmem>>, vector<1x1x16xf32>,
        %get3A_742 = arith.constant 3 : i32
        %get3A_743 = arith.index_cast %get3A_742 : i32 to index
        %get3A_744 = arith.index_cast %scan3A_709 : i32 to index
        %get3A_745 = arith.constant 32 : index
        %get3A_746 = tpu.vector_load %arg6[%get3A_743, %get3A_744, %get3A_745] {strides = array<i32>} : memref<4x256x64xf32, #tpu.memory_space<vmem>>, vector<1x1x16xf32>,
        %get3A_747 = vector.shape_cast %get3A_746 : vector<1x1x16xf32> to vector<16xf32>
        %mul3A_748 = arith.constant 8.000000e+00 : f32
        %mul3A_749 = vector.broadcast %mul3A_748 : f32 to vector<16xf32>
        %mul3A_750 = arith.mulf %get3A_747, %mul3A_749 : vector<16xf32>
        %swap3A_751 = arith.constant 3 : i32
        %swap3A_752 = arith.index_cast %swap3A_751 : i32 to index
        %swap3A_753 = arith.index_cast %scan3A_709 : i32 to index
        %swap3A_754 = arith.constant 32 : index
        %swap3A_755 = tpu.vector_load %arg6[%swap3A_752, %swap3A_753, %swap3A_754] {strides = array<i32>} : memref<4x256x64xf32, #tpu.memory_space<vmem>>, vector<1x1x16xf32>,
        %swap3A_756 = vector.shape_cast %swap3A_755 : vector<1x1x16xf32> to vector<16xf32>
        %swap3A_757 = vector.shape_cast %mul3A_750 : vector<16xf32> to vector<1x1x16xf32>
        tpu.vector_store %arg6[%swap3A_752, %swap3A_753, %swap3A_754], %swap3A_757 {strides = array<i32>} : memref<4x256x64xf32, #tpu.memory_space<vmem>>, vector<1x1x16xf32>,
        %get3A_758 = arith.constant 3 : i32
        %get3A_759 = arith.index_cast %get3A_758 : i32 to index
        %get3A_760 = arith.index_cast %scan3A_709 : i32 to index
        %get3A_761 = arith.constant 48 : index
        %get3A_762 = tpu.vector_load %arg6[%get3A_759, %get3A_760, %get3A_761] {strides = array<i32>} : memref<4x256x64xf32, #tpu.memory_space<vmem>>, vector<1x1x16xf32>,
        %get3A_763 = vector.shape_cast %get3A_762 : vector<1x1x16xf32> to vector<16xf32>
        %mul3A_764 = arith.constant 8.000000e+00 : f32
        %mul3A_765 = vector.broadcast %mul3A_764 : f32 to vector<16xf32>
        %mul3A_766 = arith.mulf %get3A_763, %mul3A_765 : vector<16xf32>
        %swap3A_767 = arith.constant 3 : i32
        %swap3A_768 = arith.index_cast %swap3A_767 : i32 to index
        %swap3A_769 = arith.index_cast %scan3A_709 : i32 to index
        %swap3A_770 = arith.constant 48 : index
        %swap3A_771 = tpu.vector_load %arg6[%swap3A_768, %swap3A_769, %swap3A_770] {strides = array<i32>} : memref<4x256x64xf32, #tpu.memory_space<vmem>>, vector<1x1x16xf32>,
        %swap3A_772 = vector.shape_cast %swap3A_771 : vector<1x1x16xf32> to vector<16xf32>
        %swap3A_773 = vector.shape_cast %mul3A_766 : vector<16xf32> to vector<1x1x16xf32>
        tpu.vector_store %arg6[%swap3A_768, %swap3A_769, %swap3A_770], %swap3A_773 {strides = array<i32>} : memref<4x256x64xf32, #tpu.memory_space<vmem>>, vector<1x1x16xf32>,
      }
      %scan3A_232 = arith.constant 256 : i32
      %mul3A_233 = arith.constant 256 : i32
      %mul3A_234 = arith.muli %add3A_203, %mul3A_233 : i32
      %add3A_235 = arith.addi %mul3A_2, %mul3A_234 : i32
      %dma_start3A_236 = arith.constant 3 : i32
      %dma_start3A_237 = arith.constant 0 : i32
      %dma_start3A_238 = arith.constant 0 : i32
      %dma_start3A_239 = tpu.memref_slice %arg6[%dma_start3A_236, %dma_start3A_237, %dma_start3A_238] : memref<4x256x64xf32, #tpu.memory_space<vmem>> -> memref<1x256x64xf32, #tpu.memory_space<vmem>>
      %dma_start3A_240 = tpu.memref_squeeze %dma_start3A_239 : memref<1x256x64xf32, #tpu.memory_space<vmem>> -> memref<256x64xf32, #tpu.memory_space<vmem>>
      %dma_start3A_241 = arith.constant 0 : i32
      %dma_start3A_242 = tpu.memref_slice %arg4[%add3A_235, %dma_start3A_241] : memref<819200x64xf32, #tpu.memory_space<hbm>> -> memref<256x64xf32, #tpu.memory_space<hbm>>
      %dma_start3A_243 = arith.constant 0 : i32
      %dma_start3A_244 = tpu.memref_slice %arg4[%add3A_235, %dma_start3A_243] : memref<819200x64xf32, #tpu.memory_space<hbm>> -> memref<256x64xf32, #tpu.memory_space<hbm>>
      %dma_start3A_245 = arith.constant 0 : i32
      %dma_start3A_246 = arith.constant 0 : i32
      %dma_start3A_247 = tpu.memref_slice %arg6[%dma_start3A_236, %dma_start3A_245, %dma_start3A_246] : memref<4x256x64xf32, #tpu.memory_space<vmem>> -> memref<1x256x64xf32, #tpu.memory_space<vmem>>
      %dma_start3A_248 = tpu.memref_squeeze %dma_start3A_247 : memref<1x256x64xf32, #tpu.memory_space<vmem>> -> memref<256x64xf32, #tpu.memory_space<vmem>>
      tpu.enqueue_dma source(%dma_start3A_248 : memref<256x64xf32, #tpu.memory_space<vmem>>) target(%dma_start3A_244 : memref<256x64xf32, #tpu.memory_space<hbm>>) target_semaphore(%arg14 : memref<!tpu.dma_semaphore, #tpu.memory_space<semaphore_mem>>)
    }
    %scan3A_26 = arith.constant 25 : i32
    %add3A_27 = arith.constant 25088 : i32
    %add3A_28 = arith.addi %mul3A_2, %add3A_27 : i32
    %dma_wait3A = arith.constant 2 : i32
    %dma_wait3A_29 = arith.constant 0 : i32
    %dma_wait3A_30 = arith.constant 0 : i32
    %dma_wait3A_31 = tpu.memref_slice %arg6[%dma_wait3A, %dma_wait3A_29, %dma_wait3A_30] : memref<4x256x64xf32, #tpu.memory_space<vmem>> -> memref<1x256x64xf32, #tpu.memory_space<vmem>>
    %dma_wait3A_32 = tpu.memref_squeeze %dma_wait3A_31 : memref<1x256x64xf32, #tpu.memory_space<vmem>> -> memref<256x64xf32, #tpu.memory_space<vmem>>
    %dma_wait3A_33 = arith.constant 0 : i32
    %dma_wait3A_34 = tpu.memref_slice %arg4[%add3A_28, %dma_wait3A_33] : memref<819200x64xf32, #tpu.memory_space<hbm>> -> memref<256x64xf32, #tpu.memory_space<hbm>>
    %dma_wait3A_35 = arith.constant 0 : i32
    %dma_wait3A_36 = tpu.memref_slice %arg4[%add3A_28, %dma_wait3A_35] : memref<819200x64xf32, #tpu.memory_space<hbm>> -> memref<256x64xf32, #tpu.memory_space<hbm>>
    %dma_wait3A_37 = arith.constant 0 : i32
    %dma_wait3A_38 = arith.constant 0 : i32
    %dma_wait3A_39 = tpu.memref_slice %arg6[%dma_wait3A, %dma_wait3A_37, %dma_wait3A_38] : memref<4x256x64xf32, #tpu.memory_space<vmem>> -> memref<1x256x64xf32, #tpu.memory_space<vmem>>
    %dma_wait3A_40 = tpu.memref_squeeze %dma_wait3A_39 : memref<1x256x64xf32, #tpu.memory_space<vmem>> -> memref<256x64xf32, #tpu.memory_space<vmem>>
    tpu.wait_dma2 semaphore(%arg13 : memref<!tpu.dma_semaphore, #tpu.memory_space<semaphore_mem>>) src(%dma_wait3A_40 : memref<256x64xf32, #tpu.memory_space<vmem>>) dst(%dma_wait3A_36 : memref<256x64xf32, #tpu.memory_space<hbm>>)
    %add3A_41 = arith.constant 25344 : i32
    %add3A_42 = arith.addi %mul3A_2, %add3A_41 : i32
    %dma_wait3A_43 = arith.constant 3 : i32
    %dma_wait3A_44 = arith.constant 0 : i32
    %dma_wait3A_45 = arith.constant 0 : i32
    %dma_wait3A_46 = tpu.memref_slice %arg6[%dma_wait3A_43, %dma_wait3A_44, %dma_wait3A_45] : memref<4x256x64xf32, #tpu.memory_space<vmem>> -> memref<1x256x64xf32, #tpu.memory_space<vmem>>
    %dma_wait3A_47 = tpu.memref_squeeze %dma_wait3A_46 : memref<1x256x64xf32, #tpu.memory_space<vmem>> -> memref<256x64xf32, #tpu.memory_space<vmem>>
    %dma_wait3A_48 = arith.constant 0 : i32
    %dma_wait3A_49 = tpu.memref_slice %arg4[%add3A_42, %dma_wait3A_48] : memref<819200x64xf32, #tpu.memory_space<hbm>> -> memref<256x64xf32, #tpu.memory_space<hbm>>
    %dma_wait3A_50 = arith.constant 0 : i32
    %dma_wait3A_51 = tpu.memref_slice %arg4[%add3A_42, %dma_wait3A_50] : memref<819200x64xf32, #tpu.memory_space<hbm>> -> memref<256x64xf32, #tpu.memory_space<hbm>>
    %dma_wait3A_52 = arith.constant 0 : i32
    %dma_wait3A_53 = arith.constant 0 : i32
    %dma_wait3A_54 = tpu.memref_slice %arg6[%dma_wait3A_43, %dma_wait3A_52, %dma_wait3A_53] : memref<4x256x64xf32, #tpu.memory_space<vmem>> -> memref<1x256x64xf32, #tpu.memory_space<vmem>>
    %dma_wait3A_55 = tpu.memref_squeeze %dma_wait3A_54 : memref<1x256x64xf32, #tpu.memory_space<vmem>> -> memref<256x64xf32, #tpu.memory_space<vmem>>
    tpu.wait_dma2 semaphore(%arg14 : memref<!tpu.dma_semaphore, #tpu.memory_space<semaphore_mem>>) src(%dma_wait3A_55 : memref<256x64xf32, #tpu.memory_space<vmem>>) dst(%dma_wait3A_51 : memref<256x64xf32, #tpu.memory_space<hbm>>)
    return
  }
}

</mosaic_0001>

<sc_bundles>
// kernel: kernel.3.cloned.1.call-start
scs
__scs_entry_jumppad:
0x0: {  	(pc) =	sbr.rel $0x88, $3  }
0x1: {  	(tag) =	ssettag $0x0;
	lr =	simm.s32 $0x1  }
0x2: {  	[smem:$0x3F9F] =	sst lr;
	_ =	strace $0xD0000000  }
0x3: {  	_ = 	snop  }
0x4: {  	_ = 	snop  }
0x5: {  	_ = 	snop  }
0x6: {  	_ = 	snop  }
0x7: {  	_ = 	snop  }
__scs_overlays_trampoline_lowered:
0x8: {  	[smem:$0x3FAE] =	sst s0  }
0x9: {  	[smem:$0x3FAF] =	sst s1  }
0xa: {  	[smem:$0x3FB0] =	sst s2  }
0xb: {  	[smem:$0x3FB1] =	sst s3  }
0xc: {  	[smem:$0x3FB2] =	sst s4  }
0xd: {  	[smem:$0x3FB3] =	sst s5  }
0xe: {  	[smem:$0x3FB4] =	sst s6  }
0xf: {  	[smem:$0x3FB5] =	sst s7  }
0x10: {  	[smem:$0x3FB6] =	sst s8  }
0x11: {  	[smem:$0x3FB7] =	sst s9;
	s0 =	simm.s32 @!p0 $0x0  }
0x12: {  	s1 =	sld [smem:$0x3F9D];
	s0 =	simm.s32 @p0 $0x1  }
0x13: {  	[smem:$0x3FB8] =	sst s0;
	s0 =	simm.s32 @!p1 $0x0  }
0x14: {  	s2 =	sld [smem:$0x3F9C];
	s0 =	simm.s32 @p1 $0x1  }
0x15: {  	[smem:$0x3FB9] =	sst s0;
	s0 =	simm.s32 @!p2 $0x0  }
0x16: {  	s3 =	sld [smem:$0x3FDB];
	s0 =	simm.s32 @p2 $0x1  }
0x17: {  	s4 =	simm.s32 $0x1BF5;
	[smem:$0x3FBB] =	sst s0  }
0x18: {  	s0 =	sld [smem:$0x3F9E];
	_ =	swait.ge [sflag:s4], $0x0  }
0x19: {  	s7 =	sld [smem:$0x3F9F]  }
0x1a: {  	s8 =	sadd.s32 $0xFFFFE003, lr  }
0x1b: {  	s9 =	sadd.s32 $0xFFFFFEF7, lr;
	s5 =	simm.s32 $0xFFFFFFFF;
	p2 =	slt.u32 s8, $0xFFFFF086  }
0x1c: {  	p1 =	slt.u32 s9, $0xF7A;
	s5 =	simm.s32 @!p2 $0x0  }
0x1d: {  	s5 =	simm.s32 @p1 $0x1;
	p0 =	seq.s32 s7, s2  }
0x1e: {  	s7 =	smul.u32 @!p0 $0xF7A, s2;
	p2 =	seq.s32 @!p0 s5, $0x0  }
0x1f: {  	s9 =	smul.u32 $0xF7A, s1;
	s8 =	simm.s32 @!p0 $0x1BF5;
	p2 =	por !p2, p0  }
0x20: {  	[sflag:s8] =	ssyncset.s32 @!p0 $0xFFFFF086;
	s6 =	sadd.s32 @!p0 s3, s7;
	s7 =	simm.s32 @!p0 $0x108  }
0x21: {  	s3 =	sadd.s32 s3, s9;
	s6 =	sadd.s32 @!p0 $0x88, s6;
	s7 =	simm.s32 @p2 $0x1082  }
0x22: {  	[simem:s7], [sflag:s8] =	dma.local @!p0 [hbm:s6], $0xF7A  }
0x23: {  	s9 =	sor.u32 $0xD0000000, s2;
	s6 =	simm.s32 $0x108;
	_ =	swait.ge @!p0 [sflag:s8], $0x0  }
0x24: {  	s3 =	sadd.s32 $0x88, s3;
	s6 =	simm.s32 @!p1 $0x1082;
	[sflag:s4] =	ssyncset.s32 $0xFFFFF086  }
0x25: {  	[simem:s6], [sflag:s4] =	dma.local [hbm:s3], $0xF7A  }
0x26: {  	[smem:$0x3F9F] =	sst s1;
	(tag) =	ssettag s2;
	_ =	strace s9  }
0x27: {  	s1 =	sld [smem:$0x3FAF]  }
0x28: {  	s2 =	sld [smem:$0x3FB0]  }
0x29: {  	s4 =	sld [smem:$0x3FB2]  }
0x2a: {  	p0 =	seq.s32 s5, $0x0;
	s5 =	sld [smem:$0x3FB3]  }
0x2b: {  	s6 =	sld [smem:$0x3FB4]  }
0x2c: {  	s7 =	sld [smem:$0x3FB5]  }
0x2d: {  	s3 =	simm.s32 $0x108;
	s8 =	sld [smem:$0x3FB6]  }
0x2e: {  	s3 =	simm.s32 @!p0 $0x1082;
	s9 =	sld [smem:$0x3FB7]  }
0x2f: {  	lr =	sadd.s32 s0, s3;
	s0 =	sld [smem:$0x3FAE]  }
0x30: {  	s3 =	sld [smem:$0x3FB1]  }
0x31: {  	[smem:$0x3FBA] =	sst s10  }
0x32: {  	s10 =	sld [smem:$0x3FB8];
	_ =	sdelay $0x3  }
0x33: {  	p0 =	seq.s32 s10, $0x1;
	s10 =	sld [smem:$0x3FBA];
	_ =	sdelay $0x3  }
0x34: {  	[smem:$0x3FBA] =	sst s10  }
0x35: {  	s10 =	sld [smem:$0x3FB9];
	_ =	sdelay $0x3  }
0x36: {  	p1 =	seq.s32 s10, $0x1;
	s10 =	sld [smem:$0x3FBA];
	_ =	sdelay $0x3  }
0x37: {  	[smem:$0x3FBA] =	sst s10  }
0x38: {  	s10 =	sld [smem:$0x3FBB]  }
0x39: {  	_ = 	snop;
	(pc) =	sbr.ind lr, $3  }
0x3a: {  	_ = 	snop  }
0x3b: {  	_ = 	snop  }
0x3c: {  	p2 =	seq.s32 s10, $0x1;
	s10 =	sld [smem:$0x3FBA]  }
0x3d: {  	_ =	shalt  }
0x3e: {  	_ =	shalt  }
0x3f: {  	_ =	shalt  }
0x40: {  	_ =	shalt  }
0x41: {  	_ =	shalt  }
0x42: {  	_ =	shalt  }
0x43: {  	_ =	shalt  }
0x44: {  	_ =	shalt  }
0x45: {  	_ =	shalt  }
0x46: {  	_ =	shalt  }
0x47: {  	_ =	shalt  }
0x48: {  	_ =	shalt  }
0x49: {  	_ =	shalt  }
0x4a: {  	_ =	shalt  }
0x4b: {  	_ =	shalt  }
0x4c: {  	_ =	shalt  }
0x4d: {  	_ =	shalt  }
0x4e: {  	_ =	shalt  }
0x4f: {  	_ =	shalt  }
0x50: {  	_ =	shalt  }
0x51: {  	_ =	shalt  }
0x52: {  	_ =	shalt  }
0x53: {  	_ =	shalt  }
0x54: {  	_ =	shalt  }
0x55: {  	_ =	shalt  }
0x56: {  	_ =	shalt  }
0x57: {  	_ =	shalt  }
0x58: {  	_ =	shalt  }
0x59: {  	_ =	shalt  }
0x5a: {  	_ =	shalt  }
0x5b: {  	_ =	shalt  }
0x5c: {  	_ =	shalt  }
0x5d: {  	_ =	shalt  }
0x5e: {  	_ =	shalt  }
0x5f: {  	_ =	shalt  }
0x60: {  	_ =	shalt  }
0x61: {  	_ =	shalt  }
0x62: {  	_ =	shalt  }
0x63: {  	_ =	shalt  }
0x64: {  	_ =	shalt  }
0x65: {  	_ =	shalt  }
0x66: {  	_ =	shalt  }
0x67: {  	_ =	shalt  }
0x68: {  	_ =	shalt  }
0x69: {  	_ =	shalt  }
0x6a: {  	_ =	shalt  }
0x6b: {  	_ =	shalt  }
0x6c: {  	_ =	shalt  }
0x6d: {  	_ =	shalt  }
0x6e: {  	_ =	shalt  }
0x6f: {  	_ =	shalt  }
0x70: {  	_ =	shalt  }
0x71: {  	_ =	shalt  }
0x72: {  	_ =	shalt  }
0x73: {  	_ =	shalt  }
0x74: {  	_ =	shalt  }
0x75: {  	_ =	shalt  }
0x76: {  	_ =	shalt  }
0x77: {  	_ =	shalt  }
0x78: {  	_ =	shalt  }
0x79: {  	_ =	shalt  }
0x7a: {  	_ =	shalt  }
0x7b: {  	_ =	shalt  }
0x7c: {  	_ =	shalt  }
0x7d: {  	_ =	shalt  }
0x7e: {  	_ =	shalt  }
0x7f: {  	_ =	shalt  }
0x80: {  	_ =	shalt  }
0x81: {  	_ =	shalt  }
0x82: {  	_ =	shalt  }
0x83: {  	_ =	shalt  }
0x84: {  	_ =	shalt  }
0x85: {  	_ =	shalt  }
0x86: {  	_ =	shalt  }
0x87: {  	_ =	shalt  }
.Lfunc_end0:
.L_simem_size_0:
called_computation.1_lowered:
.L_overlay_start_0:
0x88: {  	s2 =	sld [smem:$0x3FD9]  }
0x89: {  	s3 =	sld [smem:$0x3FFE];
	_ =	sdelay $0x1  }
0x8a: {  	s1 =	srdreg.scid  }
0x8b: {  	s0 =	sand.u32 $0x1, s1  }
0x8c: {  	s17 =	sshll.u32 s0, $0xA;
	s2 =	sadd.s32 s3, s2  }
0x8d: {  	s2 =	sadd.s32 s2, s17  }
0x8e: {  	[smem:$0x3FC6] =	sst s2  }
0x8f: {  	_ = 	snop  }
0x90: {  	s2 =	sld [smem:$0x3FD0];
	(tm) =	ssettm $0x1  }
0x91: {  	s18 =	sld [smem:$0x3FFB];
	_ =	sdelay $0x3  }
0x92: {  	_ =	strace s18  }
0x93: {  	s3 =	sld [smem:$0x3FFC];
	_ =	sdelay $0x3  }
0x94: {  	_ =	strace s3  }
0x95: {  	s3 =	sld [smem:$0x3FFD];
	_ =	sdelay $0x3  }
0x96: {  	_ =	strace s3  }
0x97: {  	_ =	strace $0x8FFFFFFF  }
0x98: {  	s19 =	sld [smem:$0x3FDB];
	_ =	sdelay $0x1  }
0x99: {  	s4 =	simm.s32 $_scs_section_size  }
0x9a: {  	s5 =	simm.s32 $_size__tile_overlayer_lowered;
	s6 =	simm.s32 $_tile_overlayer_lowered  }
0x9b: {  	s22 =	simm.s32 $0x1BFF;
	s21 =	sshll.u32 s6, $0x1;
	s3 =	sadd.s32 s4, s19  }
0x9c: {  	s7 =	simm.s32 $0x0;
	s20 =	sshll.u32 s5, $0x1;
	s5 =	sadd.s32 s21, s3  }
0x9d: {  	[timem:s7], [sflag:s22] =	dma.local [hbm:s5], s20  }
0x9e: {  	_ =	swait.ge [sflag:s22], s20  }
0x9f: {  	s4 =	ssub.s32 $0x0, s20;
	[sflag:s22] =	ssyncset.done $0x0  }
0xa0: {  	[sflag:s22] =	ssyncadd.s32 s4;
	_ =	sdelay $0x1  }
0xa1: {  	s23 =	simm.s32 $0x1B8B  }
0xa2: {  	_ =	swait.ge [sflag:s23], $0x1  }
0xa3: {  	[sflag:s23] =	ssyncset.done $0x0  }
0xa4: {  	s25 =	simm.s32 $0x1B8E;
	s24 =	sld [smem:$0x3FFE];
	[sflag:s23] =	ssyncadd.s32 $0xFFFFFFFF  }
0xa5: {  	s26 =	simm.s32 $execute0_lowered;
	[smem:$0x3FD2] =	sst s25  }
0xa6: {  	s5 =	sshll.u32 s26, $0x1;
	_ =	strace $0x80000046;
	[dreg:$0x1] =	wrdreg $0xFFFFFFFF  }
0xa7: {  	s28 =	simm.s32 $_size_execute0_lowered;
	s3 =	sadd.s32 s3, s5;
	[dreg:$0x0] =	wrdreg $0x0  }
0xa8: {  	s5 =	sshll.u32 s28, $0x1;
	[dreg:$0x2] =	wrdreg s3  }
0xa9: {  	[dreg:$0x3] =	wrdreg s5  }
0xaa: {  	[dreg:$0x4] =	wrdreg $0xC0  }
0xab: {  	_ =	task [dreg:s7], $0x5FFFF  }
0xac: {  	[dreg:$0x1] =	wrdreg $0xFFFFFFFF  }
0xad: {  	[dreg:$0x0] =	wrdreg $0x60  }
0xae: {  	[dreg:$0x2] =	wrdreg s24  }
0xaf: {  	[dreg:$0x3] =	wrdreg s2  }
0xb0: {  	[dreg:$0x4] =	wrdreg $0x9  }
0xb1: {  	_ =	task.clear_ibuf [dreg:s7], $0x5FFFF;
	_ =	strace $0x90000046  }
0xb2: {  	s29 =	simm.s32 $0x9;
	_ =	strace $0x80000048  }
0xb3: {  	_ =	swait.ge [sflag:s29], $0x1  }
0xb4: {  	[sflag:s29] =	ssyncadd.s32 $0xFFFFFFFF  }
0xb5: {  	_ =	strace $0x90000048  }
0xb6: {  	_ =	sfence  }
0xb7: {  	s30 =	sld [smem:$0x0];
	_ =	sdelay $0x2  }
0xb8: {  	s31 =	sshll.u32 s1, $0xD;
	s1 =	sshrl.u32 s1, $0x2  }
0xb9: {  	s3 =	sand.u32 $0x4000, s31;
	s1 =	sadd.s32 s1, s30  }
0xba: {  	s0 =	sor.u32 s3, s0;
	s1 =	sshll.u32 s1, $0x11  }
0xbb: {  	s0 =	sor.u32 s1, s0  }
0xbc: {  	s0 =	sadd.s32 $0x8F2B, s0  }
0xbd: {  	[sflag:s0] =	ssyncadd.remote.s32 $0x1  }
0xbe: {  	_ =	sfence.sel $0xFFFF  }
0xbf: {  	[dreg:$0x0] =	wrdreg $0xFFFFFFFF;
	(pc) =	sbr.abs _section_cstart, $3  }
0xc0: {  	[dreg:$0x1] =	wrdreg $0xFFFFFFFF  }
0xc1: {  	_ =	task.clear_ibuf [dreg:s7], $0x2FFFF;
	_ =	strace $0x9FFFFFFF  }
0xc2: {  	(tm) =	ssettm $0x7FFFFFFF  }
0xc3: {  	_ =	shalt  }
tec
execute0_lowered:
.L_overlay_start_1:
0x0: {  	(tag) =	ssettag $0x1  }
0x1: {  	s5 =	rddreg [dreg:$0x0];
	s1 =	srdreg.scid  }
0x2: {  	s0 =	stileid.u32;
	s2 =	rddreg [dreg:$0x1];
	s3 =	simm.s32 $0x0  }
0x3: {  	s10 =	simm.s32 $0x100;
	s11 =	simm.s32 $0x6400;
	s12 =	simm.s32 $0xA400  }
0x4: {  	s13 =	simm.s32 $0xE400;
	s14 =	simm.s32 $0x1;
	s15 =	simm.s32 $0x12400  }
0x5: {  	s16 =	simm.s32 $0x2;
	s17 =	simm.s32 $0x5;
	s18 =	simm.s32 $0x3  }
0x6: {  	s19 =	simm.s32 $0x6;
	s20 =	simm.s32 $0x4;
	s21 =	simm.s32 $0x7  }
0x7: {  	s22 =	simm.s32 $0x8;
	s4 =	sand.u32 $0x1, s1;
	s6 =	sshll.u32 s0, $0x1  }
0x8: {  	s23 =	simm.s32 $0x0;
	[smem:$0x7FF] =	sst s3;
	s6 =	sor.u32 s4, s6  }
0x9: {  	s1 =	rddreg [dreg:$0x2];
	_ =	strace $0x80000047;
	s7 =	smul.u32 $0xC80, s6  }
0xa: {  	s8 =	ssub.s32 $0x2, s4;
	s4 =	sadd.s32 $0xF42E00, s5;
	s9 =	smul.u32 $0x32000, s6  }
0xb: {  	s30 =	sshrl.u32 s8, $0x1;
	s6 =	smul.u32 $0x190000, s6;
	s5 =	sadd.s32 s7, s5  }
0xc: {  	s7 =	ssub.s32 s8, s30;
	s31 =	sadd.s32 s9, s2;
	s9 =	simm.s32 $0x9  }
0xd: {  	s5 =	sadd.s32 $0xA00, s5;
	s7 =	smax.u32 s7, $0x1;
	s8 =	sadd.s32 $0x800, s31  }
.LBB2_1:
0xe: {  	[tilespmem:s3], [sflag:$0x9] =	stream.linear.gather [hbm4b:s5+s3], $0x6400, $0x38;
	[tilespmem:$0x16400] =	vst v63  }
0xf: {  	_ =	swait.ge [sflag:s9], $0x6400  }
0x10: {  	[sflag:s9] =	ssyncset.done $0x0  }
0x11: {  	[sflag:s9] =	ssyncadd.s32 $0xFFFF9C00  }
0x12: {  	[tilespmem:s11], [sflag:$0x1] =	stream.indirect.gather [hbm4b:s4+s10], $0x40, s3, s10, $0xb8;
	[tilespmem:$0x16400] =	vst v63  }
0x13: {  	s24 =	simm.s32 $0x0  }
0x14: {  	[tilespmem:s12], [sflag:$0x2] =	stream.indirect.gather [hbm4b:s4+s10], $0x40, s10, s10, $0xb8;
	[tilespmem:$0x16400] =	vst v63  }
.LBB2_2:
0x15: {  	p0 =	seq.s32 s24, $0x0  }
0x16: {  	s26 =	sshll.u32 s24, $0x2;
	s28 =	simm.s32 @!p0 $0x7  }
0x17: {  	s25 =	sor.u32 $0x2, s26;
	_ =	swait.ge @!p0 [sflag:s28], $0x4000  }
0x18: {  	s29 =	sshll.u32 s25, $0x8;
	[sflag:s28] =	ssyncset.done @!p0 $0x0  }
0x19: {  	[sflag:s28] =	ssyncadd.s32 @!p0 $0xFFFFC000;
	s28 =	sand.u32 $0x3FFFFF00, s29  }
0x1a: {  	[tilespmem:s13], [sflag:$0x3] =	stream.indirect.gather [hbm4b:s4+s10], $0x40, s28, s10, $0xb8;
	[tilespmem:$0x16400] =	vst v63  }
0x1b: {  	_ =	swait.ge [sflag:s14], $0x4000  }
0x1c: {  	[sflag:s14] =	ssyncset.done $0x0  }
0x1d: {  	s28 =	simm.s32 $0x6500;
	[sflag:s14] =	ssyncadd.s32 $0xFFFFC000  }
0x1e: {  	v0 =	vld [tilespmem:s28+$0xFFFFFF00]  }
0x1f: {  	v1 =	vld [tilespmem:s28+$0xFFFFFF10]  }
0x20: {  	v2 =	vld [tilespmem:s28+$0xFFFFFF20]  }
0x21: {  	v3 =	vld [tilespmem:s28+$0xFFFFFF30]  }
0x22: {  	v4 =	vld [tilespmem:s28+$0xFFFFFF40]  }
0x23: {  	v5 =	vld [tilespmem:s28+$0xFFFFFF50];
	v0 =	vmul.f32 $8.000000000e+00, v0  }
0x24: {  	v6 =	vld [tilespmem:s28+$0xFFFFFF60];
	v1 =	vmul.f32 $8.000000000e+00, v1  }
0x25: {  	[tilespmem:s28+$0xFFFFFF00] =	vst v0;
	v0 =	vmul.f32 $8.000000000e+00, v2;
	v2 =	vld [tilespmem:s28+$0xFFFFFF70]  }
0x26: {  	[tilespmem:s28+$0xFFFFFF10] =	vst v1;
	v1 =	vmul.f32 $8.000000000e+00, v3;
	v3 =	vld [tilespmem:s28+$0xFFFFFF80]  }
0x27: {  	[tilespmem:s28+$0xFFFFFF20] =	vst v0;
	v0 =	vmul.f32 $8.000000000e+00, v4;
	v4 =	vld [tilespmem:s28+$0xFFFFFF90]  }
0x28: {  	[tilespmem:s28+$0xFFFFFF30] =	vst v1;
	v1 =	vmul.f32 $8.000000000e+00, v5;
	v5 =	vld [tilespmem:s28+$0xFFFFFFA0]  }
0x29: {  	[tilespmem:s28+$0xFFFFFF40] =	vst v0;
	v0 =	vmul.f32 $8.000000000e+00, v6;
	v6 =	vld [tilespmem:s28+$0xFFFFFFB0]  }
0x2a: {  	[tilespmem:s28+$0xFFFFFF50] =	vst v1;
	v1 =	vmul.f32 $8.000000000e+00, v2;
	v2 =	vld [tilespmem:s28+$0xFFFFFFC0]  }
0x2b: {  	[tilespmem:s28+$0xFFFFFF60] =	vst v0;
	v0 =	vmul.f32 $8.000000000e+00, v3;
	v3 =	vld [tilespmem:s28+$0xFFFFFFD0]  }
0x2c: {  	[tilespmem:s28+$0xFFFFFF70] =	vst v1;
	v1 =	vmul.f32 $8.000000000e+00, v4;
	v4 =	vld [tilespmem:s28+$0xFFFFFFE0]  }
0x2d: {  	[tilespmem:s28+$0xFFFFFF80] =	vst v0;
	v0 =	vmul.f32 $8.000000000e+00, v5;
	v5 =	vld [tilespmem:s28+$0x0]  }
0x2e: {  	[tilespmem:s28+$0xFFFFFF90] =	vst v1;
	v1 =	vmul.f32 $8.000000000e+00, v6;
	v6 =	vld [tilespmem:s28+$0x10]  }
0x2f: {  	[tilespmem:s28+$0xFFFFFFA0] =	vst v0;
	v0 =	vmul.f32 $8.000000000e+00, v2;
	v2 =	vld [tilespmem:s28+$0x20]  }
0x30: {  	[tilespmem:s28+$0xFFFFFFB0] =	vst v1;
	v1 =	vmul.f32 $8.000000000e+00, v3;
	v3 =	vld [tilespmem:s28+$0x30]  }
0x31: {  	[tilespmem:s28+$0xFFFFFFC0] =	vst v0;
	v0 =	vmul.f32 $8.000000000e+00, v4;
	v4 =	vld [tilespmem:s28+$0x40]  }
0x32: {  	[tilespmem:s28+$0xFFFFFFD0] =	vst v1;
	v1 =	vmul.f32 $8.000000000e+00, v5;
	v5 =	vld [tilespmem:s28+$0x50]  }
0x33: {  	[tilespmem:s28+$0xFFFFFFE0] =	vst v0;
	v0 =	vmul.f32 $8.000000000e+00, v6;
	v6 =	vld [tilespmem:s28+$0x60]  }
0x34: {  	[tilespmem:s28+$0x0] =	vst v1;
	v1 =	vmul.f32 $8.000000000e+00, v2;
	v2 =	vld [tilespmem:s28+$0x70]  }
0x35: {  	[tilespmem:s28+$0x10] =	vst v0;
	v0 =	vmul.f32 $8.000000000e+00, v3;
	v3 =	vld [tilespmem:s28+$0x80]  }
0x36: {  	[tilespmem:s28+$0x20] =	vst v1;
	v1 =	vmul.f32 $8.000000000e+00, v4;
	v4 =	vld [tilespmem:s28+$0x90]  }
0x37: {  	[tilespmem:s28+$0x30] =	vst v0;
	v0 =	vmul.f32 $8.000000000e+00, v5;
	v5 =	vld [tilespmem:s28+$0xA0]  }
0x38: {  	[tilespmem:s28+$0x40] =	vst v1;
	v1 =	vmul.f32 $8.000000000e+00, v6;
	v6 =	vld [tilespmem:s28+$0xB0]  }
0x39: {  	[tilespmem:s28+$0x50] =	vst v0;
	v2 =	vmul.f32 $8.000000000e+00, v2;
	v0 =	vld [tilespmem:s28+$0xC0]  }
0x3a: {  	[tilespmem:s28+$0x60] =	vst v1;
	v3 =	vmul.f32 $8.000000000e+00, v3;
	v1 =	vld [tilespmem:s28+$0xD0]  }
0x3b: {  	[tilespmem:s28+$0x70] =	vst v2;
	v7 =	vmul.f32 $8.000000000e+00, v4;
	v2 =	vld [tilespmem:s28+$0xE0]  }
0x3c: {  	[tilespmem:s28+$0x80] =	vst v3;
	v3 =	vld [tilespmem:s28+$0xF0];
	v5 =	vmul.f32 $8.000000000e+00, v5  }
0x3d: {  	s30 =	simm.s32 $0x6700;
	s29 =	simm.s32 $0x0;
	v4 =	vld [tilespmem:s28+$0xFFFFFFF0];
	[tilespmem:s28+$0x90] =	vst v7;
	v6 =	vmul.f32 $8.000000000e+00, v6  }
.LBB2_3:
0x3e: {  	v7 =	vld [tilespmem:s30+$0xFFFFFF00];
	[tilespmem:s28+$0xA0] =	vst v5;
	v0 =	vmul.f32 $8.000000000e+00, v0  }
0x3f: {  	v5 =	vld [tilespmem:s30+$0xFFFFFF10];
	[tilespmem:s28+$0xB0] =	vst v6;
	v1 =	vmul.f32 $8.000000000e+00, v1  }
0x40: {  	v6 =	vld [tilespmem:s30+$0xFFFFFF20];
	[tilespmem:s28+$0xC0] =	vst v0;
	v0 =	vmul.f32 $8.000000000e+00, v2  }
0x41: {  	v2 =	vld [tilespmem:s30+$0xFFFFFF30];
	[tilespmem:s28+$0xD0] =	vst v1;
	v1 =	vmul.f32 $8.000000000e+00, v3  }
0x42: {  	v3 =	vld [tilespmem:s30+$0xFFFFFF40];
	v4 =	vmul.f32 $8.000000000e+00, v4;
	[tilespmem:s28+$0xE0] =	vst v0  }
0x43: {  	v0 =	vmul.f32 $8.000000000e+00, v7;
	v7 =	vld [tilespmem:s30+$0xFFFFFF50];
	[tilespmem:s28+$0xF0] =	vst v1  }
0x44: {  	v1 =	vmul.f32 $8.000000000e+00, v5;
	v5 =	vld [tilespmem:s30+$0xFFFFFF60];
	[tilespmem:s28+$0xFFFFFFF0] =	vst v4;
	s28 =	smov.u32 s30  }
0x45: {  	[tilespmem:s30+$0xFFFFFF00] =	vst v0;
	v0 =	vmul.f32 $8.000000000e+00, v6;
	v4 =	vld [tilespmem:s30+$0xFFFFFF70]  }
0x46: {  	[tilespmem:s30+$0xFFFFFF10] =	vst v1;
	v1 =	vmul.f32 $8.000000000e+00, v2;
	v2 =	vld [tilespmem:s30+$0xFFFFFF80]  }
0x47: {  	[tilespmem:s30+$0xFFFFFF20] =	vst v0;
	v0 =	vmul.f32 $8.000000000e+00, v3;
	v3 =	vld [tilespmem:s30+$0xFFFFFF90]  }
0x48: {  	[tilespmem:s30+$0xFFFFFF30] =	vst v1;
	v1 =	vmul.f32 $8.000000000e+00, v7;
	v6 =	vld [tilespmem:s30+$0xFFFFFFA0]  }
0x49: {  	[tilespmem:s30+$0xFFFFFF40] =	vst v0;
	v0 =	vmul.f32 $8.000000000e+00, v5;
	v5 =	vld [tilespmem:s30+$0xFFFFFFB0]  }
0x4a: {  	[tilespmem:s30+$0xFFFFFF50] =	vst v1;
	v1 =	vmul.f32 $8.000000000e+00, v4;
	v4 =	vld [tilespmem:s30+$0xFFFFFFC0]  }
0x4b: {  	[tilespmem:s30+$0xFFFFFF60] =	vst v0;
	v0 =	vmul.f32 $8.000000000e+00, v2;
	v2 =	vld [tilespmem:s30+$0xFFFFFFD0]  }
0x4c: {  	[tilespmem:s30+$0xFFFFFF70] =	vst v1;
	v1 =	vmul.f32 $8.000000000e+00, v3;
	v3 =	vld [tilespmem:s30+$0xFFFFFFE0]  }
0x4d: {  	[tilespmem:s30+$0xFFFFFF80] =	vst v0;
	v0 =	vmul.f32 $8.000000000e+00, v6;
	v6 =	vld [tilespmem:s30+$0x0]  }
0x4e: {  	[tilespmem:s30+$0xFFFFFF90] =	vst v1;
	v1 =	vmul.f32 $8.000000000e+00, v5;
	v5 =	vld [tilespmem:s30+$0x10]  }
0x4f: {  	[tilespmem:s30+$0xFFFFFFA0] =	vst v0;
	v0 =	vmul.f32 $8.000000000e+00, v4;
	v4 =	vld [tilespmem:s30+$0x20]  }
0x50: {  	[tilespmem:s30+$0xFFFFFFB0] =	vst v1;
	v1 =	vmul.f32 $8.000000000e+00, v2;
	v2 =	vld [tilespmem:s30+$0x30]  }
0x51: {  	[tilespmem:s30+$0xFFFFFFC0] =	vst v0;
	v0 =	vmul.f32 $8.000000000e+00, v3;
	v3 =	vld [tilespmem:s30+$0x40]  }
0x52: {  	[tilespmem:s30+$0xFFFFFFD0] =	vst v1;
	v1 =	vmul.f32 $8.000000000e+00, v6;
	v6 =	vld [tilespmem:s30+$0x50]  }
0x53: {  	[tilespmem:s30+$0xFFFFFFE0] =	vst v0;
	v0 =	vmul.f32 $8.000000000e+00, v5;
	v5 =	vld [tilespmem:s30+$0x60]  }
0x54: {  	[tilespmem:s30+$0x0] =	vst v1;
	v1 =	vmul.f32 $8.000000000e+00, v4;
	v4 =	vld [tilespmem:s30+$0x70]  }
0x55: {  	[tilespmem:s30+$0x10] =	vst v0;
	v0 =	vmul.f32 $8.000000000e+00, v2;
	v2 =	vld [tilespmem:s30+$0x80]  }
0x56: {  	[tilespmem:s30+$0x20] =	vst v1;
	v1 =	vmul.f32 $8.000000000e+00, v3;
	v3 =	vld [tilespmem:s30+$0x90]  }
0x57: {  	s29 =	sadd.s32 $0x8, s29;
	[tilespmem:s30+$0x30] =	vst v0;
	v0 =	vmul.f32 $8.000000000e+00, v6;
	v6 =	vld [tilespmem:s30+$0xA0]  }
0x58: {  	p1 =	slt.u32 s29, $0xF8;
	[tilespmem:s30+$0x40] =	vst v1;
	v1 =	vmul.f32 $8.000000000e+00, v5;
	v7 =	vld [tilespmem:s30+$0xB0]  }
.Ltmp0:
0x59: {  	[tilespmem:s30+$0x50] =	vst v0;
	v4 =	vmul.f32 $8.000000000e+00, v4;
	v0 =	vld [tilespmem:s30+$0xC0];
	(pc) =	sbr.rel @p1 .LBB2_3-.Ltmp0, $4  }
0x5a: {  	[tilespmem:s30+$0x60] =	vst v1;
	v5 =	vmul.f32 $8.000000000e+00, v2;
	v1 =	vld [tilespmem:s30+$0xD0]  }
0x5b: {  	[tilespmem:s30+$0x70] =	vst v4;
	v8 =	vmul.f32 $8.000000000e+00, v3;
	v2 =	vld [tilespmem:s30+$0xE0]  }
0x5c: {  	[tilespmem:s30+$0x80] =	vst v5;
	v5 =	vmul.f32 $8.000000000e+00, v6;
	v3 =	vld [tilespmem:s30+$0xF0]  }
0x5d: {  	s30 =	sadd.s32 $0x200, s30;
	v4 =	vld [tilespmem:s28+$0xFFFFFFF0];
	[tilespmem:s28+$0x90] =	vst v8;
	v6 =	vmul.f32 $8.000000000e+00, v7  }
0x5e: {  	[tilespmem:s28+$0xA0] =	vst v5;
	v0 =	vmul.f32 $8.000000000e+00, v0  }
0x5f: {  	[tilespmem:s28+$0xB0] =	vst v6;
	v1 =	vmul.f32 $8.000000000e+00, v1  }
0x60: {  	[tilespmem:s28+$0xC0] =	vst v0;
	v0 =	vmul.f32 $8.000000000e+00, v2  }
0x61: {  	s29 =	sshll.u32 s24, $0x10;
	[tilespmem:s28+$0xD0] =	vst v1;
	v1 =	vmul.f32 $8.000000000e+00, v3  }
0x62: {  	s29 =	sadd.s32 s6, s29;
	v2 =	vmul.f32 $8.000000000e+00, v4;
	[tilespmem:s28+$0xE0] =	vst v0  }
0x63: {  	s29 =	sshrl.u32 s29, $0x3;
	[tilespmem:s28+$0xF0] =	vst v1  }
0x64: {  	[tilespmem:s28+$0xFFFFFFF0] =	vst v2;
	s28 =	sadd.s32 s2, s29  }
0x65: {  	[hbm4b:s28+s3] =	stream.linear.scatter [tilespmem:s11], [sflag:$0x5], $0x4000, $0x38;
	[tilespmem:$0x16400] =	vst v63  }
0x66: {  	s28 =	simm.s32 @!p0 $0x8  }
0x67: {  	s26 =	sor.u32 $0x3, s26;
	_ =	swait.ge @!p0 [sflag:s28], $0x4000  }
0x68: {  	s29 =	sshll.u32 s26, $0x8;
	[sflag:s28] =	ssyncset.done @!p0 $0x0  }
0x69: {  	[sflag:s28] =	ssyncadd.s32 @!p0 $0xFFFFC000;
	s28 =	sand.u32 $0x3FFFFF00, s29  }
0x6a: {  	[tilespmem:s15], [sflag:$0x4] =	stream.indirect.gather [hbm4b:s4+s10], $0x40, s28, s10, $0xb8;
	[tilespmem:$0x16400] =	vst v63  }
0x6b: {  	_ =	swait.ge [sflag:s16], $0x4000  }
0x6c: {  	[sflag:s16] =	ssyncset.done $0x0  }
0x6d: {  	s28 =	simm.s32 $0xA400;
	[sflag:s16] =	ssyncadd.s32 $0xFFFFC000  }
0x6e: {  	v0 =	vld [tilespmem:s28+$0x1A0]  }
0x6f: {  	v1 =	vld [tilespmem:s28+$0xA0]  }
0x70: {  	v2 =	vld [tilespmem:s28+$0x90]  }
0x71: {  	v3 =	vld [tilespmem:s28+$0x80]  }
0x72: {  	v4 =	vld [tilespmem:s28+$0xB0]  }
0x73: {  	v5 =	vld [tilespmem:s28+$0x70]  }
0x74: {  	v6 =	vld [tilespmem:s28+$0xC0]  }
0x75: {  	v12 =	vld [tilespmem:s28+$0x60]  }
0x76: {  	v7 =	vld [tilespmem:s28+$0xD0]  }
0x77: {  	v8 =	vld [tilespmem:s28+$0xE0]  }
0x78: {  	v9 =	vld [tilespmem:s28+$0x1D0]  }
0x79: {  	v10 =	vld [tilespmem:s28+$0x1E0]  }
0x7a: {  	v11 =	vld [tilespmem:s28+$0x0]  }
0x7b: {  	v13 =	vld [tilespmem:s28+$0xF0]  }
0x7c: {  	v14 =	vld [tilespmem:s28+$0x100];
	v0 =	vmul.f32 $8.000000000e+00, v0  }
0x7d: {  	v15 =	vld [tilespmem:s28+$0x110];
	v9 =	vmul.f32 $8.000000000e+00, v9  }
0x7e: {  	v16 =	vld [tilespmem:s28+$0x120];
	v17 =	vmul.f32 $8.000000000e+00, v8;
	[tilespmem:s28+$0x1A0] =	vst v0  }
0x7f: {  	v18 =	vld [tilespmem:s28+$0x30];
	v6 =	vmul.f32 $8.000000000e+00, v6;
	[tilespmem:s28+$0x1D0] =	vst v9  }
0x80: {  	v21 =	vld [tilespmem:s28+$0x1B0];
	v0 =	vmul.f32 $8.000000000e+00, v10;
	[tilespmem:s28+$0xE0] =	vst v17  }
0x81: {  	v10 =	vmul.f32 $8.000000000e+00, v11;
	v11 =	vld [tilespmem:s28+$0x130];
	[tilespmem:s28+$0xC0] =	vst v6  }
0x82: {  	v9 =	vmul.f32 $8.000000000e+00, v13;
	v13 =	vld [tilespmem:s28+$0x140];
	[tilespmem:s28+$0x1E0] =	vst v0  }
0x83: {  	[tilespmem:s28+$0x0] =	vst v10;
	v0 =	vmul.f32 $8.000000000e+00, v14;
	v10 =	vld [tilespmem:s28+$0x150]  }
0x84: {  	[tilespmem:s28+$0xF0] =	vst v9;
	v9 =	vmul.f32 $8.000000000e+00, v15;
	v14 =	vld [tilespmem:s28+$0x1F0]  }
0x85: {  	v19 =	vld [tilespmem:s28+$0x20];
	v8 =	vmul.f32 $8.000000000e+00, v1;
	[tilespmem:s28+$0x100] =	vst v0;
	v0 =	vmul.f32 $8.000000000e+00, v16  }
0x86: {  	v20 =	vld [tilespmem:s28+$0x10];
	v1 =	vmul.f32 $8.000000000e+00, v18;
	[tilespmem:s28+$0x110] =	vst v9;
	v9 =	vmul.f32 $8.000000000e+00, v11  }
0x87: {  	v6 =	vmul.f32 $8.000000000e+00, v21;
	v15 =	vld [tilespmem:s28+$0x50];
	[tilespmem:s28+$0x120] =	vst v0;
	v0 =	vmul.f32 $8.000000000e+00, v13  }
0x88: {  	v16 =	vld [tilespmem:s28+$0x40];
	v13 =	vmul.f32 $8.000000000e+00, v7;
	[tilespmem:s28+$0x130] =	vst v9;
	v7 =	vmul.f32 $8.000000000e+00, v10  }
0x89: {  	v11 =	vld [tilespmem:s28+$0x190];
	v9 =	vmul.f32 $8.000000000e+00, v2;
	[tilespmem:s28+$0x140] =	vst v0;
	v0 =	vmul.f32 $8.000000000e+00, v14  }
0x8a: {  	[tilespmem:s28+$0x150] =	vst v7;
	v7 =	vmul.f32 $8.000000000e+00, v5;
	v5 =	vmul.f32 $8.000000000e+00, v12;
	v12 =	vld [tilespmem:s28+$0x1C0]  }
0x8b: {  	v10 =	vmul.f32 $8.000000000e+00, v3;
	v14 =	vmul.f32 $8.000000000e+00, v4;
	[tilespmem:s28+$0xD0] =	vst v13;
	v13 =	vld [tilespmem:s28+$0x180]  }
0x8c: {  	v2 =	vmul.f32 $8.000000000e+00, v15;
	v3 =	vmul.f32 $8.000000000e+00, v19;
	v15 =	vld [tilespmem:s28+$0x170];
	[tilespmem:s28+$0x1F0] =	vst v0  }
0x8d: {  	s30 =	simm.s32 $0xA600;
	s29 =	simm.s32 $0x0;
	v4 =	vmul.f32 $8.000000000e+00, v20;
	v0 =	vmul.f32 $8.000000000e+00, v16;
	[tilespmem:s28+$0xB0] =	vst v14;
	v14 =	vld [tilespmem:s28+$0x160]  }
.LBB2_5:
0x8e: {  	v16 =	vld [tilespmem:s30+$0x1A0];
	s29 =	sadd.s32 $0x8, s29;
	[tilespmem:s28+$0xA0] =	vst v8;
	v8 =	vmul.f32 $8.000000000e+00, v11  }
0x8f: {  	v11 =	vld [tilespmem:s30+$0xA0];
	p0 =	slt.u32 s29, $0xF8;
	[tilespmem:s28+$0x90] =	vst v9;
	v9 =	vmul.f32 $8.000000000e+00, v12  }
0x90: {  	v12 =	vld [tilespmem:s30+$0x90];
	[tilespmem:s28+$0x80] =	vst v10;
	v10 =	vmul.f32 $8.000000000e+00, v13  }
0x91: {  	v13 =	vld [tilespmem:s30+$0x80];
	v15 =	vmul.f32 $8.000000000e+00, v15;
	[tilespmem:s28+$0x1C0] =	vst v9  }
0x92: {  	v9 =	vld [tilespmem:s30+$0xB0];
	[tilespmem:s28+$0x70] =	vst v7;
	v7 =	vmul.f32 $8.000000000e+00, v14  }
0x93: {  	v14 =	vld [tilespmem:s30+$0x70];
	v16 =	vmul.f32 $8.000000000e+00, v16;
	[tilespmem:s28+$0x180] =	vst v10  }
0x94: {  	v10 =	vld [tilespmem:s30+$0xC0];
	[tilespmem:s28+$0x60] =	vst v5  }
0x95: {  	v5 =	vld [tilespmem:s30+$0x60];
	[tilespmem:s28+$0x170] =	vst v15  }
0x96: {  	v15 =	vld [tilespmem:s30+$0xD0];
	[tilespmem:s28+$0x50] =	vst v2  }
0x97: {  	v2 =	vld [tilespmem:s30+$0xE0];
	[tilespmem:s28+$0x160] =	vst v7  }
0x98: {  	v7 =	vld [tilespmem:s30+$0x1D0];
	[tilespmem:s28+$0x40] =	vst v0  }
0x99: {  	v0 =	vld [tilespmem:s30+$0x1E0];
	[tilespmem:s28+$0x30] =	vst v1  }
0x9a: {  	v1 =	vld [tilespmem:s30+$0x0];
	[tilespmem:s28+$0x20] =	vst v3  }
0x9b: {  	v3 =	vld [tilespmem:s30+$0xF0];
	[tilespmem:s28+$0x190] =	vst v8  }
0x9c: {  	v8 =	vld [tilespmem:s30+$0x100];
	[tilespmem:s28+$0x10] =	vst v4  }
0x9d: {  	v4 =	vld [tilespmem:s30+$0x110];
	v7 =	vmul.f32 $8.000000000e+00, v7;
	[tilespmem:s28+$0x1B0] =	vst v6;
	s28 =	smov.u32 s30  }
0x9e: {  	v6 =	vld [tilespmem:s30+$0x120];
	[tilespmem:s30+$0x1A0] =	vst v16;
	v0 =	vmul.f32 $8.000000000e+00, v0  }
0x9f: {  	v16 =	vmul.f32 $8.000000000e+00, v2;
	v1 =	vmul.f32 $8.000000000e+00, v1;
	v2 =	vld [tilespmem:s30+$0x130];
	[tilespmem:s30+$0x1D0] =	vst v7  }
0xa0: {  	v15 =	vmul.f32 $8.000000000e+00, v15;
	v3 =	vmul.f32 $8.000000000e+00, v3;
	v7 =	vld [tilespmem:s30+$0x140];
	[tilespmem:s30+$0x1E0] =	vst v0  }
0xa1: {  	v17 =	vmul.f32 $8.000000000e+00, v10;
	[tilespmem:s30+$0x0] =	vst v1;
	v0 =	vmul.f32 $8.000000000e+00, v8;
	v1 =	vld [tilespmem:s30+$0x150]  }
0xa2: {  	v18 =	vmul.f32 $8.000000000e+00, v9;
	[tilespmem:s30+$0xF0] =	vst v3;
	v3 =	vmul.f32 $8.000000000e+00, v4;
	v4 =	vld [tilespmem:s30+$0x1F0]  }
0xa3: {  	v8 =	vmul.f32 $8.000000000e+00, v11;
	v19 =	vld [tilespmem:s30+$0x50];
	[tilespmem:s30+$0x100] =	vst v0;
	v0 =	vmul.f32 $8.000000000e+00, v6  }
0xa4: {  	v9 =	vmul.f32 $8.000000000e+00, v12;
	v6 =	vld [tilespmem:s30+$0x40];
	[tilespmem:s30+$0x110] =	vst v3;
	v2 =	vmul.f32 $8.000000000e+00, v2  }
0xa5: {  	v10 =	vmul.f32 $8.000000000e+00, v13;
	v3 =	vld [tilespmem:s30+$0x30];
	[tilespmem:s30+$0x120] =	vst v0;
	v0 =	vmul.f32 $8.000000000e+00, v7  }
0xa6: {  	v7 =	vmul.f32 $8.000000000e+00, v14;
	v13 =	vld [tilespmem:s30+$0x20];
	[tilespmem:s30+$0x130] =	vst v2;
	v1 =	vmul.f32 $8.000000000e+00, v1  }
0xa7: {  	v5 =	vmul.f32 $8.000000000e+00, v5;
	v14 =	vld [tilespmem:s30+$0x10];
	[tilespmem:s30+$0x140] =	vst v0;
	v4 =	vmul.f32 $8.000000000e+00, v4  }
0xa8: {  	v2 =	vmul.f32 $8.000000000e+00, v19;
	[tilespmem:s30+$0x150] =	vst v1;
	v19 =	vld [tilespmem:s30+$0x1B0]  }
.Ltmp1:
0xa9: {  	v0 =	vmul.f32 $8.000000000e+00, v6;
	v11 =	vld [tilespmem:s30+$0x190];
	[tilespmem:s30+$0x1F0] =	vst v4;
	(pc) =	sbr.rel @p0 .LBB2_5-.Ltmp1, $4  }
0xaa: {  	v1 =	vmul.f32 $8.000000000e+00, v3;
	[tilespmem:s30+$0xE0] =	vst v16;
	v12 =	vld [tilespmem:s30+$0x1C0]  }
0xab: {  	v3 =	vmul.f32 $8.000000000e+00, v13;
	[tilespmem:s30+$0xD0] =	vst v15;
	v13 =	vld [tilespmem:s30+$0x180]  }
0xac: {  	v4 =	vmul.f32 $8.000000000e+00, v14;
	[tilespmem:s30+$0xC0] =	vst v17;
	v15 =	vld [tilespmem:s30+$0x170]  }
0xad: {  	s30 =	sadd.s32 $0x200, s30;
	[tilespmem:s28+$0xB0] =	vst v18;
	v14 =	vld [tilespmem:s28+$0x160];
	v6 =	vmul.f32 $8.000000000e+00, v19  }
0xae: {  	[tilespmem:s28+$0xA0] =	vst v8  }
0xaf: {  	[tilespmem:s28+$0x90] =	vst v9  }
0xb0: {  	[tilespmem:s28+$0x80] =	vst v10  }
0xb1: {  	[tilespmem:s28+$0x70] =	vst v7  }
0xb2: {  	[tilespmem:s28+$0x60] =	vst v5  }
0xb3: {  	[tilespmem:s28+$0x50] =	vst v2  }
0xb4: {  	[tilespmem:s28+$0x40] =	vst v0  }
0xb5: {  	[tilespmem:s28+$0x30] =	vst v1  }
0xb6: {  	[tilespmem:s28+$0x20] =	vst v3  }
0xb7: {  	v0 =	vmul.f32 $8.000000000e+00, v11;
	[tilespmem:s28+$0x10] =	vst v4  }
0xb8: {  	v8 =	vmul.f32 $8.000000000e+00, v12;
	[tilespmem:s28+$0x1B0] =	vst v6  }
0xb9: {  	v9 =	vmul.f32 $8.000000000e+00, v13;
	[tilespmem:s28+$0x190] =	vst v0  }
0xba: {  	[tilespmem:s28+$0x1C0] =	vst v8;
	v7 =	vmul.f32 $8.000000000e+00, v15  }
0xbb: {  	[tilespmem:s28+$0x180] =	vst v9;
	v5 =	vmul.f32 $8.000000000e+00, v14  }
0xbc: {  	s29 =	sshll.u32 s24, $0xD;
	[tilespmem:s28+$0x170] =	vst v7  }
0xbd: {  	p0 =	seq.s32 s24, $0x18;
	[tilespmem:s28+$0x160] =	vst v5;
	s28 =	sadd.s32 s8, s29  }
0xbe: {  	[hbm4b:s28+s3] =	stream.linear.scatter [tilespmem:s12], [sflag:$0x6], $0x4000, $0x38;
	[tilespmem:$0x16400] =	vst v63  }
0xbf: {  	s28 =	sshll.u32 @!p0 s24, $0xA;
	_ =	swait.ge [sflag:s17], $0x4000  }
0xc0: {  	s30 =	simm.s32 @!p0 $0x100;
	s28 =	sand.u32 @!p0 $0x3FFFFC00, s28;
	[sflag:s17] =	ssyncset.done $0x0  }
0xc1: {  	s31 =	simm.s32 @!p0 $0x6400;
	s29 =	sadd.s32 @!p0 $0x400, s28;
	[sflag:s17] =	ssyncadd.s32 $0xFFFFC000  }
0xc2: {  	[tilespmem:s31], [sflag:$0x1] =	stream.indirect.gather @!p0 [hbm4b:s4+s30], $0x40, s29, s30, $0xb8;
	[tilespmem:$0x16400] =	vst v63  }
0xc3: {  	_ =	swait.ge [sflag:s18], $0x4000  }
0xc4: {  	[sflag:s18] =	ssyncset.done $0x0  }
0xc5: {  	s29 =	simm.s32 $0xE400;
	[sflag:s18] =	ssyncadd.s32 $0xFFFFC000  }
0xc6: {  	v0 =	vld [tilespmem:s29+$0x1A0]  }
0xc7: {  	v1 =	vld [tilespmem:s29+$0xA0]  }
0xc8: {  	v2 =	vld [tilespmem:s29+$0x90]  }
0xc9: {  	v3 =	vld [tilespmem:s29+$0x80]  }
0xca: {  	v4 =	vld [tilespmem:s29+$0xB0]  }
0xcb: {  	v5 =	vld [tilespmem:s29+$0x70]  }
0xcc: {  	v6 =	vld [tilespmem:s29+$0xC0]  }
0xcd: {  	v12 =	vld [tilespmem:s29+$0x60]  }
0xce: {  	v7 =	vld [tilespmem:s29+$0xD0]  }
0xcf: {  	v8 =	vld [tilespmem:s29+$0xE0]  }
0xd0: {  	v9 =	vld [tilespmem:s29+$0x1D0]  }
0xd1: {  	v10 =	vld [tilespmem:s29+$0x1E0]  }
0xd2: {  	v11 =	vld [tilespmem:s29+$0x0]  }
0xd3: {  	v13 =	vld [tilespmem:s29+$0xF0]  }
0xd4: {  	v14 =	vld [tilespmem:s29+$0x100];
	v0 =	vmul.f32 $8.000000000e+00, v0  }
0xd5: {  	v15 =	vld [tilespmem:s29+$0x110];
	v9 =	vmul.f32 $8.000000000e+00, v9  }
0xd6: {  	v16 =	vld [tilespmem:s29+$0x120];
	v17 =	vmul.f32 $8.000000000e+00, v8;
	[tilespmem:s29+$0x1A0] =	vst v0  }
0xd7: {  	v18 =	vld [tilespmem:s29+$0x30];
	v20 =	vmul.f32 $8.000000000e+00, v6;
	[tilespmem:s29+$0x1D0] =	vst v9  }
0xd8: {  	v21 =	vld [tilespmem:s29+$0x10];
	v0 =	vmul.f32 $8.000000000e+00, v10;
	[tilespmem:s29+$0xE0] =	vst v17  }
0xd9: {  	v10 =	vmul.f32 $8.000000000e+00, v11;
	v11 =	vld [tilespmem:s29+$0x130];
	[tilespmem:s29+$0xC0] =	vst v20  }
0xda: {  	v9 =	vmul.f32 $8.000000000e+00, v13;
	v13 =	vld [tilespmem:s29+$0x140];
	[tilespmem:s29+$0x1E0] =	vst v0  }
0xdb: {  	[tilespmem:s29+$0x0] =	vst v10;
	v0 =	vmul.f32 $8.000000000e+00, v14;
	v10 =	vld [tilespmem:s29+$0x150]  }
0xdc: {  	[tilespmem:s29+$0xF0] =	vst v9;
	v9 =	vmul.f32 $8.000000000e+00, v15;
	v14 =	vld [tilespmem:s29+$0x1F0]  }
0xdd: {  	v8 =	vmul.f32 $8.000000000e+00, v1;
	v15 =	vld [tilespmem:s29+$0x50];
	[tilespmem:s29+$0x100] =	vst v0;
	v0 =	vmul.f32 $8.000000000e+00, v16  }
0xde: {  	v19 =	vld [tilespmem:s29+$0x20];
	v6 =	vmul.f32 $8.000000000e+00, v12;
	[tilespmem:s29+$0x110] =	vst v9;
	v9 =	vmul.f32 $8.000000000e+00, v11  }
0xdf: {  	v22 =	vld [tilespmem:s29+$0x1B0];
	v1 =	vmul.f32 $8.000000000e+00, v21;
	[tilespmem:s29+$0x120] =	vst v0;
	v0 =	vmul.f32 $8.000000000e+00, v13  }
0xe0: {  	v16 =	vld [tilespmem:s29+$0x40];
	v13 =	vmul.f32 $8.000000000e+00, v7;
	[tilespmem:s29+$0x130] =	vst v9;
	v7 =	vmul.f32 $8.000000000e+00, v10  }
0xe1: {  	v11 =	vld [tilespmem:s29+$0x190];
	v9 =	vmul.f32 $8.000000000e+00, v2;
	v10 =	vmul.f32 $8.000000000e+00, v3;
	[tilespmem:s29+$0x140] =	vst v0  }
0xe2: {  	v12 =	vld [tilespmem:s29+$0x1C0];
	v3 =	vmul.f32 $8.000000000e+00, v15;
	v0 =	vmul.f32 $8.000000000e+00, v14;
	[tilespmem:s29+$0xD0] =	vst v13  }
0xe3: {  	v2 =	vmul.f32 $8.000000000e+00, v18;
	v14 =	vmul.f32 $8.000000000e+00, v4;
	v13 =	vld [tilespmem:s29+$0x180];
	[tilespmem:s29+$0x150] =	vst v7  }
0xe4: {  	v15 =	vld [tilespmem:s29+$0x170];
	v4 =	vmul.f32 $8.000000000e+00, v19;
	v7 =	vmul.f32 $8.000000000e+00, v5;
	[tilespmem:s29+$0x1F0] =	vst v0  }
0xe5: {  	s30 =	simm.s32 $0x0;
	s31 =	simm.s32 $0xE600;
	v5 =	vmul.f32 $8.000000000e+00, v22;
	v0 =	vmul.f32 $8.000000000e+00, v16;
	[tilespmem:s29+$0xB0] =	vst v14;
	v14 =	vld [tilespmem:s29+$0x160]  }
.LBB2_7:
0xe6: {  	v16 =	vld [tilespmem:s31+$0x1A0];
	s30 =	sadd.s32 $0x8, s30;
	[tilespmem:s29+$0xA0] =	vst v8;
	v8 =	vmul.f32 $8.000000000e+00, v11  }
0xe7: {  	v11 =	vld [tilespmem:s31+$0xA0];
	p1 =	slt.u32 s30, $0xF8;
	[tilespmem:s29+$0x90] =	vst v9;
	v9 =	vmul.f32 $8.000000000e+00, v12  }
0xe8: {  	v12 =	vld [tilespmem:s31+$0x90];
	[tilespmem:s29+$0x80] =	vst v10;
	v10 =	vmul.f32 $8.000000000e+00, v13  }
0xe9: {  	v13 =	vld [tilespmem:s31+$0x80];
	v15 =	vmul.f32 $8.000000000e+00, v15;
	[tilespmem:s29+$0x1C0] =	vst v9  }
0xea: {  	v9 =	vld [tilespmem:s31+$0xB0];
	[tilespmem:s29+$0x70] =	vst v7;
	v7 =	vmul.f32 $8.000000000e+00, v14  }
0xeb: {  	v14 =	vld [tilespmem:s31+$0x70];
	v16 =	vmul.f32 $8.000000000e+00, v16;
	[tilespmem:s29+$0x180] =	vst v10  }
0xec: {  	v10 =	vld [tilespmem:s31+$0xC0];
	[tilespmem:s29+$0x60] =	vst v6  }
0xed: {  	v6 =	vld [tilespmem:s31+$0x60];
	[tilespmem:s29+$0x170] =	vst v15  }
0xee: {  	v15 =	vld [tilespmem:s31+$0xD0];
	[tilespmem:s29+$0x50] =	vst v3  }
0xef: {  	v3 =	vld [tilespmem:s31+$0xE0];
	[tilespmem:s29+$0x160] =	vst v7  }
0xf0: {  	v7 =	vld [tilespmem:s31+$0x1D0];
	[tilespmem:s29+$0x40] =	vst v0  }
0xf1: {  	v0 =	vld [tilespmem:s31+$0x1E0];
	[tilespmem:s29+$0x30] =	vst v2  }
0xf2: {  	v2 =	vld [tilespmem:s31+$0x0];
	[tilespmem:s29+$0x20] =	vst v4  }
0xf3: {  	v4 =	vld [tilespmem:s31+$0xF0];
	[tilespmem:s29+$0x190] =	vst v8  }
0xf4: {  	v8 =	vld [tilespmem:s31+$0x100];
	[tilespmem:s29+$0x10] =	vst v1  }
0xf5: {  	v1 =	vld [tilespmem:s31+$0x110];
	v7 =	vmul.f32 $8.000000000e+00, v7;
	[tilespmem:s29+$0x1B0] =	vst v5;
	s29 =	smov.u32 s31  }
0xf6: {  	v5 =	vld [tilespmem:s31+$0x120];
	[tilespmem:s31+$0x1A0] =	vst v16;
	v0 =	vmul.f32 $8.000000000e+00, v0  }
0xf7: {  	v16 =	vmul.f32 $8.000000000e+00, v3;
	v2 =	vmul.f32 $8.000000000e+00, v2;
	v3 =	vld [tilespmem:s31+$0x130];
	[tilespmem:s31+$0x1D0] =	vst v7  }
0xf8: {  	v15 =	vmul.f32 $8.000000000e+00, v15;
	v4 =	vmul.f32 $8.000000000e+00, v4;
	v7 =	vld [tilespmem:s31+$0x140];
	[tilespmem:s31+$0x1E0] =	vst v0  }
0xf9: {  	v17 =	vmul.f32 $8.000000000e+00, v10;
	[tilespmem:s31+$0x0] =	vst v2;
	v0 =	vmul.f32 $8.000000000e+00, v8;
	v2 =	vld [tilespmem:s31+$0x150]  }
0xfa: {  	v18 =	vmul.f32 $8.000000000e+00, v9;
	[tilespmem:s31+$0xF0] =	vst v4;
	v1 =	vmul.f32 $8.000000000e+00, v1;
	v4 =	vld [tilespmem:s31+$0x1F0]  }
0xfb: {  	v8 =	vmul.f32 $8.000000000e+00, v11;
	v19 =	vld [tilespmem:s31+$0x50];
	[tilespmem:s31+$0x100] =	vst v0;
	v0 =	vmul.f32 $8.000000000e+00, v5  }
0xfc: {  	v9 =	vmul.f32 $8.000000000e+00, v12;
	v5 =	vld [tilespmem:s31+$0x40];
	[tilespmem:s31+$0x110] =	vst v1;
	v1 =	vmul.f32 $8.000000000e+00, v3  }
0xfd: {  	v10 =	vmul.f32 $8.000000000e+00, v13;
	v12 =	vld [tilespmem:s31+$0x30];
	[tilespmem:s31+$0x120] =	vst v0;
	v0 =	vmul.f32 $8.000000000e+00, v7  }
0xfe: {  	v7 =	vmul.f32 $8.000000000e+00, v14;
	v13 =	vld [tilespmem:s31+$0x20];
	[tilespmem:s31+$0x130] =	vst v1;
	v1 =	vmul.f32 $8.000000000e+00, v2  }
0xff: {  	v6 =	vmul.f32 $8.000000000e+00, v6;
	v14 =	vld [tilespmem:s31+$0x10];
	[tilespmem:s31+$0x140] =	vst v0;
	v2 =	vmul.f32 $8.000000000e+00, v4  }
0x100: {  	v3 =	vmul.f32 $8.000000000e+00, v19;
	[tilespmem:s31+$0x150] =	vst v1;
	v19 =	vld [tilespmem:s31+$0x1B0]  }
.Ltmp2:
0x101: {  	v0 =	vmul.f32 $8.000000000e+00, v5;
	v11 =	vld [tilespmem:s31+$0x190];
	[tilespmem:s31+$0x1F0] =	vst v2;
	(pc) =	sbr.rel @p1 .LBB2_7-.Ltmp2, $4  }
0x102: {  	v2 =	vmul.f32 $8.000000000e+00, v12;
	[tilespmem:s31+$0xE0] =	vst v16;
	v12 =	vld [tilespmem:s31+$0x1C0]  }
0x103: {  	v4 =	vmul.f32 $8.000000000e+00, v13;
	[tilespmem:s31+$0xD0] =	vst v15;
	v13 =	vld [tilespmem:s31+$0x180]  }
0x104: {  	v1 =	vmul.f32 $8.000000000e+00, v14;
	[tilespmem:s31+$0xC0] =	vst v17;
	v15 =	vld [tilespmem:s31+$0x170]  }
0x105: {  	s31 =	sadd.s32 $0x200, s31;
	[tilespmem:s29+$0xB0] =	vst v18;
	v14 =	vld [tilespmem:s29+$0x160];
	v5 =	vmul.f32 $8.000000000e+00, v19  }
0x106: {  	[tilespmem:s29+$0xA0] =	vst v8  }
0x107: {  	[tilespmem:s29+$0x90] =	vst v9  }
0x108: {  	[tilespmem:s29+$0x80] =	vst v10  }
0x109: {  	[tilespmem:s29+$0x70] =	vst v7  }
0x10a: {  	[tilespmem:s29+$0x60] =	vst v6  }
0x10b: {  	[tilespmem:s29+$0x50] =	vst v3  }
0x10c: {  	[tilespmem:s29+$0x40] =	vst v0  }
0x10d: {  	[tilespmem:s29+$0x30] =	vst v2  }
0x10e: {  	[tilespmem:s29+$0x20] =	vst v4  }
0x10f: {  	v0 =	vmul.f32 $8.000000000e+00, v11;
	[tilespmem:s29+$0x10] =	vst v1  }
0x110: {  	v8 =	vmul.f32 $8.000000000e+00, v12;
	[tilespmem:s29+$0x1B0] =	vst v5  }
0x111: {  	v9 =	vmul.f32 $8.000000000e+00, v13;
	[tilespmem:s29+$0x190] =	vst v0  }
0x112: {  	s25 =	sshll.u32 s25, $0xE;
	[tilespmem:s29+$0x1C0] =	vst v8;
	v7 =	vmul.f32 $8.000000000e+00, v15  }
0x113: {  	s25 =	sadd.s32 s6, s25;
	[tilespmem:s29+$0x180] =	vst v9;
	v6 =	vmul.f32 $8.000000000e+00, v14  }
0x114: {  	s25 =	sshrl.u32 s25, $0x3;
	[tilespmem:s29+$0x170] =	vst v7  }
0x115: {  	s25 =	sadd.s32 s2, s25;
	[tilespmem:s29+$0x160] =	vst v6  }
0x116: {  	[hbm4b:s25+s3] =	stream.linear.scatter [tilespmem:s13], [sflag:$0x7], $0x4000, $0x38;
	[tilespmem:$0x16400] =	vst v63  }
0x117: {  	_ =	swait.ge [sflag:s19], $0x4000  }
0x118: {  	s29 =	simm.s32 @!p0 $0xA400;
	[sflag:s19] =	ssyncset.done $0x0  }
0x119: {  	s25 =	sadd.s32 @!p0 $0x500, s28;
	s28 =	simm.s32 @!p0 $0x100;
	[sflag:s19] =	ssyncadd.s32 $0xFFFFC000  }
0x11a: {  	[tilespmem:s29], [sflag:$0x2] =	stream.indirect.gather @!p0 [hbm4b:s4+s28], $0x40, s25, s28, $0xb8;
	[tilespmem:$0x16400] =	vst v63  }
0x11b: {  	_ =	swait.ge [sflag:s20], $0x4000  }
0x11c: {  	[sflag:s20] =	ssyncset.done $0x0  }
0x11d: {  	s25 =	simm.s32 $0x12400;
	[sflag:s20] =	ssyncadd.s32 $0xFFFFC000  }
0x11e: {  	v0 =	vld [tilespmem:s25+$0x1A0]  }
0x11f: {  	v1 =	vld [tilespmem:s25+$0xA0]  }
0x120: {  	v2 =	vld [tilespmem:s25+$0x90]  }
0x121: {  	v3 =	vld [tilespmem:s25+$0x80]  }
0x122: {  	v4 =	vld [tilespmem:s25+$0xB0]  }
0x123: {  	v5 =	vld [tilespmem:s25+$0x70]  }
0x124: {  	v6 =	vld [tilespmem:s25+$0xC0]  }
0x125: {  	v12 =	vld [tilespmem:s25+$0x60]  }
0x126: {  	v7 =	vld [tilespmem:s25+$0xD0]  }
0x127: {  	v8 =	vld [tilespmem:s25+$0xE0]  }
0x128: {  	v9 =	vld [tilespmem:s25+$0x1D0]  }
0x129: {  	v10 =	vld [tilespmem:s25+$0x1E0]  }
0x12a: {  	v11 =	vld [tilespmem:s25+$0x0]  }
0x12b: {  	v13 =	vld [tilespmem:s25+$0xF0]  }
0x12c: {  	v14 =	vld [tilespmem:s25+$0x100];
	v0 =	vmul.f32 $8.000000000e+00, v0  }
0x12d: {  	v15 =	vld [tilespmem:s25+$0x110];
	v9 =	vmul.f32 $8.000000000e+00, v9  }
0x12e: {  	v16 =	vld [tilespmem:s25+$0x120];
	v17 =	vmul.f32 $8.000000000e+00, v8;
	[tilespmem:s25+$0x1A0] =	vst v0  }
0x12f: {  	v18 =	vld [tilespmem:s25+$0x30];
	v20 =	vmul.f32 $8.000000000e+00, v6;
	[tilespmem:s25+$0x1D0] =	vst v9  }
0x130: {  	v21 =	vld [tilespmem:s25+$0x10];
	v0 =	vmul.f32 $8.000000000e+00, v10;
	[tilespmem:s25+$0xE0] =	vst v17  }
0x131: {  	v10 =	vmul.f32 $8.000000000e+00, v11;
	v11 =	vld [tilespmem:s25+$0x130];
	[tilespmem:s25+$0xC0] =	vst v20  }
0x132: {  	v9 =	vmul.f32 $8.000000000e+00, v13;
	v13 =	vld [tilespmem:s25+$0x140];
	[tilespmem:s25+$0x1E0] =	vst v0  }
0x133: {  	[tilespmem:s25+$0x0] =	vst v10;
	v0 =	vmul.f32 $8.000000000e+00, v14;
	v10 =	vld [tilespmem:s25+$0x150]  }
0x134: {  	[tilespmem:s25+$0xF0] =	vst v9;
	v9 =	vmul.f32 $8.000000000e+00, v15;
	v14 =	vld [tilespmem:s25+$0x1F0]  }
0x135: {  	v8 =	vmul.f32 $8.000000000e+00, v1;
	v15 =	vld [tilespmem:s25+$0x50];
	[tilespmem:s25+$0x100] =	vst v0;
	v0 =	vmul.f32 $8.000000000e+00, v16  }
0x136: {  	v19 =	vld [tilespmem:s25+$0x20];
	v6 =	vmul.f32 $8.000000000e+00, v12;
	[tilespmem:s25+$0x110] =	vst v9;
	v9 =	vmul.f32 $8.000000000e+00, v11  }
0x137: {  	v22 =	vld [tilespmem:s25+$0x1B0];
	v1 =	vmul.f32 $8.000000000e+00, v21;
	[tilespmem:s25+$0x120] =	vst v0;
	v0 =	vmul.f32 $8.000000000e+00, v13  }
0x138: {  	v16 =	vld [tilespmem:s25+$0x40];
	v13 =	vmul.f32 $8.000000000e+00, v7;
	[tilespmem:s25+$0x130] =	vst v9;
	v7 =	vmul.f32 $8.000000000e+00, v10  }
0x139: {  	v11 =	vld [tilespmem:s25+$0x190];
	v9 =	vmul.f32 $8.000000000e+00, v2;
	v10 =	vmul.f32 $8.000000000e+00, v3;
	[tilespmem:s25+$0x140] =	vst v0  }
0x13a: {  	v12 =	vld [tilespmem:s25+$0x1C0];
	v3 =	vmul.f32 $8.000000000e+00, v15;
	v0 =	vmul.f32 $8.000000000e+00, v14;
	[tilespmem:s25+$0xD0] =	vst v13  }
0x13b: {  	v2 =	vmul.f32 $8.000000000e+00, v18;
	v14 =	vmul.f32 $8.000000000e+00, v4;
	v13 =	vld [tilespmem:s25+$0x180];
	[tilespmem:s25+$0x150] =	vst v7  }
0x13c: {  	v15 =	vld [tilespmem:s25+$0x170];
	v4 =	vmul.f32 $8.000000000e+00, v19;
	v7 =	vmul.f32 $8.000000000e+00, v5;
	[tilespmem:s25+$0x1F0] =	vst v0  }
0x13d: {  	s28 =	simm.s32 $0x0;
	s29 =	simm.s32 $0x12600;
	v5 =	vmul.f32 $8.000000000e+00, v22;
	v0 =	vmul.f32 $8.000000000e+00, v16;
	[tilespmem:s25+$0xB0] =	vst v14;
	v14 =	vld [tilespmem:s25+$0x160]  }
.LBB2_9:
0x13e: {  	v16 =	vld [tilespmem:s29+$0x1A0];
	s28 =	sadd.s32 $0x8, s28;
	[tilespmem:s25+$0xA0] =	vst v8;
	v8 =	vmul.f32 $8.000000000e+00, v11  }
0x13f: {  	v11 =	vld [tilespmem:s29+$0xA0];
	p0 =	slt.u32 s28, $0xF8;
	[tilespmem:s25+$0x90] =	vst v9;
	v9 =	vmul.f32 $8.000000000e+00, v12  }
0x140: {  	v12 =	vld [tilespmem:s29+$0x90];
	[tilespmem:s25+$0x80] =	vst v10;
	v10 =	vmul.f32 $8.000000000e+00, v13  }
0x141: {  	v13 =	vld [tilespmem:s29+$0x80];
	v15 =	vmul.f32 $8.000000000e+00, v15;
	[tilespmem:s25+$0x1C0] =	vst v9  }
0x142: {  	v9 =	vld [tilespmem:s29+$0xB0];
	[tilespmem:s25+$0x70] =	vst v7;
	v7 =	vmul.f32 $8.000000000e+00, v14  }
0x143: {  	v14 =	vld [tilespmem:s29+$0x70];
	v16 =	vmul.f32 $8.000000000e+00, v16;
	[tilespmem:s25+$0x180] =	vst v10  }
0x144: {  	v10 =	vld [tilespmem:s29+$0xC0];
	[tilespmem:s25+$0x60] =	vst v6  }
0x145: {  	v6 =	vld [tilespmem:s29+$0x60];
	[tilespmem:s25+$0x170] =	vst v15  }
0x146: {  	v15 =	vld [tilespmem:s29+$0xD0];
	[tilespmem:s25+$0x50] =	vst v3  }
0x147: {  	v3 =	vld [tilespmem:s29+$0xE0];
	[tilespmem:s25+$0x160] =	vst v7  }
0x148: {  	v7 =	vld [tilespmem:s29+$0x1D0];
	[tilespmem:s25+$0x40] =	vst v0  }
0x149: {  	v0 =	vld [tilespmem:s29+$0x1E0];
	[tilespmem:s25+$0x30] =	vst v2  }
0x14a: {  	v2 =	vld [tilespmem:s29+$0x0];
	[tilespmem:s25+$0x20] =	vst v4  }
0x14b: {  	v4 =	vld [tilespmem:s29+$0xF0];
	[tilespmem:s25+$0x190] =	vst v8  }
0x14c: {  	v8 =	vld [tilespmem:s29+$0x100];
	[tilespmem:s25+$0x10] =	vst v1  }
0x14d: {  	v1 =	vld [tilespmem:s29+$0x110];
	v7 =	vmul.f32 $8.000000000e+00, v7;
	[tilespmem:s25+$0x1B0] =	vst v5;
	s25 =	smov.u32 s29  }
0x14e: {  	v5 =	vld [tilespmem:s29+$0x120];
	[tilespmem:s29+$0x1A0] =	vst v16;
	v0 =	vmul.f32 $8.000000000e+00, v0  }
0x14f: {  	v16 =	vmul.f32 $8.000000000e+00, v3;
	v2 =	vmul.f32 $8.000000000e+00, v2;
	v3 =	vld [tilespmem:s29+$0x130];
	[tilespmem:s29+$0x1D0] =	vst v7  }
0x150: {  	v15 =	vmul.f32 $8.000000000e+00, v15;
	v4 =	vmul.f32 $8.000000000e+00, v4;
	v7 =	vld [tilespmem:s29+$0x140];
	[tilespmem:s29+$0x1E0] =	vst v0  }
0x151: {  	v17 =	vmul.f32 $8.000000000e+00, v10;
	[tilespmem:s29+$0x0] =	vst v2;
	v0 =	vmul.f32 $8.000000000e+00, v8;
	v2 =	vld [tilespmem:s29+$0x150]  }
0x152: {  	v18 =	vmul.f32 $8.000000000e+00, v9;
	[tilespmem:s29+$0xF0] =	vst v4;
	v1 =	vmul.f32 $8.000000000e+00, v1;
	v4 =	vld [tilespmem:s29+$0x1F0]  }
0x153: {  	v8 =	vmul.f32 $8.000000000e+00, v11;
	v19 =	vld [tilespmem:s29+$0x50];
	[tilespmem:s29+$0x100] =	vst v0;
	v0 =	vmul.f32 $8.000000000e+00, v5  }
0x154: {  	v9 =	vmul.f32 $8.000000000e+00, v12;
	v5 =	vld [tilespmem:s29+$0x40];
	[tilespmem:s29+$0x110] =	vst v1;
	v1 =	vmul.f32 $8.000000000e+00, v3  }
0x155: {  	v10 =	vmul.f32 $8.000000000e+00, v13;
	v12 =	vld [tilespmem:s29+$0x30];
	[tilespmem:s29+$0x120] =	vst v0;
	v0 =	vmul.f32 $8.000000000e+00, v7  }
0x156: {  	v7 =	vmul.f32 $8.000000000e+00, v14;
	v13 =	vld [tilespmem:s29+$0x20];
	[tilespmem:s29+$0x130] =	vst v1;
	v1 =	vmul.f32 $8.000000000e+00, v2  }
0x157: {  	v6 =	vmul.f32 $8.000000000e+00, v6;
	v14 =	vld [tilespmem:s29+$0x10];
	[tilespmem:s29+$0x140] =	vst v0;
	v2 =	vmul.f32 $8.000000000e+00, v4  }
0x158: {  	v3 =	vmul.f32 $8.000000000e+00, v19;
	[tilespmem:s29+$0x150] =	vst v1;
	v19 =	vld [tilespmem:s29+$0x1B0]  }
.Ltmp3:
0x159: {  	v0 =	vmul.f32 $8.000000000e+00, v5;
	v11 =	vld [tilespmem:s29+$0x190];
	[tilespmem:s29+$0x1F0] =	vst v2;
	(pc) =	sbr.rel @p0 .LBB2_9-.Ltmp3, $4  }
0x15a: {  	v2 =	vmul.f32 $8.000000000e+00, v12;
	[tilespmem:s29+$0xE0] =	vst v16;
	v12 =	vld [tilespmem:s29+$0x1C0]  }
0x15b: {  	v4 =	vmul.f32 $8.000000000e+00, v13;
	[tilespmem:s29+$0xD0] =	vst v15;
	v13 =	vld [tilespmem:s29+$0x180]  }
0x15c: {  	v1 =	vmul.f32 $8.000000000e+00, v14;
	[tilespmem:s29+$0xC0] =	vst v17;
	v15 =	vld [tilespmem:s29+$0x170]  }
0x15d: {  	s29 =	sadd.s32 $0x200, s29;
	[tilespmem:s25+$0xB0] =	vst v18;
	v14 =	vld [tilespmem:s25+$0x160];
	v5 =	vmul.f32 $8.000000000e+00, v19  }
0x15e: {  	[tilespmem:s25+$0xA0] =	vst v8  }
0x15f: {  	[tilespmem:s25+$0x90] =	vst v9  }
0x160: {  	[tilespmem:s25+$0x80] =	vst v10  }
0x161: {  	[tilespmem:s25+$0x70] =	vst v7  }
0x162: {  	[tilespmem:s25+$0x60] =	vst v6  }
0x163: {  	[tilespmem:s25+$0x50] =	vst v3  }
0x164: {  	[tilespmem:s25+$0x40] =	vst v0  }
0x165: {  	[tilespmem:s25+$0x30] =	vst v2  }
0x166: {  	[tilespmem:s25+$0x20] =	vst v4  }
0x167: {  	v63 =	vmul.f32 $8.000000000e+00, v11;
	[tilespmem:s25+$0x10] =	vst v1  }
0x168: {  	s24 =	sadd.s32 $0x1, s24;
	v59 =	vmul.f32 $8.000000000e+00, v12;
	[tilespmem:s25+$0x1B0] =	vst v5  }
0x169: {  	p0 =	sne.s32 s24, $0x19;
	v60 =	vmul.f32 $8.000000000e+00, v13;
	[tilespmem:s25+$0x190] =	vst v63  }
.Ltmp4:
0x16a: {  	s26 =	sshll.u32 s26, $0xE;
	[tilespmem:s25+$0x1C0] =	vst v59;
	v61 =	vmul.f32 $8.000000000e+00, v15;
	(pc) =	sbr.rel @p0 .LBB2_2-.Ltmp4, $4  }
0x16b: {  	s26 =	sadd.s32 s6, s26;
	[tilespmem:s25+$0x180] =	vst v60;
	v62 =	vmul.f32 $8.000000000e+00, v14  }
0x16c: {  	s26 =	sshrl.u32 s26, $0x3;
	[tilespmem:s25+$0x170] =	vst v61  }
0x16d: {  	s31 =	sadd.s32 s2, s26;
	[tilespmem:s25+$0x160] =	vst v62  }
0x16e: {  	[hbm4b:s31+s3] =	stream.linear.scatter [tilespmem:s15], [sflag:$0x8], $0x4000, $0x38;
	[tilespmem:$0x16400] =	vst v63  }
0x16f: {  	s23 =	sadd.s32 $0x1, s23  }
0x170: {  	_ =	swait.ge [sflag:s21], $0x4000;
	p0 =	sne.s32 s23, s7  }
.Ltmp5:
0x171: {  	[sflag:s21] =	ssyncset.done $0x0;
	(pc) =	sbr.rel @p0 .LBB2_1-.Ltmp5, $4  }
0x172: {  	[sflag:s21] =	ssyncadd.s32 $0xFFFFC000  }
0x173: {  	_ =	swait.ge [sflag:s22], $0x4000  }
0x174: {  	[sflag:s22] =	ssyncset.done $0x0  }
0x175: {  	[sflag:s22] =	ssyncadd.s32 $0xFFFFC000  }
0x176: {  	_ =	sfence.sel $0x180000  }
0x177: {  	[bflag:$0x0] =	sbarrier.arrive $0xFFFF  }
0x178: {  	p0 =	sne.s32 s0, $0x0;
	_ =	strace $0x90000047  }
0x179: {  	s0 =	sadd.s32 @!p0 $0x100000, s1;
	[bflag:$0x2] =	sbarrier.arrive $0xFFFF  }
0x17a: {  	[sflag:s0] =	ssyncadd.tile.s32 @!p0 $0x1;
	_ =	shalt  }
.Lfunc_end2:
_tile_overlayer_lowered:
.L_overlay_start_2:
0x17b: {  	(tag) =	ssettag $0x2  }
0x17c: {  	s0 =	rddreg [dreg:$0x0];
	s2 =	stileid.u32  }
0x17d: {  	s1 =	rddreg [dreg:$0x1];
	p0 =	sne.s32 s2, $0x0  }
0x17e: {  	s3 =	rddreg [dreg:$0x2];
	[bflag:$0x3] =	sbarrier.arrive $0xFFFF;
	s2 =	simm.s32 @!p0 $0x1C09  }
0x17f: {  	[timem:s3], [sflag:s2] =	dma.local @!p0 [hbm:s0], s1  }
0x180: {  	s0 =	simm.s32 @!p0 $0x9  }
0x181: {  	_ =	swait.ge @!p0 [sflag:s0], s1  }
0x182: {  	s1 =	ssub.s32 @!p0 $0x0, s1;
	[sflag:s0] =	ssyncset.done @!p0 $0x0  }
0x183: {  	[sflag:s0] =	ssyncadd.s32 @!p0 s1  }
0x184: {  	[bflag:$0x3] =	sbarrier.arrive $0xFFFF  }
0x185: {  	_ =	shalt  }

// kernel: sparse-core-data-format-call.cloned.1.call-start
scs
called_computation_lowered:
.L_overlay_start_0:
0x0: {  	s2 =	sld [smem:$0x3FD9]  }
0x1: {  	s3 =	sld [smem:$0x3FFE];
	_ =	sdelay $0x1  }
0x2: {  	s1 =	srdreg.scid  }
0x3: {  	s0 =	sand.u32 $0x1, s1  }
0x4: {  	s18 =	sshll.u32 s0, $0xA;
	s2 =	sadd.s32 s3, s2  }
0x5: {  	s2 =	sadd.s32 s2, s18  }
0x6: {  	[smem:$0x3FC6] =	sst s2  }
0x7: {  	_ = 	snop  }
0x8: {  	s2 =	sld [smem:$0x3FD0];
	(tm) =	ssettm $0x1  }
0x9: {  	s19 =	sld [smem:$0x3FFB];
	_ =	sdelay $0x3  }
0xa: {  	_ =	strace s19  }
0xb: {  	s3 =	sld [smem:$0x3FFC];
	_ =	sdelay $0x3  }
0xc: {  	_ =	strace s3  }
0xd: {  	s3 =	sld [smem:$0x3FFD];
	_ =	sdelay $0x3  }
0xe: {  	_ =	strace s3  }
0xf: {  	_ =	strace $0x8FFFFFFF  }
0x10: {  	s20 =	sld [smem:$0x3FDB];
	_ =	sdelay $0x1  }
0x11: {  	s4 =	simm.s32 $_scs_section_size  }
0x12: {  	s5 =	simm.s32 $_size__tile_overlayer_lowered;
	s6 =	simm.s32 $_tile_overlayer_lowered  }
0x13: {  	s23 =	simm.s32 $0x1BFF;
	s22 =	sshll.u32 s6, $0x1;
	s3 =	sadd.s32 s4, s20  }
0x14: {  	s7 =	simm.s32 $0x0;
	s21 =	sshll.u32 s5, $0x1;
	s5 =	sadd.s32 s22, s3  }
0x15: {  	[timem:s7], [sflag:s23] =	dma.local [hbm:s5], s21  }
0x16: {  	_ =	swait.ge [sflag:s23], s21  }
0x17: {  	s4 =	ssub.s32 $0x0, s21;
	[sflag:s23] =	ssyncset.done $0x0  }
0x18: {  	[sflag:s23] =	ssyncadd.s32 s4;
	_ =	sdelay $0x1  }
0x19: {  	s24 =	simm.s32 $0x1B8B  }
0x1a: {  	_ =	swait.ge [sflag:s24], $0x1  }
0x1b: {  	[sflag:s24] =	ssyncset.done $0x0  }
0x1c: {  	s26 =	simm.s32 $0x1B8E;
	s25 =	sld [smem:$0x3FFE];
	[sflag:s24] =	ssyncadd.s32 $0xFFFFFFFF  }
0x1d: {  	s27 =	simm.s32 $execute0_lowered;
	[smem:$0x3FD2] =	sst s26  }
0x1e: {  	s5 =	sshll.u32 s27, $0x1;
	_ =	strace $0x80000049;
	[dreg:$0x1] =	wrdreg $0xFFFFFFFF  }
0x1f: {  	s28 =	simm.s32 $_size_execute0_lowered;
	s3 =	sadd.s32 s3, s5;
	[dreg:$0x0] =	wrdreg $0x0  }
0x20: {  	s5 =	sshll.u32 s28, $0x1;
	[dreg:$0x2] =	wrdreg s3  }
0x21: {  	[dreg:$0x3] =	wrdreg s5  }
0x22: {  	[dreg:$0x4] =	wrdreg $0xC0  }
0x23: {  	_ =	task [dreg:s7], $0x5FFFF  }
0x24: {  	[dreg:$0x1] =	wrdreg $0xFFFFFFFF  }
0x25: {  	[dreg:$0x0] =	wrdreg $0x60  }
0x26: {  	[dreg:$0x2] =	wrdreg s25  }
0x27: {  	[dreg:$0x3] =	wrdreg s2  }
0x28: {  	[dreg:$0x4] =	wrdreg $0x9  }
0x29: {  	_ =	task.clear_ibuf [dreg:s7], $0x5FFFF;
	_ =	strace $0x90000049  }
0x2a: {  	s29 =	simm.s32 $0x9;
	_ =	strace $0x8000004B  }
0x2b: {  	_ =	swait.ge [sflag:s29], $0x1  }
0x2c: {  	[sflag:s29] =	ssyncadd.s32 $0xFFFFFFFF  }
0x2d: {  	_ =	strace $0x9000004B  }
0x2e: {  	_ =	sfence  }
0x2f: {  	s30 =	sld [smem:$0x0];
	_ =	sdelay $0x2  }
0x30: {  	s31 =	sshll.u32 s1, $0xD;
	s1 =	sshrl.u32 s1, $0x2  }
0x31: {  	s3 =	sand.u32 $0x4000, s31;
	s1 =	sadd.s32 s1, s30  }
0x32: {  	s0 =	sor.u32 s3, s0;
	s1 =	sshll.u32 s1, $0x11  }
0x33: {  	s0 =	sor.u32 s1, s0  }
0x34: {  	s0 =	sadd.s32 $0x8F2B, s0  }
0x35: {  	[sflag:s0] =	ssyncadd.remote.s32 $0x1  }
0x36: {  	_ =	sfence.sel $0xFFFF  }
0x37: {  	[dreg:$0x0] =	wrdreg $0xFFFFFFFF;
	(pc) =	sbr.abs _section_cstart, $3  }
0x38: {  	[dreg:$0x1] =	wrdreg $0xFFFFFFFF  }
0x39: {  	_ =	task.clear_ibuf [dreg:s7], $0x2FFFF;
	_ =	strace $0x9FFFFFFF  }
0x3a: {  	(tm) =	ssettm $0x7FFFFFFF  }
0x3b: {  	_ =	shalt  }
tec
execute0_lowered:
.L_overlay_start_1:
0x0: {  	(tag) =	ssettag $0x1  }
0x1: {  	s0 =	srdreg.scid  }
0x2: {  	s1 =	sshll.u32 s0, $0x4  }
0x3: {  	s0 =	stileid.u32;
	s1 =	sand.u32 $0x10, s1  }
0x4: {  	s1 =	sor.u32 s0, s1  }
0x5: {  	s6 =	rddreg [dreg:$0x0];
	s4 =	simm.s32 $0x1;
	s2 =	sshll.u32 s1, $0x7  }
0x6: {  	s7 =	simm.s32 $0x2;
	s12 =	simm.s32 $0x0;
	s1 =	ssub.s32 $0x1000, s2  }
0x7: {  	s8 =	simm.s32 $0x8000;
	s13 =	simm.s32 $0x0;
	s3 =	sand.u32 $0xF80, s1  }
0x8: {  	s9 =	simm.s32 $0x0;
	s5 =	sshrl.u32 s1, $0xC;
	p0 =	sne.s32 s3, $0x0  }
.Ltmp0:
0x9: {  	s1 =	rddreg [dreg:$0x2];
	s4 =	simm.s32 @!p0 $0x0;
	(pc) =	sbr.rel .LBB1_1-.Ltmp0, $4  }
0xa: {  	s11 =	simm.s32 $0x0;
	s3 =	rddreg [dreg:$0x1];
	s5 =	sadd.s32 s4, s5  }
0xb: {  	_ =	strace $0x8000004A;
	s4 =	simm.s32 $0x1;
	s5 =	smul.u32 $0xC8, s5  }
0xc: {  	s6 =	sadd.s32 $0xA00, s6;
	s10 =	smov.u32 s2;
	[sflag:s4] =	ssyncpa.u1 $0x0  }
0xd: {  	p0 =	por $0x0, $0x0;
	[sflag:s7] =	ssyncpa.u1 $0x0;
	s7 =	sor.u32 $0x1, s5  }
.LBB1_4:
0xe: {  	s16 =	sshll.u32 s13, $0x3;
	s17 =	sand.u32 $0x78, s13  }
0xf: {  	s30 =	sand.u32 $0x7E00, s13;
	s12 =	sshll.u32 s12, $0xF;
	s16 =	sand.u32 $0xC00, s16  }
0x10: {  	[tilespmem:s15+$0x810 ss:$0x81] =	vst.msk $0xffff, v2;
	s31 =	sand.u32 $0x7, s13;
	s16 =	sor.u32 s17, s16;
	s17 =	sadd.s32 s3, s30  }
0x11: {  	[tilespmem:s15+$0x1020 ss:$0x81] =	vst.msk $0xffff, v0;
	s13 =	sshll.u32 s31, $0x12;
	s12 =	sadd.s32 s12, s17;
	s16 =	sshrl.u32 s16, $0x3  }
0x12: {  	[tilespmem:s15+$0x0 ss:$0x81] =	vst.msk $0xffff, v1;
	s13 =	sor.u32 $0x400, s13;
	s12 =	sadd.s32 s16, s12  }
0x13: {  	[hbm4b:s12+s13] =	stream.strided.scatter [tilespmem:s14], [sflag:$0x2], $0x2000, s8, s13, $0x20;
	[tilespmem:$0x8080] =	vst v63  }
.LBB1_5:
0x14: {  	s14 =	sadd.s32 $0x1, s9  }
0x15: {  	s12 =	sadd.s32 $0x1000, s10;
	s16 =	smov.u32 s10;
	p2 =	sgt.s32 s14, $0xC7  }
0x16: {  	s16 =	smov.u32 @p2 s12  }
0x17: {  	s14 =	simm.s32 @p2 $0x0;
	p2 =	sgt.s32 s16, $0xFFF  }
0x18: {  	s16 =	smov.u32 @p2 s2;
	p2 =	sne.s32 s11, s7  }
.Ltmp1:
0x19: {  	p1 =	slt.u32 s11, $0x2;
	(pc) =	sbr.rel @!p2 .LBB1_6-.Ltmp1, $4  }
0x1a: {  	s15 =	simm.s32 @!p1 $0x2  }
0x1b: {  	s13 =	smov.u32 s10;
	p0 =	por !p0, !p0;
	_ =	swait.ge @!p1 [sflag:s15], $0x2000  }
0x1c: {  	s12 =	smov.u32 s9;
	[sflag:s15] =	ssyncset.done @!p1 $0x0;
	s9 =	smov.u32 s14  }
0x1d: {  	s11 =	sadd.s32 $0x1, s11;
	[sflag:s15] =	ssyncadd.s32 @!p1 $0xFFFFE000;
	s10 =	smov.u32 s16  }
.LBB1_1:
0x1e: {  	p1 =	sge.u32 s11, s5  }
0x1f: {  	s14 =	sand.u32 @!p1 $0x1FFFFFF, s9  }
0x20: {  	s15 =	smulhi.u32 @!p1 $0x147AE15, s14;
	_ =	sdelay $0x1  }
0x21: {  	s15 =	smul.u32 @!p1 $0xC8, s15  }
0x22: {  	s16 =	sxor.u32 @!p1 $0xFFFFFFFF, s11;
	s17 =	smul.u32 @!p1 $0xC80, s10  }
0x23: {  	s31 =	sadd.s32 $0xFFFFFFFF, s11;
	s16 =	sshll.u32 @!p1 s16, $0xD;
	s14 =	ssub.s32 @!p1 s14, s15  }
0x24: {  	s15 =	sand.u32 @!p1 $0x2000, s16;
	s16 =	sadd.s32 @!p1 s6, s17;
	s14 =	sshll.u32 @!p1 s14, $0x4  }
0x25: {  	s17 =	simm.s32 @!p1 $0x6400;
	s14 =	sadd.s32 @!p1 s14, s16;
	s16 =	simm.s32 @!p1 $0x40  }
0x26: {  	[tilespmem:s15], [sflag:$0x1] =	stream.strided.gather @!p1 [hbm4b:s14+s16], $0x2000, s17, s16, $0x38;
	[tilespmem:$0x8080] =	vst v63  }
0x27: {  	p1 =	sge.u32 s31, s5  }
.Ltmp2:
0x28: {  	_ = 	snop;
	(pc) =	sbr.rel @p1 .LBB1_5-.Ltmp2, $1  }
0x29: {  	_ =	sdelay $0x3  }
0x2a: {  	s14 =	simm.s32 $0x1  }
0x2b: {  	_ =	swait.ge [sflag:s4], $0x2000;
	s14 =	simm.s32 @!p0 $0x0  }
0x2c: {  	[sflag:s4] =	ssyncset.done $0x0;
	s15 =	sshll.u32 s14, $0xD  }
0x2d: {  	[sflag:s4] =	ssyncadd.s32 $0xFFFFE000;
	s18 =	sor.u32 $0x20, s15  }
0x2e: {  	s14 =	smul.u32 $0x8100, s14;
	v3 =	vld [tilespmem:s18+$0x10]  }
0x2f: {  	s30 =	sand.u32 $0x1, s11;
	v2 =	vld [tilespmem:s18+$0xFFFFFFF0]  }
0x30: {  	s15 =	smul.u32 $0x8100, s30;
	s14 =	sshrl.u32 s14, $0x2;
	v0 =	vld [tilespmem:s18+$0x0]  }
0x31: {  	v1 =	vld [tilespmem:s18+$0xFFFFFFE0];
	s16 =	sor.u32 $0x4000, s14  }
0x32: {  	s31 =	sshrl.u32 s15, $0x2;
	s15 =	sadd.s32 $0x0, s16  }
0x33: {  	s17 =	simm.s32 $0x4;
	s18 =	sadd.s32 $0x40, s18;
	s14 =	sor.u32 $0x4000, s31;
	[tilespmem:s15+$0x1830 ss:$0x81] =	vst.msk $0xffff, v3  }
.LBB1_3:
0x34: {  	v3 =	vld [tilespmem:s18+$0x10];
	p1 =	sne.s32 s17, $0x1FC;
	[tilespmem:s15+$0x810 ss:$0x81] =	vst.msk $0xffff, v2;
	s19 =	smov.u32 s17;
	s17 =	sadd.s32 $0x4, s17  }
.Ltmp3:
0x35: {  	v2 =	vld [tilespmem:s18+$0xFFFFFFF0];
	[tilespmem:s15+$0x1020 ss:$0x81] =	vst.msk $0xffff, v0;
	(pc) =	sbr.rel @p1 .LBB1_3-.Ltmp3, $4  }
0x36: {  	v0 =	vld [tilespmem:s18+$0x0];
	[tilespmem:s15+$0x0 ss:$0x81] =	vst.msk $0xffff, v1  }
0x37: {  	s15 =	sshra.s32 s19, $0x2;
	v1 =	vld [tilespmem:s18+$0xFFFFFFE0]  }
0x38: {  	s15 =	sadd.s32 s15, s16  }
0x39: {  	s18 =	sadd.s32 $0x40, s18;
	[tilespmem:s15+$0x1830 ss:$0x81] =	vst.msk $0xffff, v3  }
.Ltmp4:
0x3a: {  	_ = 	snop;
	(pc) =	sbr.rel .LBB1_4-.Ltmp4, $1  }
0x3b: {  	_ =	sdelay $0x3  }
.LBB1_6:
0x3c: {  	_ =	sfence.sel $0x180000  }
0x3d: {  	s2 =	simm.s32 $0x1;
	[bflag:$0x0] =	sbarrier.arrive $0xFFFF  }
0x3e: {  	s31 =	simm.s32 $0x2;
	[sflag:s2] =	ssyncpa.u1 $0x1  }
0x3f: {  	[sflag:s31] =	ssyncpa.u1 $0x1  }
0x40: {  	p0 =	sne.s32 s0, $0x0;
	_ =	strace $0x9000004A  }
0x41: {  	s0 =	sadd.s32 @!p0 $0x100000, s1;
	[bflag:$0x2] =	sbarrier.arrive $0xFFFF  }
0x42: {  	[sflag:s0] =	ssyncadd.tile.s32 @!p0 $0x1;
	_ =	shalt  }
.Lfunc_end1:
_tile_overlayer_lowered:
.L_overlay_start_2:
0x43: {  	(tag) =	ssettag $0x2  }
0x44: {  	s0 =	rddreg [dreg:$0x0];
	s2 =	stileid.u32  }
0x45: {  	s1 =	rddreg [dreg:$0x1];
	p0 =	sne.s32 s2, $0x0  }
0x46: {  	s3 =	rddreg [dreg:$0x2];
	[bflag:$0x3] =	sbarrier.arrive $0xFFFF;
	s2 =	simm.s32 @!p0 $0x1C01  }
0x47: {  	[timem:s3], [sflag:s2] =	dma.local @!p0 [hbm:s0], s1  }
0x48: {  	s0 =	simm.s32 @!p0 $0x1  }
0x49: {  	_ =	swait.ge @!p0 [sflag:s0], s1  }
0x4a: {  	s1 =	ssub.s32 @!p0 $0x0, s1;
	[sflag:s0] =	ssyncset.done @!p0 $0x0  }
0x4b: {  	[sflag:s0] =	ssyncadd.s32 @!p0 s1  }
0x4c: {  	[bflag:$0x3] =	sbarrier.arrive $0xFFFF  }
0x4d: {  	_ =	shalt  }

</sc_bundles>
